<compile_context>
chip_gen: v7x
topology: tpu7x:2x2x1
jax: 0.10.2.dev20260603
libtpu: 0.0.44.dev20260713+nightly
codegen_flags: <defaults>
</compile_context>

<pallas_src>
import dataclasses
import functools

import jax
import jax.numpy as jnp
from jax import lax
from jax.experimental import pallas as pl
from jax.experimental.pallas import tpu as pltpu
from jax.experimental.pallas import tpu_sc as plsc

_B = 16384
_V = 100000
_E = 128
_NC = 2
_NS = 16
_NW = _NC * _NS
_BPW = _B // _NW
_CH = 128
_NCH = _BPW // _CH
_L = 16


def _sc_body(ti, tj, pi, pj, bi, bj, t_o,
             idx_i, idx_j, ri0, rj0, ri1, rj1, part_v, score_v, bib, bjb,
             sem_i0, sem_j0, sem_i1, sem_j1, sem_bi, sem_bj):
    wid = lax.axis_index("s") * _NC + lax.axis_index("c")
    base = wid * _BPW
    cpi = pltpu.async_copy(pi.at[pl.ds(base, _BPW)], idx_i, sem_i0)
    cpj = pltpu.async_copy(pj.at[pl.ds(base, _BPW)], idx_j, sem_j0)
    cpi.wait()
    cpj.wait()

    bias_copies = []
    for c in range(_NCH):
        sl = pl.ds(c * _CH, _CH)
        bias_copies.append(pltpu.async_copy(bi.at[idx_i.at[sl]], bib.at[sl], sem_bi))
        bias_copies.append(pltpu.async_copy(bj.at[idx_j.at[sl]], bjb.at[sl], sem_bj))

    rbufs = ((ri0, rj0, sem_i0, sem_j0), (ri1, rj1, sem_i1, sem_j1))

    def issue(c):
        sl = pl.ds(c * _CH, _CH)
        ri, rj, si, sj = rbufs[c % 2]
        return (pltpu.async_copy(ti.at[idx_i.at[sl]], ri, si),
                pltpu.async_copy(tj.at[idx_j.at[sl]], rj, sj))

    lane = lax.iota(jnp.int32, _L)

    inflight = issue(0)
    for c in range(_NCH):
        cp_i, cp_j = inflight
        if c + 1 < _NCH:
            nxt = issue(c + 1)
        cp_i.wait()
        cp_j.wait()
        ri, rj, _, _ = rbufs[c % 2]

        @plsc.parallel_loop(0, _CH, unroll=2)
        def _row(r):
            prods = [ri[r, pl.ds(k * _L, _L)] * rj[r, pl.ds(k * _L, _L)]
                     for k in range(_E // _L)]
            while len(prods) > 1:
                prods = [prods[i] + prods[i + 1]
                         for i in range(0, len(prods), 2)]
            part_v[pl.ds(r * _L, _L)] = prods[0]

        @plsc.parallel_loop(0, _CH // _L, unroll=2)
        def _grp(g):
            gbase = g * (_L * _L) + lane * _L
            acc = plsc.load_gather(part_v, [gbase])
            for k in range(1, _L):
                acc = acc + plsc.load_gather(part_v, [gbase + k])
            score_v[pl.ds(c * _CH + g * _L, _L)] = acc

        if c + 1 < _NCH:
            inflight = nxt

    for cp in bias_copies:
        cp.wait()

    @pl.loop(0, _BPW // _L)
    def _addb(g):
        sl = pl.ds(g * _L, _L)
        score_v[sl] = score_v[sl] + bib[sl] + bjb[sl]

    pltpu.sync_copy(score_v, t_o.at[pl.ds(base, _BPW)])


@functools.lru_cache(maxsize=1)
def _sc_gather_dot():
    cp = pltpu.CompilerParams()
    if "needs_layout_passes" in pltpu.CompilerParams.__dataclass_fields__:
        cp = dataclasses.replace(cp, needs_layout_passes=False)
    return pl.kernel(
        _sc_body,
        mesh=plsc.VectorSubcoreMesh(core_axis_name="c", subcore_axis_name="s"),
        compiler_params=cp,
        out_type=jax.ShapeDtypeStruct((_B,), jnp.float32),
        scratch_types=[
            pltpu.VMEM((_BPW,), jnp.int32),
            pltpu.VMEM((_BPW,), jnp.int32),
            pltpu.VMEM((_CH, _E), jnp.float32),
            pltpu.VMEM((_CH, _E), jnp.float32),
            pltpu.VMEM((_CH, _E), jnp.float32),
            pltpu.VMEM((_CH, _E), jnp.float32),
            pltpu.VMEM((_CH * _L,), jnp.float32),
            pltpu.VMEM((_BPW,), jnp.float32),
            pltpu.VMEM((_BPW,), jnp.float32),
            pltpu.VMEM((_BPW,), jnp.float32),
            pltpu.SemaphoreType.DMA,
            pltpu.SemaphoreType.DMA,
            pltpu.SemaphoreType.DMA,
            pltpu.SemaphoreType.DMA,
            pltpu.SemaphoreType.DMA,
            pltpu.SemaphoreType.DMA,
        ],
    )


def _tc_body(t_ref, wij_ref, wf_ref, out_ref):
    d = t_ref[...] - jnp.log(wij_ref[...])
    out_ref[...] = jnp.sum(d * d * wf_ref[...], keepdims=True)


def _loss_tc(t2, wij2, wf2):
    return pl.pallas_call(
        _tc_body,
        out_shape=jax.ShapeDtypeStruct((1, 1), jnp.float32),
    )(t2, wij2, wf2)


def kernel(pos_i, pos_j, wij, wf, input_embs, output_embs, bi_table, bj_table):
    t = _sc_gather_dot()(
        input_embs, output_embs,
        pos_i.reshape(_B).astype(jnp.int32), pos_j.reshape(_B).astype(jnp.int32),
        bi_table.reshape(_V), bj_table.reshape(_V))
    sq = _B // 128
    out = _loss_tc(t.reshape(sq, 128), wij.reshape(sq, 128),
                   wf.reshape(sq, 128))
    return out.reshape(())

# --- scband reference (transcript-rebuilt; emitter-appended) ---
"""Pipeline reference for scband-glove-model-59725815218901 (READ-ONLY COPY).

The authoritative reference and input builder live on the scoring server;
editing this copy changes nothing except your own understanding.
"""

import jax, jax.numpy as jnp
import numpy as np

B = 16384
V = 100000
E = 128

def setup_inputs(seed: int = 0) -> dict:
    key = jax.random.key(seed)
    ks = jax.random.split(key, 8)
    pos_i = jax.random.randint(ks[0], (B, 1), 0, V, dtype=jnp.int64 if jax.config.jax_enable_x64 else jnp.int32)
    pos_j = jax.random.randint(ks[1], (B, 1), 0, V, dtype=jnp.int64 if jax.config.jax_enable_x64 else jnp.int32)
    # co-occurrence counts must be positive for log()
    wij = jax.random.uniform(ks[2], (B,), dtype=jnp.float32, minval=1e-3, maxval=1.0)
    wf = jax.random.uniform(ks[3], (B,), dtype=jnp.float32)
    # learned parameters, initialized uniform(-1, 1) like the torch module
    input_embs = jax.random.uniform(ks[4], (V, E), dtype=jnp.float32, minval=-1.0, maxval=1.0)
    output_embs = jax.random.uniform(ks[5], (V, E), dtype=jnp.float32, minval=-1.0, maxval=1.0)
    # bias embedding tables (self.bi / self.bj in the torch forward): [V, 1]
    bi_table = jax.random.uniform(ks[6], (V, 1), dtype=jnp.float32, minval=-1.0, maxval=1.0)
    bj_table = jax.random.uniform(ks[7], (V, 1), dtype=jnp.float32, minval=-1.0, maxval=1.0)
    return {"pos_i": pos_i, "pos_j": pos_j, "wij": wij, "wf": wf,
            "input_embs": input_embs, "output_embs": output_embs,
            "bi_table": bi_table, "bj_table": bj_table}

def reference(pos_i, pos_j, wij, wf, input_embs, output_embs, bi_table, bj_table):
    # nn.Embedding lookup -> gather rows
    emb_i = jnp.take(input_embs, pos_i, axis=0)   # [B, 1, E]
    emb_j = jnp.take(output_embs, pos_j, axis=0)  # [B, 1, E]
    score = jnp.sum(emb_i * emb_j, axis=-1)       # [B, 1]
    bi = jnp.take(bi_table, pos_i, axis=0)        # [B, 1, 1]
    bj = jnp.take(bj_table, pos_j, axis=0)        # [B, 1, 1]
    nf = jnp.power(jnp.squeeze(score) + jnp.squeeze(bi) + jnp.squeeze(bj) - jnp.log(jnp.squeeze(wij)), 2)  # [B]
    loss = jnp.sum(nf * wf)
    return loss

if False:  # reference __main__ guard neutralized (emitter)
    out = reference(**setup_inputs())
    print(out.shape if hasattr(out, 'shape') else out, out)

if __name__ == "__main__":
    import jax
    _d = setup_inputs()
    print(jax.jit(kernel)(*tuple(_d.values())))

</pallas_src>

<mosaic_0001>
#map = affine_map<(d0, d1) -> (0, 0)>
#map1 = affine_map<(d0, d1) -> (0)>
module attributes {stable_mosaic.version = 14 : i64} {
  func.func @_sc_body(%arg0: i32, %arg1: i32, %arg2: memref<100000x128xf32, #tpu.memory_space<hbm>>, %arg3: memref<100000x128xf32, #tpu.memory_space<hbm>>, %arg4: memref<16384xi32, #tpu.memory_space<hbm>>, %arg5: memref<16384xi32, #tpu.memory_space<hbm>>, %arg6: memref<100000xf32, #tpu.memory_space<hbm>>, %arg7: memref<100000xf32, #tpu.memory_space<hbm>>, %arg8: memref<16384xf32, #tpu.memory_space<hbm>>, %arg9: memref<512xi32, #tpu.memory_space<vmem>>, %arg10: memref<512xi32, #tpu.memory_space<vmem>>, %arg11: memref<128x128xf32, #tpu.memory_space<vmem>>, %arg12: memref<128x128xf32, #tpu.memory_space<vmem>>, %arg13: memref<128x128xf32, #tpu.memory_space<vmem>>, %arg14: memref<128x128xf32, #tpu.memory_space<vmem>>, %arg15: memref<2048xf32, #tpu.memory_space<vmem>>, %arg16: memref<512xf32, #tpu.memory_space<vmem>>, %arg17: memref<512xf32, #tpu.memory_space<vmem>>, %arg18: memref<512xf32, #tpu.memory_space<vmem>>, %arg19: memref<!tpu.dma_semaphore, #tpu.memory_space<semaphore_mem>>, %arg20: memref<!tpu.dma_semaphore, #tpu.memory_space<semaphore_mem>>, %arg21: memref<!tpu.dma_semaphore, #tpu.memory_space<semaphore_mem>>, %arg22: memref<!tpu.dma_semaphore, #tpu.memory_space<semaphore_mem>>, %arg23: memref<!tpu.dma_semaphore, #tpu.memory_space<semaphore_mem>>, %arg24: memref<!tpu.dma_semaphore, #tpu.memory_space<semaphore_mem>>) attributes {dimension_semantics = [#tpu.dimension_semantics<core_parallel>, #tpu.dimension_semantics<subcore_parallel>], iteration_bounds = array<i64: 2, 16>, scalar_prefetch = 0 : i64, scratch_operands = 16 : i64, tpu.core_type = #tpu.core_type<sc_vector_subcore>, window_params = [{transform_indices = #map}, {transform_indices = #map}, {transform_indices = #map1}, {transform_indices = #map1}, {transform_indices = #map1}, {transform_indices = #map1}, {transform_indices = #map1}]} {
    %mul3A = arith.constant 2 : i32
    %mul3A_0 = arith.muli %arg1, %mul3A : i32
    %add3A = arith.addi %mul3A_0, %arg0 : i32
    %mul3A_1 = arith.constant 512 : i32
    %mul3A_2 = arith.muli %add3A, %mul3A_1 : i32
    %dma_start3A = tpu.memref_slice %arg4[%mul3A_2] : memref<16384xi32, #tpu.memory_space<hbm>> -> memref<512xi32, #tpu.memory_space<hbm>>
    %dma_start3A_3 = tpu.memref_slice %arg4[%mul3A_2] : memref<16384xi32, #tpu.memory_space<hbm>> -> memref<512xi32, #tpu.memory_space<hbm>>
    tpu.enqueue_dma source(%dma_start3A_3 : memref<512xi32, #tpu.memory_space<hbm>>) target(%arg9 : memref<512xi32, #tpu.memory_space<vmem>>) target_semaphore(%arg19 : memref<!tpu.dma_semaphore, #tpu.memory_space<semaphore_mem>>)
    %dma_start3A_4 = tpu.memref_slice %arg5[%mul3A_2] : memref<16384xi32, #tpu.memory_space<hbm>> -> memref<512xi32, #tpu.memory_space<hbm>>
    %dma_start3A_5 = tpu.memref_slice %arg5[%mul3A_2] : memref<16384xi32, #tpu.memory_space<hbm>> -> memref<512xi32, #tpu.memory_space<hbm>>
    tpu.enqueue_dma source(%dma_start3A_5 : memref<512xi32, #tpu.memory_space<hbm>>) target(%arg10 : memref<512xi32, #tpu.memory_space<vmem>>) target_semaphore(%arg20 : memref<!tpu.dma_semaphore, #tpu.memory_space<semaphore_mem>>)
    %dma_wait3A = tpu.memref_slice %arg4[%mul3A_2] : memref<16384xi32, #tpu.memory_space<hbm>> -> memref<512xi32, #tpu.memory_space<hbm>>
    %dma_wait3A_6 = tpu.memref_slice %arg4[%mul3A_2] : memref<16384xi32, #tpu.memory_space<hbm>> -> memref<512xi32, #tpu.memory_space<hbm>>
    tpu.wait_dma2 semaphore(%arg19 : memref<!tpu.dma_semaphore, #tpu.memory_space<semaphore_mem>>) src(%dma_wait3A_6 : memref<512xi32, #tpu.memory_space<hbm>>) dst(%arg9 : memref<512xi32, #tpu.memory_space<vmem>>)
    %dma_wait3A_7 = tpu.memref_slice %arg5[%mul3A_2] : memref<16384xi32, #tpu.memory_space<hbm>> -> memref<512xi32, #tpu.memory_space<hbm>>
    %dma_wait3A_8 = tpu.memref_slice %arg5[%mul3A_2] : memref<16384xi32, #tpu.memory_space<hbm>> -> memref<512xi32, #tpu.memory_space<hbm>>
    tpu.wait_dma2 semaphore(%arg20 : memref<!tpu.dma_semaphore, #tpu.memory_space<semaphore_mem>>) src(%dma_wait3A_8 : memref<512xi32, #tpu.memory_space<hbm>>) dst(%arg10 : memref<512xi32, #tpu.memory_space<vmem>>)
    %dma_start3A_9 = arith.constant 0 : i32
    %dma_start3A_10 = tpu.memref_slice %arg17[%dma_start3A_9] : memref<512xf32, #tpu.memory_space<vmem>> -> memref<128xf32, #tpu.memory_space<vmem>>
    %dma_start3A_11 = arith.constant 0 : i32
    %dma_start3A_12 = tpu.memref_slice %arg9[%dma_start3A_11] : memref<512xi32, #tpu.memory_space<vmem>> -> memref<128xi32, #tpu.memory_space<vmem>>
    %dma_start3A_13 = arith.constant 0 : i32
    %dma_start3A_14 = tpu.memref_slice %arg6[%dma_start3A_13] : memref<100000xf32, #tpu.memory_space<hbm>> -> memref<100000xf32, #tpu.memory_space<hbm>>
    tpu.enqueue_indirect_dma source(%dma_start3A_14 : memref<100000xf32, #tpu.memory_space<hbm>>) target(%dma_start3A_10 : memref<128xf32, #tpu.memory_space<vmem>>) offsets(%dma_start3A_12 : memref<128xi32, #tpu.memory_space<vmem>>) semaphore(%arg23 : memref<!tpu.dma_semaphore, #tpu.memory_space<semaphore_mem>>)
    %dma_start3A_15 = arith.constant 0 : i32
    %dma_start3A_16 = tpu.memref_slice %arg18[%dma_start3A_15] : memref<512xf32, #tpu.memory_space<vmem>> -> memref<128xf32, #tpu.memory_space<vmem>>
    %dma_start3A_17 = arith.constant 0 : i32
    %dma_start3A_18 = tpu.memref_slice %arg10[%dma_start3A_17] : memref<512xi32, #tpu.memory_space<vmem>> -> memref<128xi32, #tpu.memory_space<vmem>>
    %dma_start3A_19 = arith.constant 0 : i32
    %dma_start3A_20 = tpu.memref_slice %arg7[%dma_start3A_19] : memref<100000xf32, #tpu.memory_space<hbm>> -> memref<100000xf32, #tpu.memory_space<hbm>>
    tpu.enqueue_indirect_dma source(%dma_start3A_20 : memref<100000xf32, #tpu.memory_space<hbm>>) target(%dma_start3A_16 : memref<128xf32, #tpu.memory_space<vmem>>) offsets(%dma_start3A_18 : memref<128xi32, #tpu.memory_space<vmem>>) semaphore(%arg24 : memref<!tpu.dma_semaphore, #tpu.memory_space<semaphore_mem>>)
    %dma_start3A_21 = arith.constant 128 : i32
    %dma_start3A_22 = tpu.memref_slice %arg17[%dma_start3A_21] : memref<512xf32, #tpu.memory_space<vmem>> -> memref<128xf32, #tpu.memory_space<vmem>>
    %dma_start3A_23 = arith.constant 128 : i32
    %dma_start3A_24 = tpu.memref_slice %arg9[%dma_start3A_23] : memref<512xi32, #tpu.memory_space<vmem>> -> memref<128xi32, #tpu.memory_space<vmem>>
    %dma_start3A_25 = arith.constant 0 : i32
    %dma_start3A_26 = tpu.memref_slice %arg6[%dma_start3A_25] : memref<100000xf32, #tpu.memory_space<hbm>> -> memref<100000xf32, #tpu.memory_space<hbm>>
    tpu.enqueue_indirect_dma source(%dma_start3A_26 : memref<100000xf32, #tpu.memory_space<hbm>>) target(%dma_start3A_22 : memref<128xf32, #tpu.memory_space<vmem>>) offsets(%dma_start3A_24 : memref<128xi32, #tpu.memory_space<vmem>>) semaphore(%arg23 : memref<!tpu.dma_semaphore, #tpu.memory_space<semaphore_mem>>)
    %dma_start3A_27 = arith.constant 128 : i32
    %dma_start3A_28 = tpu.memref_slice %arg18[%dma_start3A_27] : memref<512xf32, #tpu.memory_space<vmem>> -> memref<128xf32, #tpu.memory_space<vmem>>
    %dma_start3A_29 = arith.constant 128 : i32
    %dma_start3A_30 = tpu.memref_slice %arg10[%dma_start3A_29] : memref<512xi32, #tpu.memory_space<vmem>> -> memref<128xi32, #tpu.memory_space<vmem>>
    %dma_start3A_31 = arith.constant 0 : i32
    %dma_start3A_32 = tpu.memref_slice %arg7[%dma_start3A_31] : memref<100000xf32, #tpu.memory_space<hbm>> -> memref<100000xf32, #tpu.memory_space<hbm>>
    tpu.enqueue_indirect_dma source(%dma_start3A_32 : memref<100000xf32, #tpu.memory_space<hbm>>) target(%dma_start3A_28 : memref<128xf32, #tpu.memory_space<vmem>>) offsets(%dma_start3A_30 : memref<128xi32, #tpu.memory_space<vmem>>) semaphore(%arg24 : memref<!tpu.dma_semaphore, #tpu.memory_space<semaphore_mem>>)
    %dma_start3A_33 = arith.constant 256 : i32
    %dma_start3A_34 = tpu.memref_slice %arg17[%dma_start3A_33] : memref<512xf32, #tpu.memory_space<vmem>> -> memref<128xf32, #tpu.memory_space<vmem>>
    %dma_start3A_35 = arith.constant 256 : i32
    %dma_start3A_36 = tpu.memref_slice %arg9[%dma_start3A_35] : memref<512xi32, #tpu.memory_space<vmem>> -> memref<128xi32, #tpu.memory_space<vmem>>
    %dma_start3A_37 = arith.constant 0 : i32
    %dma_start3A_38 = tpu.memref_slice %arg6[%dma_start3A_37] : memref<100000xf32, #tpu.memory_space<hbm>> -> memref<100000xf32, #tpu.memory_space<hbm>>
    tpu.enqueue_indirect_dma source(%dma_start3A_38 : memref<100000xf32, #tpu.memory_space<hbm>>) target(%dma_start3A_34 : memref<128xf32, #tpu.memory_space<vmem>>) offsets(%dma_start3A_36 : memref<128xi32, #tpu.memory_space<vmem>>) semaphore(%arg23 : memref<!tpu.dma_semaphore, #tpu.memory_space<semaphore_mem>>)
    %dma_start3A_39 = arith.constant 256 : i32
    %dma_start3A_40 = tpu.memref_slice %arg18[%dma_start3A_39] : memref<512xf32, #tpu.memory_space<vmem>> -> memref<128xf32, #tpu.memory_space<vmem>>
    %dma_start3A_41 = arith.constant 256 : i32
    %dma_start3A_42 = tpu.memref_slice %arg10[%dma_start3A_41] : memref<512xi32, #tpu.memory_space<vmem>> -> memref<128xi32, #tpu.memory_space<vmem>>
    %dma_start3A_43 = arith.constant 0 : i32
    %dma_start3A_44 = tpu.memref_slice %arg7[%dma_start3A_43] : memref<100000xf32, #tpu.memory_space<hbm>> -> memref<100000xf32, #tpu.memory_space<hbm>>
    tpu.enqueue_indirect_dma source(%dma_start3A_44 : memref<100000xf32, #tpu.memory_space<hbm>>) target(%dma_start3A_40 : memref<128xf32, #tpu.memory_space<vmem>>) offsets(%dma_start3A_42 : memref<128xi32, #tpu.memory_space<vmem>>) semaphore(%arg24 : memref<!tpu.dma_semaphore, #tpu.memory_space<semaphore_mem>>)
    %dma_start3A_45 = arith.constant 384 : i32
    %dma_start3A_46 = tpu.memref_slice %arg17[%dma_start3A_45] : memref<512xf32, #tpu.memory_space<vmem>> -> memref<128xf32, #tpu.memory_space<vmem>>
    %dma_start3A_47 = arith.constant 384 : i32
    %dma_start3A_48 = tpu.memref_slice %arg9[%dma_start3A_47] : memref<512xi32, #tpu.memory_space<vmem>> -> memref<128xi32, #tpu.memory_space<vmem>>
    %dma_start3A_49 = arith.constant 0 : i32
    %dma_start3A_50 = tpu.memref_slice %arg6[%dma_start3A_49] : memref<100000xf32, #tpu.memory_space<hbm>> -> memref<100000xf32, #tpu.memory_space<hbm>>
    tpu.enqueue_indirect_dma source(%dma_start3A_50 : memref<100000xf32, #tpu.memory_space<hbm>>) target(%dma_start3A_46 : memref<128xf32, #tpu.memory_space<vmem>>) offsets(%dma_start3A_48 : memref<128xi32, #tpu.memory_space<vmem>>) semaphore(%arg23 : memref<!tpu.dma_semaphore, #tpu.memory_space<semaphore_mem>>)
    %dma_start3A_51 = arith.constant 384 : i32
    %dma_start3A_52 = tpu.memref_slice %arg18[%dma_start3A_51] : memref<512xf32, #tpu.memory_space<vmem>> -> memref<128xf32, #tpu.memory_space<vmem>>
    %dma_start3A_53 = arith.constant 384 : i32
    %dma_start3A_54 = tpu.memref_slice %arg10[%dma_start3A_53] : memref<512xi32, #tpu.memory_space<vmem>> -> memref<128xi32, #tpu.memory_space<vmem>>
    %dma_start3A_55 = arith.constant 0 : i32
    %dma_start3A_56 = tpu.memref_slice %arg7[%dma_start3A_55] : memref<100000xf32, #tpu.memory_space<hbm>> -> memref<100000xf32, #tpu.memory_space<hbm>>
    tpu.enqueue_indirect_dma source(%dma_start3A_56 : memref<100000xf32, #tpu.memory_space<hbm>>) target(%dma_start3A_52 : memref<128xf32, #tpu.memory_space<vmem>>) offsets(%dma_start3A_54 : memref<128xi32, #tpu.memory_space<vmem>>) semaphore(%arg24 : memref<!tpu.dma_semaphore, #tpu.memory_space<semaphore_mem>>)
    %iota3A = tpu.iota {dimensions = array<i32: 0>} : vector<16xi32>
    %dma_start3A_57 = arith.constant 0 : i32
    %dma_start3A_58 = tpu.memref_slice %arg9[%dma_start3A_57] : memref<512xi32, #tpu.memory_space<vmem>> -> memref<128xi32, #tpu.memory_space<vmem>>
    %dma_start3A_59 = arith.constant 0 : i32
    %dma_start3A_60 = arith.constant 0 : i32
    %dma_start3A_61 = tpu.memref_slice %arg2[%dma_start3A_59, %dma_start3A_60] : memref<100000x128xf32, #tpu.memory_space<hbm>> -> memref<100000x128xf32, #tpu.memory_space<hbm>>
    tpu.enqueue_indirect_dma source(%dma_start3A_61 : memref<100000x128xf32, #tpu.memory_space<hbm>>) target(%arg11 : memref<128x128xf32, #tpu.memory_space<vmem>>) offsets(%dma_start3A_58 : memref<128xi32, #tpu.memory_space<vmem>>) semaphore(%arg19 : memref<!tpu.dma_semaphore, #tpu.memory_space<semaphore_mem>>)
    %dma_start3A_62 = arith.constant 0 : i32
    %dma_start3A_63 = tpu.memref_slice %arg10[%dma_start3A_62] : memref<512xi32, #tpu.memory_space<vmem>> -> memref<128xi32, #tpu.memory_space<vmem>>
    %dma_start3A_64 = arith.constant 0 : i32
    %dma_start3A_65 = arith.constant 0 : i32
    %dma_start3A_66 = tpu.memref_slice %arg3[%dma_start3A_64, %dma_start3A_65] : memref<100000x128xf32, #tpu.memory_space<hbm>> -> memref<100000x128xf32, #tpu.memory_space<hbm>>
    tpu.enqueue_indirect_dma source(%dma_start3A_66 : memref<100000x128xf32, #tpu.memory_space<hbm>>) target(%arg12 : memref<128x128xf32, #tpu.memory_space<vmem>>) offsets(%dma_start3A_63 : memref<128xi32, #tpu.memory_space<vmem>>) semaphore(%arg20 : memref<!tpu.dma_semaphore, #tpu.memory_space<semaphore_mem>>)
    %dma_start3A_67 = arith.constant 128 : i32
    %dma_start3A_68 = tpu.memref_slice %arg9[%dma_start3A_67] : memref<512xi32, #tpu.memory_space<vmem>> -> memref<128xi32, #tpu.memory_space<vmem>>
    %dma_start3A_69 = arith.constant 0 : i32
    %dma_start3A_70 = arith.constant 0 : i32
    %dma_start3A_71 = tpu.memref_slice %arg2[%dma_start3A_69, %dma_start3A_70] : memref<100000x128xf32, #tpu.memory_space<hbm>> -> memref<100000x128xf32, #tpu.memory_space<hbm>>
    tpu.enqueue_indirect_dma source(%dma_start3A_71 : memref<100000x128xf32, #tpu.memory_space<hbm>>) target(%arg13 : memref<128x128xf32, #tpu.memory_space<vmem>>) offsets(%dma_start3A_68 : memref<128xi32, #tpu.memory_space<vmem>>) semaphore(%arg21 : memref<!tpu.dma_semaphore, #tpu.memory_space<semaphore_mem>>)
    %dma_start3A_72 = arith.constant 128 : i32
    %dma_start3A_73 = tpu.memref_slice %arg10[%dma_start3A_72] : memref<512xi32, #tpu.memory_space<vmem>> -> memref<128xi32, #tpu.memory_space<vmem>>
    %dma_start3A_74 = arith.constant 0 : i32
    %dma_start3A_75 = arith.constant 0 : i32
    %dma_start3A_76 = tpu.memref_slice %arg3[%dma_start3A_74, %dma_start3A_75] : memref<100000x128xf32, #tpu.memory_space<hbm>> -> memref<100000x128xf32, #tpu.memory_space<hbm>>
    tpu.enqueue_indirect_dma source(%dma_start3A_76 : memref<100000x128xf32, #tpu.memory_space<hbm>>) target(%arg14 : memref<128x128xf32, #tpu.memory_space<vmem>>) offsets(%dma_start3A_73 : memref<128xi32, #tpu.memory_space<vmem>>) semaphore(%arg22 : memref<!tpu.dma_semaphore, #tpu.memory_space<semaphore_mem>>)
    %dma_wait3A_77 = arith.constant 0 : i32
    %dma_wait3A_78 = tpu.memref_slice %arg9[%dma_wait3A_77] : memref<512xi32, #tpu.memory_space<vmem>> -> memref<128xi32, #tpu.memory_space<vmem>>
    %dma_wait3A_79 = arith.constant 0 : i32
    %dma_wait3A_80 = arith.constant 0 : i32
    %dma_wait3A_81 = tpu.memref_slice %arg2[%dma_wait3A_79, %dma_wait3A_80] : memref<100000x128xf32, #tpu.memory_space<hbm>> -> memref<100000x128xf32, #tpu.memory_space<hbm>>
    tpu.wait_indirect_dma semaphore(%arg19 : memref<!tpu.dma_semaphore, #tpu.memory_space<semaphore_mem>>) src(%dma_wait3A_81 : memref<100000x128xf32, #tpu.memory_space<hbm>>) dst(%arg11 : memref<128x128xf32, #tpu.memory_space<vmem>>)
    %dma_wait3A_82 = arith.constant 0 : i32
    %dma_wait3A_83 = tpu.memref_slice %arg10[%dma_wait3A_82] : memref<512xi32, #tpu.memory_space<vmem>> -> memref<128xi32, #tpu.memory_space<vmem>>
    %dma_wait3A_84 = arith.constant 0 : i32
    %dma_wait3A_85 = arith.constant 0 : i32
    %dma_wait3A_86 = tpu.memref_slice %arg3[%dma_wait3A_84, %dma_wait3A_85] : memref<100000x128xf32, #tpu.memory_space<hbm>> -> memref<100000x128xf32, #tpu.memory_space<hbm>>
    tpu.wait_indirect_dma semaphore(%arg20 : memref<!tpu.dma_semaphore, #tpu.memory_space<semaphore_mem>>) src(%dma_wait3A_86 : memref<100000x128xf32, #tpu.memory_space<hbm>>) dst(%arg12 : memref<128x128xf32, #tpu.memory_space<vmem>>)
    %parallel_loop3A = arith.constant 0 : i32
    %parallel_loop3A_87 = arith.constant 128 : i32
    %parallel_loop3A_88 = arith.constant 1 : i32
    scf.for %parallel_loop3A_212 = %parallel_loop3A to %parallel_loop3A_87 step %parallel_loop3A_88  : i32 {
      %parallel_loop3A_213 = arith.index_cast %parallel_loop3A_212 : i32 to index
      %parallel_loop3A_214 = arith.constant 0 : index
      %parallel_loop3A_215 = tpu.vector_load %arg11[%parallel_loop3A_213, %parallel_loop3A_214] {strides = array<i32>} : memref<128x128xf32, #tpu.memory_space<vmem>>, vector<16xf32>,
      %parallel_loop3A_216 = arith.index_cast %parallel_loop3A_212 : i32 to index
      %parallel_loop3A_217 = arith.constant 0 : index
      %parallel_loop3A_218 = tpu.vector_load %arg12[%parallel_loop3A_216, %parallel_loop3A_217] {strides = array<i32>} : memref<128x128xf32, #tpu.memory_space<vmem>>, vector<16xf32>,
      %parallel_loop3A_219 = arith.mulf %parallel_loop3A_215, %parallel_loop3A_218 : vector<16xf32>
      %parallel_loop3A_220 = arith.index_cast %parallel_loop3A_212 : i32 to index
      %parallel_loop3A_221 = arith.constant 16 : index
      %parallel_loop3A_222 = tpu.vector_load %arg11[%parallel_loop3A_220, %parallel_loop3A_221] {strides = array<i32>} : memref<128x128xf32, #tpu.memory_space<vmem>>, vector<16xf32>,
      %parallel_loop3A_223 = arith.index_cast %parallel_loop3A_212 : i32 to index
      %parallel_loop3A_224 = arith.constant 16 : index
      %parallel_loop3A_225 = tpu.vector_load %arg12[%parallel_loop3A_223, %parallel_loop3A_224] {strides = array<i32>} : memref<128x128xf32, #tpu.memory_space<vmem>>, vector<16xf32>,
      %parallel_loop3A_226 = arith.mulf %parallel_loop3A_222, %parallel_loop3A_225 : vector<16xf32>
      %parallel_loop3A_227 = arith.index_cast %parallel_loop3A_212 : i32 to index
      %parallel_loop3A_228 = arith.constant 32 : index
      %parallel_loop3A_229 = tpu.vector_load %arg11[%parallel_loop3A_227, %parallel_loop3A_228] {strides = array<i32>} : memref<128x128xf32, #tpu.memory_space<vmem>>, vector<16xf32>,
      %parallel_loop3A_230 = arith.index_cast %parallel_loop3A_212 : i32 to index
      %parallel_loop3A_231 = arith.constant 32 : index
      %parallel_loop3A_232 = tpu.vector_load %arg12[%parallel_loop3A_230, %parallel_loop3A_231] {strides = array<i32>} : memref<128x128xf32, #tpu.memory_space<vmem>>, vector<16xf32>,
      %parallel_loop3A_233 = arith.mulf %parallel_loop3A_229, %parallel_loop3A_232 : vector<16xf32>
      %parallel_loop3A_234 = arith.index_cast %parallel_loop3A_212 : i32 to index
      %parallel_loop3A_235 = arith.constant 48 : index
      %parallel_loop3A_236 = tpu.vector_load %arg11[%parallel_loop3A_234, %parallel_loop3A_235] {strides = array<i32>} : memref<128x128xf32, #tpu.memory_space<vmem>>, vector<16xf32>,
      %parallel_loop3A_237 = arith.index_cast %parallel_loop3A_212 : i32 to index
      %parallel_loop3A_238 = arith.constant 48 : index
      %parallel_loop3A_239 = tpu.vector_load %arg12[%parallel_loop3A_237, %parallel_loop3A_238] {strides = array<i32>} : memref<128x128xf32, #tpu.memory_space<vmem>>, vector<16xf32>,
      %parallel_loop3A_240 = arith.mulf %parallel_loop3A_236, %parallel_loop3A_239 : vector<16xf32>
      %parallel_loop3A_241 = arith.index_cast %parallel_loop3A_212 : i32 to index
      %parallel_loop3A_242 = arith.constant 64 : index
      %parallel_loop3A_243 = tpu.vector_load %arg11[%parallel_loop3A_241, %parallel_loop3A_242] {strides = array<i32>} : memref<128x128xf32, #tpu.memory_space<vmem>>, vector<16xf32>,
      %parallel_loop3A_244 = arith.index_cast %parallel_loop3A_212 : i32 to index
      %parallel_loop3A_245 = arith.constant 64 : index
      %parallel_loop3A_246 = tpu.vector_load %arg12[%parallel_loop3A_244, %parallel_loop3A_245] {strides = array<i32>} : memref<128x128xf32, #tpu.memory_space<vmem>>, vector<16xf32>,
      %parallel_loop3A_247 = arith.mulf %parallel_loop3A_243, %parallel_loop3A_246 : vector<16xf32>
      %parallel_loop3A_248 = arith.index_cast %parallel_loop3A_212 : i32 to index
      %parallel_loop3A_249 = arith.constant 80 : index
      %parallel_loop3A_250 = tpu.vector_load %arg11[%parallel_loop3A_248, %parallel_loop3A_249] {strides = array<i32>} : memref<128x128xf32, #tpu.memory_space<vmem>>, vector<16xf32>,
      %parallel_loop3A_251 = arith.index_cast %parallel_loop3A_212 : i32 to index
      %parallel_loop3A_252 = arith.constant 80 : index
      %parallel_loop3A_253 = tpu.vector_load %arg12[%parallel_loop3A_251, %parallel_loop3A_252] {strides = array<i32>} : memref<128x128xf32, #tpu.memory_space<vmem>>, vector<16xf32>,
      %parallel_loop3A_254 = arith.mulf %parallel_loop3A_250, %parallel_loop3A_253 : vector<16xf32>
      %parallel_loop3A_255 = arith.index_cast %parallel_loop3A_212 : i32 to index
      %parallel_loop3A_256 = arith.constant 96 : index
      %parallel_loop3A_257 = tpu.vector_load %arg11[%parallel_loop3A_255, %parallel_loop3A_256] {strides = array<i32>} : memref<128x128xf32, #tpu.memory_space<vmem>>, vector<16xf32>,
      %parallel_loop3A_258 = arith.index_cast %parallel_loop3A_212 : i32 to index
      %parallel_loop3A_259 = arith.constant 96 : index
      %parallel_loop3A_260 = tpu.vector_load %arg12[%parallel_loop3A_258, %parallel_loop3A_259] {strides = array<i32>} : memref<128x128xf32, #tpu.memory_space<vmem>>, vector<16xf32>,
      %parallel_loop3A_261 = arith.mulf %parallel_loop3A_257, %parallel_loop3A_260 : vector<16xf32>
      %parallel_loop3A_262 = arith.index_cast %parallel_loop3A_212 : i32 to index
      %parallel_loop3A_263 = arith.constant 112 : index
      %parallel_loop3A_264 = tpu.vector_load %arg11[%parallel_loop3A_262, %parallel_loop3A_263] {strides = array<i32>} : memref<128x128xf32, #tpu.memory_space<vmem>>, vector<16xf32>,
      %parallel_loop3A_265 = arith.index_cast %parallel_loop3A_212 : i32 to index
      %parallel_loop3A_266 = arith.constant 112 : index
      %parallel_loop3A_267 = tpu.vector_load %arg12[%parallel_loop3A_265, %parallel_loop3A_266] {strides = array<i32>} : memref<128x128xf32, #tpu.memory_space<vmem>>, vector<16xf32>,
      %parallel_loop3A_268 = arith.mulf %parallel_loop3A_264, %parallel_loop3A_267 : vector<16xf32>
      %parallel_loop3A_269 = arith.addf %parallel_loop3A_219, %parallel_loop3A_226 : vector<16xf32>
      %parallel_loop3A_270 = arith.addf %parallel_loop3A_233, %parallel_loop3A_240 : vector<16xf32>
      %parallel_loop3A_271 = arith.addf %parallel_loop3A_247, %parallel_loop3A_254 : vector<16xf32>
      %parallel_loop3A_272 = arith.addf %parallel_loop3A_261, %parallel_loop3A_268 : vector<16xf32>
      %parallel_loop3A_273 = arith.addf %parallel_loop3A_269, %parallel_loop3A_270 : vector<16xf32>
      %parallel_loop3A_274 = arith.addf %parallel_loop3A_271, %parallel_loop3A_272 : vector<16xf32>
      %parallel_loop3A_275 = arith.addf %parallel_loop3A_273, %parallel_loop3A_274 : vector<16xf32>
      %parallel_loop3A_276 = arith.constant 16 : i32
      %parallel_loop3A_277 = arith.muli %parallel_loop3A_212, %parallel_loop3A_276 : i32
      %parallel_loop3A_278 = arith.index_cast %parallel_loop3A_277 : i32 to index
      %parallel_loop3A_279 = tpu.vector_load %arg15[%parallel_loop3A_278] {strides = array<i32>} : memref<2048xf32, #tpu.memory_space<vmem>>, vector<16xf32>,
      tpu.vector_store %arg15[%parallel_loop3A_278], %parallel_loop3A_275 {strides = array<i32>} : memref<2048xf32, #tpu.memory_space<vmem>>, vector<16xf32>,
    } {sc.loop_unroll_factor = 2 : i64, sc.parallel_access}
    %parallel_loop3A_89 = arith.constant 0 : i32
    %parallel_loop3A_90 = arith.constant 8 : i32
    %parallel_loop3A_91 = arith.constant 1 : i32
    scf.for %parallel_loop3A_212 = %parallel_loop3A_89 to %parallel_loop3A_90 step %parallel_loop3A_91  : i32 {
      %parallel_loop3A_213 = arith.constant 256 : i32
      %parallel_loop3A_214 = arith.muli %parallel_loop3A_212, %parallel_loop3A_213 : i32
      %parallel_loop3A_215 = arith.constant 16 : i32
      %parallel_loop3A_216 = vector.broadcast %parallel_loop3A_215 : i32 to vector<16xi32>
      %parallel_loop3A_217 = arith.muli %iota3A, %parallel_loop3A_216 : vector<16xi32>
      %parallel_loop3A_218 = vector.broadcast %parallel_loop3A_214 : i32 to vector<16xi32>
      %parallel_loop3A_219 = arith.addi %parallel_loop3A_218, %parallel_loop3A_217 : vector<16xi32>
      %parallel_loop3A_220 = tpu.vector_load_idx %arg15[%parallel_loop3A_219] : memref<2048xf32, #tpu.memory_space<vmem>>[vector<16xi32>], vector<16xf32>,
      %parallel_loop3A_221 = arith.constant 1 : i32
      %parallel_loop3A_222 = vector.broadcast %parallel_loop3A_221 : i32 to vector<16xi32>
      %parallel_loop3A_223 = arith.addi %parallel_loop3A_219, %parallel_loop3A_222 : vector<16xi32>
      %parallel_loop3A_224 = tpu.vector_load_idx %arg15[%parallel_loop3A_223] : memref<2048xf32, #tpu.memory_space<vmem>>[vector<16xi32>], vector<16xf32>,
      %parallel_loop3A_225 = arith.addf %parallel_loop3A_220, %parallel_loop3A_224 : vector<16xf32>
      %parallel_loop3A_226 = arith.constant 2 : i32
      %parallel_loop3A_227 = vector.broadcast %parallel_loop3A_226 : i32 to vector<16xi32>
      %parallel_loop3A_228 = arith.addi %parallel_loop3A_219, %parallel_loop3A_227 : vector<16xi32>
      %parallel_loop3A_229 = tpu.vector_load_idx %arg15[%parallel_loop3A_228] : memref<2048xf32, #tpu.memory_space<vmem>>[vector<16xi32>], vector<16xf32>,
      %parallel_loop3A_230 = arith.addf %parallel_loop3A_225, %parallel_loop3A_229 : vector<16xf32>
      %parallel_loop3A_231 = arith.constant 3 : i32
      %parallel_loop3A_232 = vector.broadcast %parallel_loop3A_231 : i32 to vector<16xi32>
      %parallel_loop3A_233 = arith.addi %parallel_loop3A_219, %parallel_loop3A_232 : vector<16xi32>
      %parallel_loop3A_234 = tpu.vector_load_idx %arg15[%parallel_loop3A_233] : memref<2048xf32, #tpu.memory_space<vmem>>[vector<16xi32>], vector<16xf32>,
      %parallel_loop3A_235 = arith.addf %parallel_loop3A_230, %parallel_loop3A_234 : vector<16xf32>
      %parallel_loop3A_236 = arith.constant 4 : i32
      %parallel_loop3A_237 = vector.broadcast %parallel_loop3A_236 : i32 to vector<16xi32>
      %parallel_loop3A_238 = arith.addi %parallel_loop3A_219, %parallel_loop3A_237 : vector<16xi32>
      %parallel_loop3A_239 = tpu.vector_load_idx %arg15[%parallel_loop3A_238] : memref<2048xf32, #tpu.memory_space<vmem>>[vector<16xi32>], vector<16xf32>,
      %parallel_loop3A_240 = arith.addf %parallel_loop3A_235, %parallel_loop3A_239 : vector<16xf32>
      %parallel_loop3A_241 = arith.constant 5 : i32
      %parallel_loop3A_242 = vector.broadcast %parallel_loop3A_241 : i32 to vector<16xi32>
      %parallel_loop3A_243 = arith.addi %parallel_loop3A_219, %parallel_loop3A_242 : vector<16xi32>
      %parallel_loop3A_244 = tpu.vector_load_idx %arg15[%parallel_loop3A_243] : memref<2048xf32, #tpu.memory_space<vmem>>[vector<16xi32>], vector<16xf32>,
      %parallel_loop3A_245 = arith.addf %parallel_loop3A_240, %parallel_loop3A_244 : vector<16xf32>
      %parallel_loop3A_246 = arith.constant 6 : i32
      %parallel_loop3A_247 = vector.broadcast %parallel_loop3A_246 : i32 to vector<16xi32>
      %parallel_loop3A_248 = arith.addi %parallel_loop3A_219, %parallel_loop3A_247 : vector<16xi32>
      %parallel_loop3A_249 = tpu.vector_load_idx %arg15[%parallel_loop3A_248] : memref<2048xf32, #tpu.memory_space<vmem>>[vector<16xi32>], vector<16xf32>,
      %parallel_loop3A_250 = arith.addf %parallel_loop3A_245, %parallel_loop3A_249 : vector<16xf32>
      %parallel_loop3A_251 = arith.constant 7 : i32
      %parallel_loop3A_252 = vector.broadcast %parallel_loop3A_251 : i32 to vector<16xi32>
      %parallel_loop3A_253 = arith.addi %parallel_loop3A_219, %parallel_loop3A_252 : vector<16xi32>
      %parallel_loop3A_254 = tpu.vector_load_idx %arg15[%parallel_loop3A_253] : memref<2048xf32, #tpu.memory_space<vmem>>[vector<16xi32>], vector<16xf32>,
      %parallel_loop3A_255 = arith.addf %parallel_loop3A_250, %parallel_loop3A_254 : vector<16xf32>
      %parallel_loop3A_256 = arith.constant 8 : i32
      %parallel_loop3A_257 = vector.broadcast %parallel_loop3A_256 : i32 to vector<16xi32>
      %parallel_loop3A_258 = arith.addi %parallel_loop3A_219, %parallel_loop3A_257 : vector<16xi32>
      %parallel_loop3A_259 = tpu.vector_load_idx %arg15[%parallel_loop3A_258] : memref<2048xf32, #tpu.memory_space<vmem>>[vector<16xi32>], vector<16xf32>,
      %parallel_loop3A_260 = arith.addf %parallel_loop3A_255, %parallel_loop3A_259 : vector<16xf32>
      %parallel_loop3A_261 = arith.constant 9 : i32
      %parallel_loop3A_262 = vector.broadcast %parallel_loop3A_261 : i32 to vector<16xi32>
      %parallel_loop3A_263 = arith.addi %parallel_loop3A_219, %parallel_loop3A_262 : vector<16xi32>
      %parallel_loop3A_264 = tpu.vector_load_idx %arg15[%parallel_loop3A_263] : memref<2048xf32, #tpu.memory_space<vmem>>[vector<16xi32>], vector<16xf32>,
      %parallel_loop3A_265 = arith.addf %parallel_loop3A_260, %parallel_loop3A_264 : vector<16xf32>
      %parallel_loop3A_266 = arith.constant 10 : i32
      %parallel_loop3A_267 = vector.broadcast %parallel_loop3A_266 : i32 to vector<16xi32>
      %parallel_loop3A_268 = arith.addi %parallel_loop3A_219, %parallel_loop3A_267 : vector<16xi32>
      %parallel_loop3A_269 = tpu.vector_load_idx %arg15[%parallel_loop3A_268] : memref<2048xf32, #tpu.memory_space<vmem>>[vector<16xi32>], vector<16xf32>,
      %parallel_loop3A_270 = arith.addf %parallel_loop3A_265, %parallel_loop3A_269 : vector<16xf32>
      %parallel_loop3A_271 = arith.constant 11 : i32
      %parallel_loop3A_272 = vector.broadcast %parallel_loop3A_271 : i32 to vector<16xi32>
      %parallel_loop3A_273 = arith.addi %parallel_loop3A_219, %parallel_loop3A_272 : vector<16xi32>
      %parallel_loop3A_274 = tpu.vector_load_idx %arg15[%parallel_loop3A_273] : memref<2048xf32, #tpu.memory_space<vmem>>[vector<16xi32>], vector<16xf32>,
      %parallel_loop3A_275 = arith.addf %parallel_loop3A_270, %parallel_loop3A_274 : vector<16xf32>
      %parallel_loop3A_276 = arith.constant 12 : i32
      %parallel_loop3A_277 = vector.broadcast %parallel_loop3A_276 : i32 to vector<16xi32>
      %parallel_loop3A_278 = arith.addi %parallel_loop3A_219, %parallel_loop3A_277 : vector<16xi32>
      %parallel_loop3A_279 = tpu.vector_load_idx %arg15[%parallel_loop3A_278] : memref<2048xf32, #tpu.memory_space<vmem>>[vector<16xi32>], vector<16xf32>,
      %parallel_loop3A_280 = arith.addf %parallel_loop3A_275, %parallel_loop3A_279 : vector<16xf32>
      %parallel_loop3A_281 = arith.constant 13 : i32
      %parallel_loop3A_282 = vector.broadcast %parallel_loop3A_281 : i32 to vector<16xi32>
      %parallel_loop3A_283 = arith.addi %parallel_loop3A_219, %parallel_loop3A_282 : vector<16xi32>
      %parallel_loop3A_284 = tpu.vector_load_idx %arg15[%parallel_loop3A_283] : memref<2048xf32, #tpu.memory_space<vmem>>[vector<16xi32>], vector<16xf32>,
      %parallel_loop3A_285 = arith.addf %parallel_loop3A_280, %parallel_loop3A_284 : vector<16xf32>
      %parallel_loop3A_286 = arith.constant 14 : i32
      %parallel_loop3A_287 = vector.broadcast %parallel_loop3A_286 : i32 to vector<16xi32>
      %parallel_loop3A_288 = arith.addi %parallel_loop3A_219, %parallel_loop3A_287 : vector<16xi32>
      %parallel_loop3A_289 = tpu.vector_load_idx %arg15[%parallel_loop3A_288] : memref<2048xf32, #tpu.memory_space<vmem>>[vector<16xi32>], vector<16xf32>,
      %parallel_loop3A_290 = arith.addf %parallel_loop3A_285, %parallel_loop3A_289 : vector<16xf32>
      %parallel_loop3A_291 = arith.constant 15 : i32
      %parallel_loop3A_292 = vector.broadcast %parallel_loop3A_291 : i32 to vector<16xi32>
      %parallel_loop3A_293 = arith.addi %parallel_loop3A_219, %parallel_loop3A_292 : vector<16xi32>
      %parallel_loop3A_294 = tpu.vector_load_idx %arg15[%parallel_loop3A_293] : memref<2048xf32, #tpu.memory_space<vmem>>[vector<16xi32>], vector<16xf32>,
      %parallel_loop3A_295 = arith.addf %parallel_loop3A_290, %parallel_loop3A_294 : vector<16xf32>
      %parallel_loop3A_296 = arith.constant 16 : i32
      %parallel_loop3A_297 = arith.muli %parallel_loop3A_212, %parallel_loop3A_296 : i32
      %parallel_loop3A_298 = arith.constant 0 : i32
      %parallel_loop3A_299 = arith.addi %parallel_loop3A_298, %parallel_loop3A_297 : i32
      %parallel_loop3A_300 = arith.index_cast %parallel_loop3A_299 : i32 to index
      %parallel_loop3A_301 = tpu.vector_load %arg16[%parallel_loop3A_300] {strides = array<i32>} : memref<512xf32, #tpu.memory_space<vmem>>, vector<16xf32>,
      tpu.vector_store %arg16[%parallel_loop3A_300], %parallel_loop3A_295 {strides = array<i32>} : memref<512xf32, #tpu.memory_space<vmem>>, vector<16xf32>,
    } {sc.loop_unroll_factor = 2 : i64, sc.parallel_access}
    %dma_start3A_92 = arith.constant 256 : i32
    %dma_start3A_93 = tpu.memref_slice %arg9[%dma_start3A_92] : memref<512xi32, #tpu.memory_space<vmem>> -> memref<128xi32, #tpu.memory_space<vmem>>
    %dma_start3A_94 = arith.constant 0 : i32
    %dma_start3A_95 = arith.constant 0 : i32
    %dma_start3A_96 = tpu.memref_slice %arg2[%dma_start3A_94, %dma_start3A_95] : memref<100000x128xf32, #tpu.memory_space<hbm>> -> memref<100000x128xf32, #tpu.memory_space<hbm>>
    tpu.enqueue_indirect_dma source(%dma_start3A_96 : memref<100000x128xf32, #tpu.memory_space<hbm>>) target(%arg11 : memref<128x128xf32, #tpu.memory_space<vmem>>) offsets(%dma_start3A_93 : memref<128xi32, #tpu.memory_space<vmem>>) semaphore(%arg19 : memref<!tpu.dma_semaphore, #tpu.memory_space<semaphore_mem>>)
    %dma_start3A_97 = arith.constant 256 : i32
    %dma_start3A_98 = tpu.memref_slice %arg10[%dma_start3A_97] : memref<512xi32, #tpu.memory_space<vmem>> -> memref<128xi32, #tpu.memory_space<vmem>>
    %dma_start3A_99 = arith.constant 0 : i32
    %dma_start3A_100 = arith.constant 0 : i32
    %dma_start3A_101 = tpu.memref_slice %arg3[%dma_start3A_99, %dma_start3A_100] : memref<100000x128xf32, #tpu.memory_space<hbm>> -> memref<100000x128xf32, #tpu.memory_space<hbm>>
    tpu.enqueue_indirect_dma source(%dma_start3A_101 : memref<100000x128xf32, #tpu.memory_space<hbm>>) target(%arg12 : memref<128x128xf32, #tpu.memory_space<vmem>>) offsets(%dma_start3A_98 : memref<128xi32, #tpu.memory_space<vmem>>) semaphore(%arg20 : memref<!tpu.dma_semaphore, #tpu.memory_space<semaphore_mem>>)
    %dma_wait3A_102 = arith.constant 128 : i32
    %dma_wait3A_103 = tpu.memref_slice %arg9[%dma_wait3A_102] : memref<512xi32, #tpu.memory_space<vmem>> -> memref<128xi32, #tpu.memory_space<vmem>>
    %dma_wait3A_104 = arith.constant 0 : i32
    %dma_wait3A_105 = arith.constant 0 : i32
    %dma_wait3A_106 = tpu.memref_slice %arg2[%dma_wait3A_104, %dma_wait3A_105] : memref<100000x128xf32, #tpu.memory_space<hbm>> -> memref<100000x128xf32, #tpu.memory_space<hbm>>
    tpu.wait_indirect_dma semaphore(%arg21 : memref<!tpu.dma_semaphore, #tpu.memory_space<semaphore_mem>>) src(%dma_wait3A_106 : memref<100000x128xf32, #tpu.memory_space<hbm>>) dst(%arg13 : memref<128x128xf32, #tpu.memory_space<vmem>>)
    %dma_wait3A_107 = arith.constant 128 : i32
    %dma_wait3A_108 = tpu.memref_slice %arg10[%dma_wait3A_107] : memref<512xi32, #tpu.memory_space<vmem>> -> memref<128xi32, #tpu.memory_space<vmem>>
    %dma_wait3A_109 = arith.constant 0 : i32
    %dma_wait3A_110 = arith.constant 0 : i32
    %dma_wait3A_111 = tpu.memref_slice %arg3[%dma_wait3A_109, %dma_wait3A_110] : memref<100000x128xf32, #tpu.memory_space<hbm>> -> memref<100000x128xf32, #tpu.memory_space<hbm>>
    tpu.wait_indirect_dma semaphore(%arg22 : memref<!tpu.dma_semaphore, #tpu.memory_space<semaphore_mem>>) src(%dma_wait3A_111 : memref<100000x128xf32, #tpu.memory_space<hbm>>) dst(%arg14 : memref<128x128xf32, #tpu.memory_space<vmem>>)
    %parallel_loop3A_112 = arith.constant 0 : i32
    %parallel_loop3A_113 = arith.constant 128 : i32
    %parallel_loop3A_114 = arith.constant 1 : i32
    scf.for %parallel_loop3A_212 = %parallel_loop3A_112 to %parallel_loop3A_113 step %parallel_loop3A_114  : i32 {
      %parallel_loop3A_213 = arith.index_cast %parallel_loop3A_212 : i32 to index
      %parallel_loop3A_214 = arith.constant 0 : index
      %parallel_loop3A_215 = tpu.vector_load %arg13[%parallel_loop3A_213, %parallel_loop3A_214] {strides = array<i32>} : memref<128x128xf32, #tpu.memory_space<vmem>>, vector<16xf32>,
      %parallel_loop3A_216 = arith.index_cast %parallel_loop3A_212 : i32 to index
      %parallel_loop3A_217 = arith.constant 0 : index
      %parallel_loop3A_218 = tpu.vector_load %arg14[%parallel_loop3A_216, %parallel_loop3A_217] {strides = array<i32>} : memref<128x128xf32, #tpu.memory_space<vmem>>, vector<16xf32>,
      %parallel_loop3A_219 = arith.mulf %parallel_loop3A_215, %parallel_loop3A_218 : vector<16xf32>
      %parallel_loop3A_220 = arith.index_cast %parallel_loop3A_212 : i32 to index
      %parallel_loop3A_221 = arith.constant 16 : index
      %parallel_loop3A_222 = tpu.vector_load %arg13[%parallel_loop3A_220, %parallel_loop3A_221] {strides = array<i32>} : memref<128x128xf32, #tpu.memory_space<vmem>>, vector<16xf32>,
      %parallel_loop3A_223 = arith.index_cast %parallel_loop3A_212 : i32 to index
      %parallel_loop3A_224 = arith.constant 16 : index
      %parallel_loop3A_225 = tpu.vector_load %arg14[%parallel_loop3A_223, %parallel_loop3A_224] {strides = array<i32>} : memref<128x128xf32, #tpu.memory_space<vmem>>, vector<16xf32>,
      %parallel_loop3A_226 = arith.mulf %parallel_loop3A_222, %parallel_loop3A_225 : vector<16xf32>
      %parallel_loop3A_227 = arith.index_cast %parallel_loop3A_212 : i32 to index
      %parallel_loop3A_228 = arith.constant 32 : index
      %parallel_loop3A_229 = tpu.vector_load %arg13[%parallel_loop3A_227, %parallel_loop3A_228] {strides = array<i32>} : memref<128x128xf32, #tpu.memory_space<vmem>>, vector<16xf32>,
      %parallel_loop3A_230 = arith.index_cast %parallel_loop3A_212 : i32 to index
      %parallel_loop3A_231 = arith.constant 32 : index
      %parallel_loop3A_232 = tpu.vector_load %arg14[%parallel_loop3A_230, %parallel_loop3A_231] {strides = array<i32>} : memref<128x128xf32, #tpu.memory_space<vmem>>, vector<16xf32>,
      %parallel_loop3A_233 = arith.mulf %parallel_loop3A_229, %parallel_loop3A_232 : vector<16xf32>
      %parallel_loop3A_234 = arith.index_cast %parallel_loop3A_212 : i32 to index
      %parallel_loop3A_235 = arith.constant 48 : index
      %parallel_loop3A_236 = tpu.vector_load %arg13[%parallel_loop3A_234, %parallel_loop3A_235] {strides = array<i32>} : memref<128x128xf32, #tpu.memory_space<vmem>>, vector<16xf32>,
      %parallel_loop3A_237 = arith.index_cast %parallel_loop3A_212 : i32 to index
      %parallel_loop3A_238 = arith.constant 48 : index
      %parallel_loop3A_239 = tpu.vector_load %arg14[%parallel_loop3A_237, %parallel_loop3A_238] {strides = array<i32>} : memref<128x128xf32, #tpu.memory_space<vmem>>, vector<16xf32>,
      %parallel_loop3A_240 = arith.mulf %parallel_loop3A_236, %parallel_loop3A_239 : vector<16xf32>
      %parallel_loop3A_241 = arith.index_cast %parallel_loop3A_212 : i32 to index
      %parallel_loop3A_242 = arith.constant 64 : index
      %parallel_loop3A_243 = tpu.vector_load %arg13[%parallel_loop3A_241, %parallel_loop3A_242] {strides = array<i32>} : memref<128x128xf32, #tpu.memory_space<vmem>>, vector<16xf32>,
      %parallel_loop3A_244 = arith.index_cast %parallel_loop3A_212 : i32 to index
      %parallel_loop3A_245 = arith.constant 64 : index
      %parallel_loop3A_246 = tpu.vector_load %arg14[%parallel_loop3A_244, %parallel_loop3A_245] {strides = array<i32>} : memref<128x128xf32, #tpu.memory_space<vmem>>, vector<16xf32>,
      %parallel_loop3A_247 = arith.mulf %parallel_loop3A_243, %parallel_loop3A_246 : vector<16xf32>
      %parallel_loop3A_248 = arith.index_cast %parallel_loop3A_212 : i32 to index
      %parallel_loop3A_249 = arith.constant 80 : index
      %parallel_loop3A_250 = tpu.vector_load %arg13[%parallel_loop3A_248, %parallel_loop3A_249] {strides = array<i32>} : memref<128x128xf32, #tpu.memory_space<vmem>>, vector<16xf32>,
      %parallel_loop3A_251 = arith.index_cast %parallel_loop3A_212 : i32 to index
      %parallel_loop3A_252 = arith.constant 80 : index
      %parallel_loop3A_253 = tpu.vector_load %arg14[%parallel_loop3A_251, %parallel_loop3A_252] {strides = array<i32>} : memref<128x128xf32, #tpu.memory_space<vmem>>, vector<16xf32>,
      %parallel_loop3A_254 = arith.mulf %parallel_loop3A_250, %parallel_loop3A_253 : vector<16xf32>
      %parallel_loop3A_255 = arith.index_cast %parallel_loop3A_212 : i32 to index
      %parallel_loop3A_256 = arith.constant 96 : index
      %parallel_loop3A_257 = tpu.vector_load %arg13[%parallel_loop3A_255, %parallel_loop3A_256] {strides = array<i32>} : memref<128x128xf32, #tpu.memory_space<vmem>>, vector<16xf32>,
      %parallel_loop3A_258 = arith.index_cast %parallel_loop3A_212 : i32 to index
      %parallel_loop3A_259 = arith.constant 96 : index
      %parallel_loop3A_260 = tpu.vector_load %arg14[%parallel_loop3A_258, %parallel_loop3A_259] {strides = array<i32>} : memref<128x128xf32, #tpu.memory_space<vmem>>, vector<16xf32>,
      %parallel_loop3A_261 = arith.mulf %parallel_loop3A_257, %parallel_loop3A_260 : vector<16xf32>
      %parallel_loop3A_262 = arith.index_cast %parallel_loop3A_212 : i32 to index
      %parallel_loop3A_263 = arith.constant 112 : index
      %parallel_loop3A_264 = tpu.vector_load %arg13[%parallel_loop3A_262, %parallel_loop3A_263] {strides = array<i32>} : memref<128x128xf32, #tpu.memory_space<vmem>>, vector<16xf32>,
      %parallel_loop3A_265 = arith.index_cast %parallel_loop3A_212 : i32 to index
      %parallel_loop3A_266 = arith.constant 112 : index
      %parallel_loop3A_267 = tpu.vector_load %arg14[%parallel_loop3A_265, %parallel_loop3A_266] {strides = array<i32>} : memref<128x128xf32, #tpu.memory_space<vmem>>, vector<16xf32>,
      %parallel_loop3A_268 = arith.mulf %parallel_loop3A_264, %parallel_loop3A_267 : vector<16xf32>
      %parallel_loop3A_269 = arith.addf %parallel_loop3A_219, %parallel_loop3A_226 : vector<16xf32>
      %parallel_loop3A_270 = arith.addf %parallel_loop3A_233, %parallel_loop3A_240 : vector<16xf32>
      %parallel_loop3A_271 = arith.addf %parallel_loop3A_247, %parallel_loop3A_254 : vector<16xf32>
      %parallel_loop3A_272 = arith.addf %parallel_loop3A_261, %parallel_loop3A_268 : vector<16xf32>
      %parallel_loop3A_273 = arith.addf %parallel_loop3A_269, %parallel_loop3A_270 : vector<16xf32>
      %parallel_loop3A_274 = arith.addf %parallel_loop3A_271, %parallel_loop3A_272 : vector<16xf32>
      %parallel_loop3A_275 = arith.addf %parallel_loop3A_273, %parallel_loop3A_274 : vector<16xf32>
      %parallel_loop3A_276 = arith.constant 16 : i32
      %parallel_loop3A_277 = arith.muli %parallel_loop3A_212, %parallel_loop3A_276 : i32
      %parallel_loop3A_278 = arith.index_cast %parallel_loop3A_277 : i32 to index
      %parallel_loop3A_279 = tpu.vector_load %arg15[%parallel_loop3A_278] {strides = array<i32>} : memref<2048xf32, #tpu.memory_space<vmem>>, vector<16xf32>,
      tpu.vector_store %arg15[%parallel_loop3A_278], %parallel_loop3A_275 {strides = array<i32>} : memref<2048xf32, #tpu.memory_space<vmem>>, vector<16xf32>,
    } {sc.loop_unroll_factor = 2 : i64, sc.parallel_access}
    %parallel_loop3A_115 = arith.constant 0 : i32
    %parallel_loop3A_116 = arith.constant 8 : i32
    %parallel_loop3A_117 = arith.constant 1 : i32
    scf.for %parallel_loop3A_212 = %parallel_loop3A_115 to %parallel_loop3A_116 step %parallel_loop3A_117  : i32 {
      %parallel_loop3A_213 = arith.constant 256 : i32
      %parallel_loop3A_214 = arith.muli %parallel_loop3A_212, %parallel_loop3A_213 : i32
      %parallel_loop3A_215 = arith.constant 16 : i32
      %parallel_loop3A_216 = vector.broadcast %parallel_loop3A_215 : i32 to vector<16xi32>
      %parallel_loop3A_217 = arith.muli %iota3A, %parallel_loop3A_216 : vector<16xi32>
      %parallel_loop3A_218 = vector.broadcast %parallel_loop3A_214 : i32 to vector<16xi32>
      %parallel_loop3A_219 = arith.addi %parallel_loop3A_218, %parallel_loop3A_217 : vector<16xi32>
      %parallel_loop3A_220 = tpu.vector_load_idx %arg15[%parallel_loop3A_219] : memref<2048xf32, #tpu.memory_space<vmem>>[vector<16xi32>], vector<16xf32>,
      %parallel_loop3A_221 = arith.constant 1 : i32
      %parallel_loop3A_222 = vector.broadcast %parallel_loop3A_221 : i32 to vector<16xi32>
      %parallel_loop3A_223 = arith.addi %parallel_loop3A_219, %parallel_loop3A_222 : vector<16xi32>
      %parallel_loop3A_224 = tpu.vector_load_idx %arg15[%parallel_loop3A_223] : memref<2048xf32, #tpu.memory_space<vmem>>[vector<16xi32>], vector<16xf32>,
      %parallel_loop3A_225 = arith.addf %parallel_loop3A_220, %parallel_loop3A_224 : vector<16xf32>
      %parallel_loop3A_226 = arith.constant 2 : i32
      %parallel_loop3A_227 = vector.broadcast %parallel_loop3A_226 : i32 to vector<16xi32>
      %parallel_loop3A_228 = arith.addi %parallel_loop3A_219, %parallel_loop3A_227 : vector<16xi32>
      %parallel_loop3A_229 = tpu.vector_load_idx %arg15[%parallel_loop3A_228] : memref<2048xf32, #tpu.memory_space<vmem>>[vector<16xi32>], vector<16xf32>,
      %parallel_loop3A_230 = arith.addf %parallel_loop3A_225, %parallel_loop3A_229 : vector<16xf32>
      %parallel_loop3A_231 = arith.constant 3 : i32
      %parallel_loop3A_232 = vector.broadcast %parallel_loop3A_231 : i32 to vector<16xi32>
      %parallel_loop3A_233 = arith.addi %parallel_loop3A_219, %parallel_loop3A_232 : vector<16xi32>
      %parallel_loop3A_234 = tpu.vector_load_idx %arg15[%parallel_loop3A_233] : memref<2048xf32, #tpu.memory_space<vmem>>[vector<16xi32>], vector<16xf32>,
      %parallel_loop3A_235 = arith.addf %parallel_loop3A_230, %parallel_loop3A_234 : vector<16xf32>
      %parallel_loop3A_236 = arith.constant 4 : i32
      %parallel_loop3A_237 = vector.broadcast %parallel_loop3A_236 : i32 to vector<16xi32>
      %parallel_loop3A_238 = arith.addi %parallel_loop3A_219, %parallel_loop3A_237 : vector<16xi32>
      %parallel_loop3A_239 = tpu.vector_load_idx %arg15[%parallel_loop3A_238] : memref<2048xf32, #tpu.memory_space<vmem>>[vector<16xi32>], vector<16xf32>,
      %parallel_loop3A_240 = arith.addf %parallel_loop3A_235, %parallel_loop3A_239 : vector<16xf32>
      %parallel_loop3A_241 = arith.constant 5 : i32
      %parallel_loop3A_242 = vector.broadcast %parallel_loop3A_241 : i32 to vector<16xi32>
      %parallel_loop3A_243 = arith.addi %parallel_loop3A_219, %parallel_loop3A_242 : vector<16xi32>
      %parallel_loop3A_244 = tpu.vector_load_idx %arg15[%parallel_loop3A_243] : memref<2048xf32, #tpu.memory_space<vmem>>[vector<16xi32>], vector<16xf32>,
      %parallel_loop3A_245 = arith.addf %parallel_loop3A_240, %parallel_loop3A_244 : vector<16xf32>
      %parallel_loop3A_246 = arith.constant 6 : i32
      %parallel_loop3A_247 = vector.broadcast %parallel_loop3A_246 : i32 to vector<16xi32>
      %parallel_loop3A_248 = arith.addi %parallel_loop3A_219, %parallel_loop3A_247 : vector<16xi32>
      %parallel_loop3A_249 = tpu.vector_load_idx %arg15[%parallel_loop3A_248] : memref<2048xf32, #tpu.memory_space<vmem>>[vector<16xi32>], vector<16xf32>,
      %parallel_loop3A_250 = arith.addf %parallel_loop3A_245, %parallel_loop3A_249 : vector<16xf32>
      %parallel_loop3A_251 = arith.constant 7 : i32
      %parallel_loop3A_252 = vector.broadcast %parallel_loop3A_251 : i32 to vector<16xi32>
      %parallel_loop3A_253 = arith.addi %parallel_loop3A_219, %parallel_loop3A_252 : vector<16xi32>
      %parallel_loop3A_254 = tpu.vector_load_idx %arg15[%parallel_loop3A_253] : memref<2048xf32, #tpu.memory_space<vmem>>[vector<16xi32>], vector<16xf32>,
      %parallel_loop3A_255 = arith.addf %parallel_loop3A_250, %parallel_loop3A_254 : vector<16xf32>
      %parallel_loop3A_256 = arith.constant 8 : i32
      %parallel_loop3A_257 = vector.broadcast %parallel_loop3A_256 : i32 to vector<16xi32>
      %parallel_loop3A_258 = arith.addi %parallel_loop3A_219, %parallel_loop3A_257 : vector<16xi32>
      %parallel_loop3A_259 = tpu.vector_load_idx %arg15[%parallel_loop3A_258] : memref<2048xf32, #tpu.memory_space<vmem>>[vector<16xi32>], vector<16xf32>,
      %parallel_loop3A_260 = arith.addf %parallel_loop3A_255, %parallel_loop3A_259 : vector<16xf32>
      %parallel_loop3A_261 = arith.constant 9 : i32
      %parallel_loop3A_262 = vector.broadcast %parallel_loop3A_261 : i32 to vector<16xi32>
      %parallel_loop3A_263 = arith.addi %parallel_loop3A_219, %parallel_loop3A_262 : vector<16xi32>
      %parallel_loop3A_264 = tpu.vector_load_idx %arg15[%parallel_loop3A_263] : memref<2048xf32, #tpu.memory_space<vmem>>[vector<16xi32>], vector<16xf32>,
      %parallel_loop3A_265 = arith.addf %parallel_loop3A_260, %parallel_loop3A_264 : vector<16xf32>
      %parallel_loop3A_266 = arith.constant 10 : i32
      %parallel_loop3A_267 = vector.broadcast %parallel_loop3A_266 : i32 to vector<16xi32>
      %parallel_loop3A_268 = arith.addi %parallel_loop3A_219, %parallel_loop3A_267 : vector<16xi32>
      %parallel_loop3A_269 = tpu.vector_load_idx %arg15[%parallel_loop3A_268] : memref<2048xf32, #tpu.memory_space<vmem>>[vector<16xi32>], vector<16xf32>,
      %parallel_loop3A_270 = arith.addf %parallel_loop3A_265, %parallel_loop3A_269 : vector<16xf32>
      %parallel_loop3A_271 = arith.constant 11 : i32
      %parallel_loop3A_272 = vector.broadcast %parallel_loop3A_271 : i32 to vector<16xi32>
      %parallel_loop3A_273 = arith.addi %parallel_loop3A_219, %parallel_loop3A_272 : vector<16xi32>
      %parallel_loop3A_274 = tpu.vector_load_idx %arg15[%parallel_loop3A_273] : memref<2048xf32, #tpu.memory_space<vmem>>[vector<16xi32>], vector<16xf32>,
      %parallel_loop3A_275 = arith.addf %parallel_loop3A_270, %parallel_loop3A_274 : vector<16xf32>
      %parallel_loop3A_276 = arith.constant 12 : i32
      %parallel_loop3A_277 = vector.broadcast %parallel_loop3A_276 : i32 to vector<16xi32>
      %parallel_loop3A_278 = arith.addi %parallel_loop3A_219, %parallel_loop3A_277 : vector<16xi32>
      %parallel_loop3A_279 = tpu.vector_load_idx %arg15[%parallel_loop3A_278] : memref<2048xf32, #tpu.memory_space<vmem>>[vector<16xi32>], vector<16xf32>,
      %parallel_loop3A_280 = arith.addf %parallel_loop3A_275, %parallel_loop3A_279 : vector<16xf32>
      %parallel_loop3A_281 = arith.constant 13 : i32
      %parallel_loop3A_282 = vector.broadcast %parallel_loop3A_281 : i32 to vector<16xi32>
      %parallel_loop3A_283 = arith.addi %parallel_loop3A_219, %parallel_loop3A_282 : vector<16xi32>
      %parallel_loop3A_284 = tpu.vector_load_idx %arg15[%parallel_loop3A_283] : memref<2048xf32, #tpu.memory_space<vmem>>[vector<16xi32>], vector<16xf32>,
      %parallel_loop3A_285 = arith.addf %parallel_loop3A_280, %parallel_loop3A_284 : vector<16xf32>
      %parallel_loop3A_286 = arith.constant 14 : i32
      %parallel_loop3A_287 = vector.broadcast %parallel_loop3A_286 : i32 to vector<16xi32>
      %parallel_loop3A_288 = arith.addi %parallel_loop3A_219, %parallel_loop3A_287 : vector<16xi32>
      %parallel_loop3A_289 = tpu.vector_load_idx %arg15[%parallel_loop3A_288] : memref<2048xf32, #tpu.memory_space<vmem>>[vector<16xi32>], vector<16xf32>,
      %parallel_loop3A_290 = arith.addf %parallel_loop3A_285, %parallel_loop3A_289 : vector<16xf32>
      %parallel_loop3A_291 = arith.constant 15 : i32
      %parallel_loop3A_292 = vector.broadcast %parallel_loop3A_291 : i32 to vector<16xi32>
      %parallel_loop3A_293 = arith.addi %parallel_loop3A_219, %parallel_loop3A_292 : vector<16xi32>
      %parallel_loop3A_294 = tpu.vector_load_idx %arg15[%parallel_loop3A_293] : memref<2048xf32, #tpu.memory_space<vmem>>[vector<16xi32>], vector<16xf32>,
      %parallel_loop3A_295 = arith.addf %parallel_loop3A_290, %parallel_loop3A_294 : vector<16xf32>
      %parallel_loop3A_296 = arith.constant 16 : i32
      %parallel_loop3A_297 = arith.muli %parallel_loop3A_212, %parallel_loop3A_296 : i32
      %parallel_loop3A_298 = arith.constant 128 : i32
      %parallel_loop3A_299 = arith.addi %parallel_loop3A_298, %parallel_loop3A_297 : i32
      %parallel_loop3A_300 = arith.index_cast %parallel_loop3A_299 : i32 to index
      %parallel_loop3A_301 = tpu.vector_load %arg16[%parallel_loop3A_300] {strides = array<i32>} : memref<512xf32, #tpu.memory_space<vmem>>, vector<16xf32>,
      tpu.vector_store %arg16[%parallel_loop3A_300], %parallel_loop3A_295 {strides = array<i32>} : memref<512xf32, #tpu.memory_space<vmem>>, vector<16xf32>,
    } {sc.loop_unroll_factor = 2 : i64, sc.parallel_access}
    %dma_start3A_118 = arith.constant 384 : i32
    %dma_start3A_119 = tpu.memref_slice %arg9[%dma_start3A_118] : memref<512xi32, #tpu.memory_space<vmem>> -> memref<128xi32, #tpu.memory_space<vmem>>
    %dma_start3A_120 = arith.constant 0 : i32
    %dma_start3A_121 = arith.constant 0 : i32
    %dma_start3A_122 = tpu.memref_slice %arg2[%dma_start3A_120, %dma_start3A_121] : memref<100000x128xf32, #tpu.memory_space<hbm>> -> memref<100000x128xf32, #tpu.memory_space<hbm>>
    tpu.enqueue_indirect_dma source(%dma_start3A_122 : memref<100000x128xf32, #tpu.memory_space<hbm>>) target(%arg13 : memref<128x128xf32, #tpu.memory_space<vmem>>) offsets(%dma_start3A_119 : memref<128xi32, #tpu.memory_space<vmem>>) semaphore(%arg21 : memref<!tpu.dma_semaphore, #tpu.memory_space<semaphore_mem>>)
    %dma_start3A_123 = arith.constant 384 : i32
    %dma_start3A_124 = tpu.memref_slice %arg10[%dma_start3A_123] : memref<512xi32, #tpu.memory_space<vmem>> -> memref<128xi32, #tpu.memory_space<vmem>>
    %dma_start3A_125 = arith.constant 0 : i32
    %dma_start3A_126 = arith.constant 0 : i32
    %dma_start3A_127 = tpu.memref_slice %arg3[%dma_start3A_125, %dma_start3A_126] : memref<100000x128xf32, #tpu.memory_space<hbm>> -> memref<100000x128xf32, #tpu.memory_space<hbm>>
    tpu.enqueue_indirect_dma source(%dma_start3A_127 : memref<100000x128xf32, #tpu.memory_space<hbm>>) target(%arg14 : memref<128x128xf32, #tpu.memory_space<vmem>>) offsets(%dma_start3A_124 : memref<128xi32, #tpu.memory_space<vmem>>) semaphore(%arg22 : memref<!tpu.dma_semaphore, #tpu.memory_space<semaphore_mem>>)
    %dma_wait3A_128 = arith.constant 256 : i32
    %dma_wait3A_129 = tpu.memref_slice %arg9[%dma_wait3A_128] : memref<512xi32, #tpu.memory_space<vmem>> -> memref<128xi32, #tpu.memory_space<vmem>>
    %dma_wait3A_130 = arith.constant 0 : i32
    %dma_wait3A_131 = arith.constant 0 : i32
    %dma_wait3A_132 = tpu.memref_slice %arg2[%dma_wait3A_130, %dma_wait3A_131] : memref<100000x128xf32, #tpu.memory_space<hbm>> -> memref<100000x128xf32, #tpu.memory_space<hbm>>
    tpu.wait_indirect_dma semaphore(%arg19 : memref<!tpu.dma_semaphore, #tpu.memory_space<semaphore_mem>>) src(%dma_wait3A_132 : memref<100000x128xf32, #tpu.memory_space<hbm>>) dst(%arg11 : memref<128x128xf32, #tpu.memory_space<vmem>>)
    %dma_wait3A_133 = arith.constant 256 : i32
    %dma_wait3A_134 = tpu.memref_slice %arg10[%dma_wait3A_133] : memref<512xi32, #tpu.memory_space<vmem>> -> memref<128xi32, #tpu.memory_space<vmem>>
    %dma_wait3A_135 = arith.constant 0 : i32
    %dma_wait3A_136 = arith.constant 0 : i32
    %dma_wait3A_137 = tpu.memref_slice %arg3[%dma_wait3A_135, %dma_wait3A_136] : memref<100000x128xf32, #tpu.memory_space<hbm>> -> memref<100000x128xf32, #tpu.memory_space<hbm>>
    tpu.wait_indirect_dma semaphore(%arg20 : memref<!tpu.dma_semaphore, #tpu.memory_space<semaphore_mem>>) src(%dma_wait3A_137 : memref<100000x128xf32, #tpu.memory_space<hbm>>) dst(%arg12 : memref<128x128xf32, #tpu.memory_space<vmem>>)
    %parallel_loop3A_138 = arith.constant 0 : i32
    %parallel_loop3A_139 = arith.constant 128 : i32
    %parallel_loop3A_140 = arith.constant 1 : i32
    scf.for %parallel_loop3A_212 = %parallel_loop3A_138 to %parallel_loop3A_139 step %parallel_loop3A_140  : i32 {
      %parallel_loop3A_213 = arith.index_cast %parallel_loop3A_212 : i32 to index
      %parallel_loop3A_214 = arith.constant 0 : index
      %parallel_loop3A_215 = tpu.vector_load %arg11[%parallel_loop3A_213, %parallel_loop3A_214] {strides = array<i32>} : memref<128x128xf32, #tpu.memory_space<vmem>>, vector<16xf32>,
      %parallel_loop3A_216 = arith.index_cast %parallel_loop3A_212 : i32 to index
      %parallel_loop3A_217 = arith.constant 0 : index
      %parallel_loop3A_218 = tpu.vector_load %arg12[%parallel_loop3A_216, %parallel_loop3A_217] {strides = array<i32>} : memref<128x128xf32, #tpu.memory_space<vmem>>, vector<16xf32>,
      %parallel_loop3A_219 = arith.mulf %parallel_loop3A_215, %parallel_loop3A_218 : vector<16xf32>
      %parallel_loop3A_220 = arith.index_cast %parallel_loop3A_212 : i32 to index
      %parallel_loop3A_221 = arith.constant 16 : index
      %parallel_loop3A_222 = tpu.vector_load %arg11[%parallel_loop3A_220, %parallel_loop3A_221] {strides = array<i32>} : memref<128x128xf32, #tpu.memory_space<vmem>>, vector<16xf32>,
      %parallel_loop3A_223 = arith.index_cast %parallel_loop3A_212 : i32 to index
      %parallel_loop3A_224 = arith.constant 16 : index
      %parallel_loop3A_225 = tpu.vector_load %arg12[%parallel_loop3A_223, %parallel_loop3A_224] {strides = array<i32>} : memref<128x128xf32, #tpu.memory_space<vmem>>, vector<16xf32>,
      %parallel_loop3A_226 = arith.mulf %parallel_loop3A_222, %parallel_loop3A_225 : vector<16xf32>
      %parallel_loop3A_227 = arith.index_cast %parallel_loop3A_212 : i32 to index
      %parallel_loop3A_228 = arith.constant 32 : index
      %parallel_loop3A_229 = tpu.vector_load %arg11[%parallel_loop3A_227, %parallel_loop3A_228] {strides = array<i32>} : memref<128x128xf32, #tpu.memory_space<vmem>>, vector<16xf32>,
      %parallel_loop3A_230 = arith.index_cast %parallel_loop3A_212 : i32 to index
      %parallel_loop3A_231 = arith.constant 32 : index
      %parallel_loop3A_232 = tpu.vector_load %arg12[%parallel_loop3A_230, %parallel_loop3A_231] {strides = array<i32>} : memref<128x128xf32, #tpu.memory_space<vmem>>, vector<16xf32>,
      %parallel_loop3A_233 = arith.mulf %parallel_loop3A_229, %parallel_loop3A_232 : vector<16xf32>
      %parallel_loop3A_234 = arith.index_cast %parallel_loop3A_212 : i32 to index
      %parallel_loop3A_235 = arith.constant 48 : index
      %parallel_loop3A_236 = tpu.vector_load %arg11[%parallel_loop3A_234, %parallel_loop3A_235] {strides = array<i32>} : memref<128x128xf32, #tpu.memory_space<vmem>>, vector<16xf32>,
      %parallel_loop3A_237 = arith.index_cast %parallel_loop3A_212 : i32 to index
      %parallel_loop3A_238 = arith.constant 48 : index
      %parallel_loop3A_239 = tpu.vector_load %arg12[%parallel_loop3A_237, %parallel_loop3A_238] {strides = array<i32>} : memref<128x128xf32, #tpu.memory_space<vmem>>, vector<16xf32>,
      %parallel_loop3A_240 = arith.mulf %parallel_loop3A_236, %parallel_loop3A_239 : vector<16xf32>
      %parallel_loop3A_241 = arith.index_cast %parallel_loop3A_212 : i32 to index
      %parallel_loop3A_242 = arith.constant 64 : index
      %parallel_loop3A_243 = tpu.vector_load %arg11[%parallel_loop3A_241, %parallel_loop3A_242] {strides = array<i32>} : memref<128x128xf32, #tpu.memory_space<vmem>>, vector<16xf32>,
      %parallel_loop3A_244 = arith.index_cast %parallel_loop3A_212 : i32 to index
      %parallel_loop3A_245 = arith.constant 64 : index
      %parallel_loop3A_246 = tpu.vector_load %arg12[%parallel_loop3A_244, %parallel_loop3A_245] {strides = array<i32>} : memref<128x128xf32, #tpu.memory_space<vmem>>, vector<16xf32>,
      %parallel_loop3A_247 = arith.mulf %parallel_loop3A_243, %parallel_loop3A_246 : vector<16xf32>
      %parallel_loop3A_248 = arith.index_cast %parallel_loop3A_212 : i32 to index
      %parallel_loop3A_249 = arith.constant 80 : index
      %parallel_loop3A_250 = tpu.vector_load %arg11[%parallel_loop3A_248, %parallel_loop3A_249] {strides = array<i32>} : memref<128x128xf32, #tpu.memory_space<vmem>>, vector<16xf32>,
      %parallel_loop3A_251 = arith.index_cast %parallel_loop3A_212 : i32 to index
      %parallel_loop3A_252 = arith.constant 80 : index
      %parallel_loop3A_253 = tpu.vector_load %arg12[%parallel_loop3A_251, %parallel_loop3A_252] {strides = array<i32>} : memref<128x128xf32, #tpu.memory_space<vmem>>, vector<16xf32>,
      %parallel_loop3A_254 = arith.mulf %parallel_loop3A_250, %parallel_loop3A_253 : vector<16xf32>
      %parallel_loop3A_255 = arith.index_cast %parallel_loop3A_212 : i32 to index
      %parallel_loop3A_256 = arith.constant 96 : index
      %parallel_loop3A_257 = tpu.vector_load %arg11[%parallel_loop3A_255, %parallel_loop3A_256] {strides = array<i32>} : memref<128x128xf32, #tpu.memory_space<vmem>>, vector<16xf32>,
      %parallel_loop3A_258 = arith.index_cast %parallel_loop3A_212 : i32 to index
      %parallel_loop3A_259 = arith.constant 96 : index
      %parallel_loop3A_260 = tpu.vector_load %arg12[%parallel_loop3A_258, %parallel_loop3A_259] {strides = array<i32>} : memref<128x128xf32, #tpu.memory_space<vmem>>, vector<16xf32>,
      %parallel_loop3A_261 = arith.mulf %parallel_loop3A_257, %parallel_loop3A_260 : vector<16xf32>
      %parallel_loop3A_262 = arith.index_cast %parallel_loop3A_212 : i32 to index
      %parallel_loop3A_263 = arith.constant 112 : index
      %parallel_loop3A_264 = tpu.vector_load %arg11[%parallel_loop3A_262, %parallel_loop3A_263] {strides = array<i32>} : memref<128x128xf32, #tpu.memory_space<vmem>>, vector<16xf32>,
      %parallel_loop3A_265 = arith.index_cast %parallel_loop3A_212 : i32 to index
      %parallel_loop3A_266 = arith.constant 112 : index
      %parallel_loop3A_267 = tpu.vector_load %arg12[%parallel_loop3A_265, %parallel_loop3A_266] {strides = array<i32>} : memref<128x128xf32, #tpu.memory_space<vmem>>, vector<16xf32>,
      %parallel_loop3A_268 = arith.mulf %parallel_loop3A_264, %parallel_loop3A_267 : vector<16xf32>
      %parallel_loop3A_269 = arith.addf %parallel_loop3A_219, %parallel_loop3A_226 : vector<16xf32>
      %parallel_loop3A_270 = arith.addf %parallel_loop3A_233, %parallel_loop3A_240 : vector<16xf32>
      %parallel_loop3A_271 = arith.addf %parallel_loop3A_247, %parallel_loop3A_254 : vector<16xf32>
      %parallel_loop3A_272 = arith.addf %parallel_loop3A_261, %parallel_loop3A_268 : vector<16xf32>
      %parallel_loop3A_273 = arith.addf %parallel_loop3A_269, %parallel_loop3A_270 : vector<16xf32>
      %parallel_loop3A_274 = arith.addf %parallel_loop3A_271, %parallel_loop3A_272 : vector<16xf32>
      %parallel_loop3A_275 = arith.addf %parallel_loop3A_273, %parallel_loop3A_274 : vector<16xf32>
      %parallel_loop3A_276 = arith.constant 16 : i32
      %parallel_loop3A_277 = arith.muli %parallel_loop3A_212, %parallel_loop3A_276 : i32
      %parallel_loop3A_278 = arith.index_cast %parallel_loop3A_277 : i32 to index
      %parallel_loop3A_279 = tpu.vector_load %arg15[%parallel_loop3A_278] {strides = array<i32>} : memref<2048xf32, #tpu.memory_space<vmem>>, vector<16xf32>,
      tpu.vector_store %arg15[%parallel_loop3A_278], %parallel_loop3A_275 {strides = array<i32>} : memref<2048xf32, #tpu.memory_space<vmem>>, vector<16xf32>,
    } {sc.loop_unroll_factor = 2 : i64, sc.parallel_access}
    %parallel_loop3A_141 = arith.constant 0 : i32
    %parallel_loop3A_142 = arith.constant 8 : i32
    %parallel_loop3A_143 = arith.constant 1 : i32
    scf.for %parallel_loop3A_212 = %parallel_loop3A_141 to %parallel_loop3A_142 step %parallel_loop3A_143  : i32 {
      %parallel_loop3A_213 = arith.constant 256 : i32
      %parallel_loop3A_214 = arith.muli %parallel_loop3A_212, %parallel_loop3A_213 : i32
      %parallel_loop3A_215 = arith.constant 16 : i32
      %parallel_loop3A_216 = vector.broadcast %parallel_loop3A_215 : i32 to vector<16xi32>
      %parallel_loop3A_217 = arith.muli %iota3A, %parallel_loop3A_216 : vector<16xi32>
      %parallel_loop3A_218 = vector.broadcast %parallel_loop3A_214 : i32 to vector<16xi32>
      %parallel_loop3A_219 = arith.addi %parallel_loop3A_218, %parallel_loop3A_217 : vector<16xi32>
      %parallel_loop3A_220 = tpu.vector_load_idx %arg15[%parallel_loop3A_219] : memref<2048xf32, #tpu.memory_space<vmem>>[vector<16xi32>], vector<16xf32>,
      %parallel_loop3A_221 = arith.constant 1 : i32
      %parallel_loop3A_222 = vector.broadcast %parallel_loop3A_221 : i32 to vector<16xi32>
      %parallel_loop3A_223 = arith.addi %parallel_loop3A_219, %parallel_loop3A_222 : vector<16xi32>
      %parallel_loop3A_224 = tpu.vector_load_idx %arg15[%parallel_loop3A_223] : memref<2048xf32, #tpu.memory_space<vmem>>[vector<16xi32>], vector<16xf32>,
      %parallel_loop3A_225 = arith.addf %parallel_loop3A_220, %parallel_loop3A_224 : vector<16xf32>
      %parallel_loop3A_226 = arith.constant 2 : i32
      %parallel_loop3A_227 = vector.broadcast %parallel_loop3A_226 : i32 to vector<16xi32>
      %parallel_loop3A_228 = arith.addi %parallel_loop3A_219, %parallel_loop3A_227 : vector<16xi32>
      %parallel_loop3A_229 = tpu.vector_load_idx %arg15[%parallel_loop3A_228] : memref<2048xf32, #tpu.memory_space<vmem>>[vector<16xi32>], vector<16xf32>,
      %parallel_loop3A_230 = arith.addf %parallel_loop3A_225, %parallel_loop3A_229 : vector<16xf32>
      %parallel_loop3A_231 = arith.constant 3 : i32
      %parallel_loop3A_232 = vector.broadcast %parallel_loop3A_231 : i32 to vector<16xi32>
      %parallel_loop3A_233 = arith.addi %parallel_loop3A_219, %parallel_loop3A_232 : vector<16xi32>
      %parallel_loop3A_234 = tpu.vector_load_idx %arg15[%parallel_loop3A_233] : memref<2048xf32, #tpu.memory_space<vmem>>[vector<16xi32>], vector<16xf32>,
      %parallel_loop3A_235 = arith.addf %parallel_loop3A_230, %parallel_loop3A_234 : vector<16xf32>
      %parallel_loop3A_236 = arith.constant 4 : i32
      %parallel_loop3A_237 = vector.broadcast %parallel_loop3A_236 : i32 to vector<16xi32>
      %parallel_loop3A_238 = arith.addi %parallel_loop3A_219, %parallel_loop3A_237 : vector<16xi32>
      %parallel_loop3A_239 = tpu.vector_load_idx %arg15[%parallel_loop3A_238] : memref<2048xf32, #tpu.memory_space<vmem>>[vector<16xi32>], vector<16xf32>,
      %parallel_loop3A_240 = arith.addf %parallel_loop3A_235, %parallel_loop3A_239 : vector<16xf32>
      %parallel_loop3A_241 = arith.constant 5 : i32
      %parallel_loop3A_242 = vector.broadcast %parallel_loop3A_241 : i32 to vector<16xi32>
      %parallel_loop3A_243 = arith.addi %parallel_loop3A_219, %parallel_loop3A_242 : vector<16xi32>
      %parallel_loop3A_244 = tpu.vector_load_idx %arg15[%parallel_loop3A_243] : memref<2048xf32, #tpu.memory_space<vmem>>[vector<16xi32>], vector<16xf32>,
      %parallel_loop3A_245 = arith.addf %parallel_loop3A_240, %parallel_loop3A_244 : vector<16xf32>
      %parallel_loop3A_246 = arith.constant 6 : i32
      %parallel_loop3A_247 = vector.broadcast %parallel_loop3A_246 : i32 to vector<16xi32>
      %parallel_loop3A_248 = arith.addi %parallel_loop3A_219, %parallel_loop3A_247 : vector<16xi32>
      %parallel_loop3A_249 = tpu.vector_load_idx %arg15[%parallel_loop3A_248] : memref<2048xf32, #tpu.memory_space<vmem>>[vector<16xi32>], vector<16xf32>,
      %parallel_loop3A_250 = arith.addf %parallel_loop3A_245, %parallel_loop3A_249 : vector<16xf32>
      %parallel_loop3A_251 = arith.constant 7 : i32
      %parallel_loop3A_252 = vector.broadcast %parallel_loop3A_251 : i32 to vector<16xi32>
      %parallel_loop3A_253 = arith.addi %parallel_loop3A_219, %parallel_loop3A_252 : vector<16xi32>
      %parallel_loop3A_254 = tpu.vector_load_idx %arg15[%parallel_loop3A_253] : memref<2048xf32, #tpu.memory_space<vmem>>[vector<16xi32>], vector<16xf32>,
      %parallel_loop3A_255 = arith.addf %parallel_loop3A_250, %parallel_loop3A_254 : vector<16xf32>
      %parallel_loop3A_256 = arith.constant 8 : i32
      %parallel_loop3A_257 = vector.broadcast %parallel_loop3A_256 : i32 to vector<16xi32>
      %parallel_loop3A_258 = arith.addi %parallel_loop3A_219, %parallel_loop3A_257 : vector<16xi32>
      %parallel_loop3A_259 = tpu.vector_load_idx %arg15[%parallel_loop3A_258] : memref<2048xf32, #tpu.memory_space<vmem>>[vector<16xi32>], vector<16xf32>,
      %parallel_loop3A_260 = arith.addf %parallel_loop3A_255, %parallel_loop3A_259 : vector<16xf32>
      %parallel_loop3A_261 = arith.constant 9 : i32
      %parallel_loop3A_262 = vector.broadcast %parallel_loop3A_261 : i32 to vector<16xi32>
      %parallel_loop3A_263 = arith.addi %parallel_loop3A_219, %parallel_loop3A_262 : vector<16xi32>
      %parallel_loop3A_264 = tpu.vector_load_idx %arg15[%parallel_loop3A_263] : memref<2048xf32, #tpu.memory_space<vmem>>[vector<16xi32>], vector<16xf32>,
      %parallel_loop3A_265 = arith.addf %parallel_loop3A_260, %parallel_loop3A_264 : vector<16xf32>
      %parallel_loop3A_266 = arith.constant 10 : i32
      %parallel_loop3A_267 = vector.broadcast %parallel_loop3A_266 : i32 to vector<16xi32>
      %parallel_loop3A_268 = arith.addi %parallel_loop3A_219, %parallel_loop3A_267 : vector<16xi32>
      %parallel_loop3A_269 = tpu.vector_load_idx %arg15[%parallel_loop3A_268] : memref<2048xf32, #tpu.memory_space<vmem>>[vector<16xi32>], vector<16xf32>,
      %parallel_loop3A_270 = arith.addf %parallel_loop3A_265, %parallel_loop3A_269 : vector<16xf32>
      %parallel_loop3A_271 = arith.constant 11 : i32
      %parallel_loop3A_272 = vector.broadcast %parallel_loop3A_271 : i32 to vector<16xi32>
      %parallel_loop3A_273 = arith.addi %parallel_loop3A_219, %parallel_loop3A_272 : vector<16xi32>
      %parallel_loop3A_274 = tpu.vector_load_idx %arg15[%parallel_loop3A_273] : memref<2048xf32, #tpu.memory_space<vmem>>[vector<16xi32>], vector<16xf32>,
      %parallel_loop3A_275 = arith.addf %parallel_loop3A_270, %parallel_loop3A_274 : vector<16xf32>
      %parallel_loop3A_276 = arith.constant 12 : i32
      %parallel_loop3A_277 = vector.broadcast %parallel_loop3A_276 : i32 to vector<16xi32>
      %parallel_loop3A_278 = arith.addi %parallel_loop3A_219, %parallel_loop3A_277 : vector<16xi32>
      %parallel_loop3A_279 = tpu.vector_load_idx %arg15[%parallel_loop3A_278] : memref<2048xf32, #tpu.memory_space<vmem>>[vector<16xi32>], vector<16xf32>,
      %parallel_loop3A_280 = arith.addf %parallel_loop3A_275, %parallel_loop3A_279 : vector<16xf32>
      %parallel_loop3A_281 = arith.constant 13 : i32
      %parallel_loop3A_282 = vector.broadcast %parallel_loop3A_281 : i32 to vector<16xi32>
      %parallel_loop3A_283 = arith.addi %parallel_loop3A_219, %parallel_loop3A_282 : vector<16xi32>
      %parallel_loop3A_284 = tpu.vector_load_idx %arg15[%parallel_loop3A_283] : memref<2048xf32, #tpu.memory_space<vmem>>[vector<16xi32>], vector<16xf32>,
      %parallel_loop3A_285 = arith.addf %parallel_loop3A_280, %parallel_loop3A_284 : vector<16xf32>
      %parallel_loop3A_286 = arith.constant 14 : i32
      %parallel_loop3A_287 = vector.broadcast %parallel_loop3A_286 : i32 to vector<16xi32>
      %parallel_loop3A_288 = arith.addi %parallel_loop3A_219, %parallel_loop3A_287 : vector<16xi32>
      %parallel_loop3A_289 = tpu.vector_load_idx %arg15[%parallel_loop3A_288] : memref<2048xf32, #tpu.memory_space<vmem>>[vector<16xi32>], vector<16xf32>,
      %parallel_loop3A_290 = arith.addf %parallel_loop3A_285, %parallel_loop3A_289 : vector<16xf32>
      %parallel_loop3A_291 = arith.constant 15 : i32
      %parallel_loop3A_292 = vector.broadcast %parallel_loop3A_291 : i32 to vector<16xi32>
      %parallel_loop3A_293 = arith.addi %parallel_loop3A_219, %parallel_loop3A_292 : vector<16xi32>
      %parallel_loop3A_294 = tpu.vector_load_idx %arg15[%parallel_loop3A_293] : memref<2048xf32, #tpu.memory_space<vmem>>[vector<16xi32>], vector<16xf32>,
      %parallel_loop3A_295 = arith.addf %parallel_loop3A_290, %parallel_loop3A_294 : vector<16xf32>
      %parallel_loop3A_296 = arith.constant 16 : i32
      %parallel_loop3A_297 = arith.muli %parallel_loop3A_212, %parallel_loop3A_296 : i32
      %parallel_loop3A_298 = arith.constant 256 : i32
      %parallel_loop3A_299 = arith.addi %parallel_loop3A_298, %parallel_loop3A_297 : i32
      %parallel_loop3A_300 = arith.index_cast %parallel_loop3A_299 : i32 to index
      %parallel_loop3A_301 = tpu.vector_load %arg16[%parallel_loop3A_300] {strides = array<i32>} : memref<512xf32, #tpu.memory_space<vmem>>, vector<16xf32>,
      tpu.vector_store %arg16[%parallel_loop3A_300], %parallel_loop3A_295 {strides = array<i32>} : memref<512xf32, #tpu.memory_space<vmem>>, vector<16xf32>,
    } {sc.loop_unroll_factor = 2 : i64, sc.parallel_access}
    %dma_wait3A_144 = arith.constant 384 : i32
    %dma_wait3A_145 = tpu.memref_slice %arg9[%dma_wait3A_144] : memref<512xi32, #tpu.memory_space<vmem>> -> memref<128xi32, #tpu.memory_space<vmem>>
    %dma_wait3A_146 = arith.constant 0 : i32
    %dma_wait3A_147 = arith.constant 0 : i32
    %dma_wait3A_148 = tpu.memref_slice %arg2[%dma_wait3A_146, %dma_wait3A_147] : memref<100000x128xf32, #tpu.memory_space<hbm>> -> memref<100000x128xf32, #tpu.memory_space<hbm>>
    tpu.wait_indirect_dma semaphore(%arg21 : memref<!tpu.dma_semaphore, #tpu.memory_space<semaphore_mem>>) src(%dma_wait3A_148 : memref<100000x128xf32, #tpu.memory_space<hbm>>) dst(%arg13 : memref<128x128xf32, #tpu.memory_space<vmem>>)
    %dma_wait3A_149 = arith.constant 384 : i32
    %dma_wait3A_150 = tpu.memref_slice %arg10[%dma_wait3A_149] : memref<512xi32, #tpu.memory_space<vmem>> -> memref<128xi32, #tpu.memory_space<vmem>>
    %dma_wait3A_151 = arith.constant 0 : i32
    %dma_wait3A_152 = arith.constant 0 : i32
    %dma_wait3A_153 = tpu.memref_slice %arg3[%dma_wait3A_151, %dma_wait3A_152] : memref<100000x128xf32, #tpu.memory_space<hbm>> -> memref<100000x128xf32, #tpu.memory_space<hbm>>
    tpu.wait_indirect_dma semaphore(%arg22 : memref<!tpu.dma_semaphore, #tpu.memory_space<semaphore_mem>>) src(%dma_wait3A_153 : memref<100000x128xf32, #tpu.memory_space<hbm>>) dst(%arg14 : memref<128x128xf32, #tpu.memory_space<vmem>>)
    %parallel_loop3A_154 = arith.constant 0 : i32
    %parallel_loop3A_155 = arith.constant 128 : i32
    %parallel_loop3A_156 = arith.constant 1 : i32
    scf.for %parallel_loop3A_212 = %parallel_loop3A_154 to %parallel_loop3A_155 step %parallel_loop3A_156  : i32 {
      %parallel_loop3A_213 = arith.index_cast %parallel_loop3A_212 : i32 to index
      %parallel_loop3A_214 = arith.constant 0 : index
      %parallel_loop3A_215 = tpu.vector_load %arg13[%parallel_loop3A_213, %parallel_loop3A_214] {strides = array<i32>} : memref<128x128xf32, #tpu.memory_space<vmem>>, vector<16xf32>,
      %parallel_loop3A_216 = arith.index_cast %parallel_loop3A_212 : i32 to index
      %parallel_loop3A_217 = arith.constant 0 : index
      %parallel_loop3A_218 = tpu.vector_load %arg14[%parallel_loop3A_216, %parallel_loop3A_217] {strides = array<i32>} : memref<128x128xf32, #tpu.memory_space<vmem>>, vector<16xf32>,
      %parallel_loop3A_219 = arith.mulf %parallel_loop3A_215, %parallel_loop3A_218 : vector<16xf32>
      %parallel_loop3A_220 = arith.index_cast %parallel_loop3A_212 : i32 to index
      %parallel_loop3A_221 = arith.constant 16 : index
      %parallel_loop3A_222 = tpu.vector_load %arg13[%parallel_loop3A_220, %parallel_loop3A_221] {strides = array<i32>} : memref<128x128xf32, #tpu.memory_space<vmem>>, vector<16xf32>,
      %parallel_loop3A_223 = arith.index_cast %parallel_loop3A_212 : i32 to index
      %parallel_loop3A_224 = arith.constant 16 : index
      %parallel_loop3A_225 = tpu.vector_load %arg14[%parallel_loop3A_223, %parallel_loop3A_224] {strides = array<i32>} : memref<128x128xf32, #tpu.memory_space<vmem>>, vector<16xf32>,
      %parallel_loop3A_226 = arith.mulf %parallel_loop3A_222, %parallel_loop3A_225 : vector<16xf32>
      %parallel_loop3A_227 = arith.index_cast %parallel_loop3A_212 : i32 to index
      %parallel_loop3A_228 = arith.constant 32 : index
      %parallel_loop3A_229 = tpu.vector_load %arg13[%parallel_loop3A_227, %parallel_loop3A_228] {strides = array<i32>} : memref<128x128xf32, #tpu.memory_space<vmem>>, vector<16xf32>,
      %parallel_loop3A_230 = arith.index_cast %parallel_loop3A_212 : i32 to index
      %parallel_loop3A_231 = arith.constant 32 : index
      %parallel_loop3A_232 = tpu.vector_load %arg14[%parallel_loop3A_230, %parallel_loop3A_231] {strides = array<i32>} : memref<128x128xf32, #tpu.memory_space<vmem>>, vector<16xf32>,
      %parallel_loop3A_233 = arith.mulf %parallel_loop3A_229, %parallel_loop3A_232 : vector<16xf32>
      %parallel_loop3A_234 = arith.index_cast %parallel_loop3A_212 : i32 to index
      %parallel_loop3A_235 = arith.constant 48 : index
      %parallel_loop3A_236 = tpu.vector_load %arg13[%parallel_loop3A_234, %parallel_loop3A_235] {strides = array<i32>} : memref<128x128xf32, #tpu.memory_space<vmem>>, vector<16xf32>,
      %parallel_loop3A_237 = arith.index_cast %parallel_loop3A_212 : i32 to index
      %parallel_loop3A_238 = arith.constant 48 : index
      %parallel_loop3A_239 = tpu.vector_load %arg14[%parallel_loop3A_237, %parallel_loop3A_238] {strides = array<i32>} : memref<128x128xf32, #tpu.memory_space<vmem>>, vector<16xf32>,
      %parallel_loop3A_240 = arith.mulf %parallel_loop3A_236, %parallel_loop3A_239 : vector<16xf32>
      %parallel_loop3A_241 = arith.index_cast %parallel_loop3A_212 : i32 to index
      %parallel_loop3A_242 = arith.constant 64 : index
      %parallel_loop3A_243 = tpu.vector_load %arg13[%parallel_loop3A_241, %parallel_loop3A_242] {strides = array<i32>} : memref<128x128xf32, #tpu.memory_space<vmem>>, vector<16xf32>,
      %parallel_loop3A_244 = arith.index_cast %parallel_loop3A_212 : i32 to index
      %parallel_loop3A_245 = arith.constant 64 : index
      %parallel_loop3A_246 = tpu.vector_load %arg14[%parallel_loop3A_244, %parallel_loop3A_245] {strides = array<i32>} : memref<128x128xf32, #tpu.memory_space<vmem>>, vector<16xf32>,
      %parallel_loop3A_247 = arith.mulf %parallel_loop3A_243, %parallel_loop3A_246 : vector<16xf32>
      %parallel_loop3A_248 = arith.index_cast %parallel_loop3A_212 : i32 to index
      %parallel_loop3A_249 = arith.constant 80 : index
      %parallel_loop3A_250 = tpu.vector_load %arg13[%parallel_loop3A_248, %parallel_loop3A_249] {strides = array<i32>} : memref<128x128xf32, #tpu.memory_space<vmem>>, vector<16xf32>,
      %parallel_loop3A_251 = arith.index_cast %parallel_loop3A_212 : i32 to index
      %parallel_loop3A_252 = arith.constant 80 : index
      %parallel_loop3A_253 = tpu.vector_load %arg14[%parallel_loop3A_251, %parallel_loop3A_252] {strides = array<i32>} : memref<128x128xf32, #tpu.memory_space<vmem>>, vector<16xf32>,
      %parallel_loop3A_254 = arith.mulf %parallel_loop3A_250, %parallel_loop3A_253 : vector<16xf32>
      %parallel_loop3A_255 = arith.index_cast %parallel_loop3A_212 : i32 to index
      %parallel_loop3A_256 = arith.constant 96 : index
      %parallel_loop3A_257 = tpu.vector_load %arg13[%parallel_loop3A_255, %parallel_loop3A_256] {strides = array<i32>} : memref<128x128xf32, #tpu.memory_space<vmem>>, vector<16xf32>,
      %parallel_loop3A_258 = arith.index_cast %parallel_loop3A_212 : i32 to index
      %parallel_loop3A_259 = arith.constant 96 : index
      %parallel_loop3A_260 = tpu.vector_load %arg14[%parallel_loop3A_258, %parallel_loop3A_259] {strides = array<i32>} : memref<128x128xf32, #tpu.memory_space<vmem>>, vector<16xf32>,
      %parallel_loop3A_261 = arith.mulf %parallel_loop3A_257, %parallel_loop3A_260 : vector<16xf32>
      %parallel_loop3A_262 = arith.index_cast %parallel_loop3A_212 : i32 to index
      %parallel_loop3A_263 = arith.constant 112 : index
      %parallel_loop3A_264 = tpu.vector_load %arg13[%parallel_loop3A_262, %parallel_loop3A_263] {strides = array<i32>} : memref<128x128xf32, #tpu.memory_space<vmem>>, vector<16xf32>,
      %parallel_loop3A_265 = arith.index_cast %parallel_loop3A_212 : i32 to index
      %parallel_loop3A_266 = arith.constant 112 : index
      %parallel_loop3A_267 = tpu.vector_load %arg14[%parallel_loop3A_265, %parallel_loop3A_266] {strides = array<i32>} : memref<128x128xf32, #tpu.memory_space<vmem>>, vector<16xf32>,
      %parallel_loop3A_268 = arith.mulf %parallel_loop3A_264, %parallel_loop3A_267 : vector<16xf32>
      %parallel_loop3A_269 = arith.addf %parallel_loop3A_219, %parallel_loop3A_226 : vector<16xf32>
      %parallel_loop3A_270 = arith.addf %parallel_loop3A_233, %parallel_loop3A_240 : vector<16xf32>
      %parallel_loop3A_271 = arith.addf %parallel_loop3A_247, %parallel_loop3A_254 : vector<16xf32>
      %parallel_loop3A_272 = arith.addf %parallel_loop3A_261, %parallel_loop3A_268 : vector<16xf32>
      %parallel_loop3A_273 = arith.addf %parallel_loop3A_269, %parallel_loop3A_270 : vector<16xf32>
      %parallel_loop3A_274 = arith.addf %parallel_loop3A_271, %parallel_loop3A_272 : vector<16xf32>
      %parallel_loop3A_275 = arith.addf %parallel_loop3A_273, %parallel_loop3A_274 : vector<16xf32>
      %parallel_loop3A_276 = arith.constant 16 : i32
      %parallel_loop3A_277 = arith.muli %parallel_loop3A_212, %parallel_loop3A_276 : i32
      %parallel_loop3A_278 = arith.index_cast %parallel_loop3A_277 : i32 to index
      %parallel_loop3A_279 = tpu.vector_load %arg15[%parallel_loop3A_278] {strides = array<i32>} : memref<2048xf32, #tpu.memory_space<vmem>>, vector<16xf32>,
      tpu.vector_store %arg15[%parallel_loop3A_278], %parallel_loop3A_275 {strides = array<i32>} : memref<2048xf32, #tpu.memory_space<vmem>>, vector<16xf32>,
    } {sc.loop_unroll_factor = 2 : i64, sc.parallel_access}
    %parallel_loop3A_157 = arith.constant 0 : i32
    %parallel_loop3A_158 = arith.constant 8 : i32
    %parallel_loop3A_159 = arith.constant 1 : i32
    scf.for %parallel_loop3A_212 = %parallel_loop3A_157 to %parallel_loop3A_158 step %parallel_loop3A_159  : i32 {
      %parallel_loop3A_213 = arith.constant 256 : i32
      %parallel_loop3A_214 = arith.muli %parallel_loop3A_212, %parallel_loop3A_213 : i32
      %parallel_loop3A_215 = arith.constant 16 : i32
      %parallel_loop3A_216 = vector.broadcast %parallel_loop3A_215 : i32 to vector<16xi32>
      %parallel_loop3A_217 = arith.muli %iota3A, %parallel_loop3A_216 : vector<16xi32>
      %parallel_loop3A_218 = vector.broadcast %parallel_loop3A_214 : i32 to vector<16xi32>
      %parallel_loop3A_219 = arith.addi %parallel_loop3A_218, %parallel_loop3A_217 : vector<16xi32>
      %parallel_loop3A_220 = tpu.vector_load_idx %arg15[%parallel_loop3A_219] : memref<2048xf32, #tpu.memory_space<vmem>>[vector<16xi32>], vector<16xf32>,
      %parallel_loop3A_221 = arith.constant 1 : i32
      %parallel_loop3A_222 = vector.broadcast %parallel_loop3A_221 : i32 to vector<16xi32>
      %parallel_loop3A_223 = arith.addi %parallel_loop3A_219, %parallel_loop3A_222 : vector<16xi32>
      %parallel_loop3A_224 = tpu.vector_load_idx %arg15[%parallel_loop3A_223] : memref<2048xf32, #tpu.memory_space<vmem>>[vector<16xi32>], vector<16xf32>,
      %parallel_loop3A_225 = arith.addf %parallel_loop3A_220, %parallel_loop3A_224 : vector<16xf32>
      %parallel_loop3A_226 = arith.constant 2 : i32
      %parallel_loop3A_227 = vector.broadcast %parallel_loop3A_226 : i32 to vector<16xi32>
      %parallel_loop3A_228 = arith.addi %parallel_loop3A_219, %parallel_loop3A_227 : vector<16xi32>
      %parallel_loop3A_229 = tpu.vector_load_idx %arg15[%parallel_loop3A_228] : memref<2048xf32, #tpu.memory_space<vmem>>[vector<16xi32>], vector<16xf32>,
      %parallel_loop3A_230 = arith.addf %parallel_loop3A_225, %parallel_loop3A_229 : vector<16xf32>
      %parallel_loop3A_231 = arith.constant 3 : i32
      %parallel_loop3A_232 = vector.broadcast %parallel_loop3A_231 : i32 to vector<16xi32>
      %parallel_loop3A_233 = arith.addi %parallel_loop3A_219, %parallel_loop3A_232 : vector<16xi32>
      %parallel_loop3A_234 = tpu.vector_load_idx %arg15[%parallel_loop3A_233] : memref<2048xf32, #tpu.memory_space<vmem>>[vector<16xi32>], vector<16xf32>,
      %parallel_loop3A_235 = arith.addf %parallel_loop3A_230, %parallel_loop3A_234 : vector<16xf32>
      %parallel_loop3A_236 = arith.constant 4 : i32
      %parallel_loop3A_237 = vector.broadcast %parallel_loop3A_236 : i32 to vector<16xi32>
      %parallel_loop3A_238 = arith.addi %parallel_loop3A_219, %parallel_loop3A_237 : vector<16xi32>
      %parallel_loop3A_239 = tpu.vector_load_idx %arg15[%parallel_loop3A_238] : memref<2048xf32, #tpu.memory_space<vmem>>[vector<16xi32>], vector<16xf32>,
      %parallel_loop3A_240 = arith.addf %parallel_loop3A_235, %parallel_loop3A_239 : vector<16xf32>
      %parallel_loop3A_241 = arith.constant 5 : i32
      %parallel_loop3A_242 = vector.broadcast %parallel_loop3A_241 : i32 to vector<16xi32>
      %parallel_loop3A_243 = arith.addi %parallel_loop3A_219, %parallel_loop3A_242 : vector<16xi32>
      %parallel_loop3A_244 = tpu.vector_load_idx %arg15[%parallel_loop3A_243] : memref<2048xf32, #tpu.memory_space<vmem>>[vector<16xi32>], vector<16xf32>,
      %parallel_loop3A_245 = arith.addf %parallel_loop3A_240, %parallel_loop3A_244 : vector<16xf32>
      %parallel_loop3A_246 = arith.constant 6 : i32
      %parallel_loop3A_247 = vector.broadcast %parallel_loop3A_246 : i32 to vector<16xi32>
      %parallel_loop3A_248 = arith.addi %parallel_loop3A_219, %parallel_loop3A_247 : vector<16xi32>
      %parallel_loop3A_249 = tpu.vector_load_idx %arg15[%parallel_loop3A_248] : memref<2048xf32, #tpu.memory_space<vmem>>[vector<16xi32>], vector<16xf32>,
      %parallel_loop3A_250 = arith.addf %parallel_loop3A_245, %parallel_loop3A_249 : vector<16xf32>
      %parallel_loop3A_251 = arith.constant 7 : i32
      %parallel_loop3A_252 = vector.broadcast %parallel_loop3A_251 : i32 to vector<16xi32>
      %parallel_loop3A_253 = arith.addi %parallel_loop3A_219, %parallel_loop3A_252 : vector<16xi32>
      %parallel_loop3A_254 = tpu.vector_load_idx %arg15[%parallel_loop3A_253] : memref<2048xf32, #tpu.memory_space<vmem>>[vector<16xi32>], vector<16xf32>,
      %parallel_loop3A_255 = arith.addf %parallel_loop3A_250, %parallel_loop3A_254 : vector<16xf32>
      %parallel_loop3A_256 = arith.constant 8 : i32
      %parallel_loop3A_257 = vector.broadcast %parallel_loop3A_256 : i32 to vector<16xi32>
      %parallel_loop3A_258 = arith.addi %parallel_loop3A_219, %parallel_loop3A_257 : vector<16xi32>
      %parallel_loop3A_259 = tpu.vector_load_idx %arg15[%parallel_loop3A_258] : memref<2048xf32, #tpu.memory_space<vmem>>[vector<16xi32>], vector<16xf32>,
      %parallel_loop3A_260 = arith.addf %parallel_loop3A_255, %parallel_loop3A_259 : vector<16xf32>
      %parallel_loop3A_261 = arith.constant 9 : i32
      %parallel_loop3A_262 = vector.broadcast %parallel_loop3A_261 : i32 to vector<16xi32>
      %parallel_loop3A_263 = arith.addi %parallel_loop3A_219, %parallel_loop3A_262 : vector<16xi32>
      %parallel_loop3A_264 = tpu.vector_load_idx %arg15[%parallel_loop3A_263] : memref<2048xf32, #tpu.memory_space<vmem>>[vector<16xi32>], vector<16xf32>,
      %parallel_loop3A_265 = arith.addf %parallel_loop3A_260, %parallel_loop3A_264 : vector<16xf32>
      %parallel_loop3A_266 = arith.constant 10 : i32
      %parallel_loop3A_267 = vector.broadcast %parallel_loop3A_266 : i32 to vector<16xi32>
      %parallel_loop3A_268 = arith.addi %parallel_loop3A_219, %parallel_loop3A_267 : vector<16xi32>
      %parallel_loop3A_269 = tpu.vector_load_idx %arg15[%parallel_loop3A_268] : memref<2048xf32, #tpu.memory_space<vmem>>[vector<16xi32>], vector<16xf32>,
      %parallel_loop3A_270 = arith.addf %parallel_loop3A_265, %parallel_loop3A_269 : vector<16xf32>
      %parallel_loop3A_271 = arith.constant 11 : i32
      %parallel_loop3A_272 = vector.broadcast %parallel_loop3A_271 : i32 to vector<16xi32>
      %parallel_loop3A_273 = arith.addi %parallel_loop3A_219, %parallel_loop3A_272 : vector<16xi32>
      %parallel_loop3A_274 = tpu.vector_load_idx %arg15[%parallel_loop3A_273] : memref<2048xf32, #tpu.memory_space<vmem>>[vector<16xi32>], vector<16xf32>,
      %parallel_loop3A_275 = arith.addf %parallel_loop3A_270, %parallel_loop3A_274 : vector<16xf32>
      %parallel_loop3A_276 = arith.constant 12 : i32
      %parallel_loop3A_277 = vector.broadcast %parallel_loop3A_276 : i32 to vector<16xi32>
      %parallel_loop3A_278 = arith.addi %parallel_loop3A_219, %parallel_loop3A_277 : vector<16xi32>
      %parallel_loop3A_279 = tpu.vector_load_idx %arg15[%parallel_loop3A_278] : memref<2048xf32, #tpu.memory_space<vmem>>[vector<16xi32>], vector<16xf32>,
      %parallel_loop3A_280 = arith.addf %parallel_loop3A_275, %parallel_loop3A_279 : vector<16xf32>
      %parallel_loop3A_281 = arith.constant 13 : i32
      %parallel_loop3A_282 = vector.broadcast %parallel_loop3A_281 : i32 to vector<16xi32>
      %parallel_loop3A_283 = arith.addi %parallel_loop3A_219, %parallel_loop3A_282 : vector<16xi32>
      %parallel_loop3A_284 = tpu.vector_load_idx %arg15[%parallel_loop3A_283] : memref<2048xf32, #tpu.memory_space<vmem>>[vector<16xi32>], vector<16xf32>,
      %parallel_loop3A_285 = arith.addf %parallel_loop3A_280, %parallel_loop3A_284 : vector<16xf32>
      %parallel_loop3A_286 = arith.constant 14 : i32
      %parallel_loop3A_287 = vector.broadcast %parallel_loop3A_286 : i32 to vector<16xi32>
      %parallel_loop3A_288 = arith.addi %parallel_loop3A_219, %parallel_loop3A_287 : vector<16xi32>
      %parallel_loop3A_289 = tpu.vector_load_idx %arg15[%parallel_loop3A_288] : memref<2048xf32, #tpu.memory_space<vmem>>[vector<16xi32>], vector<16xf32>,
      %parallel_loop3A_290 = arith.addf %parallel_loop3A_285, %parallel_loop3A_289 : vector<16xf32>
      %parallel_loop3A_291 = arith.constant 15 : i32
      %parallel_loop3A_292 = vector.broadcast %parallel_loop3A_291 : i32 to vector<16xi32>
      %parallel_loop3A_293 = arith.addi %parallel_loop3A_219, %parallel_loop3A_292 : vector<16xi32>
      %parallel_loop3A_294 = tpu.vector_load_idx %arg15[%parallel_loop3A_293] : memref<2048xf32, #tpu.memory_space<vmem>>[vector<16xi32>], vector<16xf32>,
      %parallel_loop3A_295 = arith.addf %parallel_loop3A_290, %parallel_loop3A_294 : vector<16xf32>
      %parallel_loop3A_296 = arith.constant 16 : i32
      %parallel_loop3A_297 = arith.muli %parallel_loop3A_212, %parallel_loop3A_296 : i32
      %parallel_loop3A_298 = arith.constant 384 : i32
      %parallel_loop3A_299 = arith.addi %parallel_loop3A_298, %parallel_loop3A_297 : i32
      %parallel_loop3A_300 = arith.index_cast %parallel_loop3A_299 : i32 to index
      %parallel_loop3A_301 = tpu.vector_load %arg16[%parallel_loop3A_300] {strides = array<i32>} : memref<512xf32, #tpu.memory_space<vmem>>, vector<16xf32>,
      tpu.vector_store %arg16[%parallel_loop3A_300], %parallel_loop3A_295 {strides = array<i32>} : memref<512xf32, #tpu.memory_space<vmem>>, vector<16xf32>,
    } {sc.loop_unroll_factor = 2 : i64, sc.parallel_access}
    %dma_wait3A_160 = arith.constant 0 : i32
    %dma_wait3A_161 = tpu.memref_slice %arg17[%dma_wait3A_160] : memref<512xf32, #tpu.memory_space<vmem>> -> memref<128xf32, #tpu.memory_space<vmem>>
    %dma_wait3A_162 = arith.constant 0 : i32
    %dma_wait3A_163 = tpu.memref_slice %arg9[%dma_wait3A_162] : memref<512xi32, #tpu.memory_space<vmem>> -> memref<128xi32, #tpu.memory_space<vmem>>
    %dma_wait3A_164 = arith.constant 0 : i32
    %dma_wait3A_165 = tpu.memref_slice %arg6[%dma_wait3A_164] : memref<100000xf32, #tpu.memory_space<hbm>> -> memref<100000xf32, #tpu.memory_space<hbm>>
    tpu.wait_indirect_dma semaphore(%arg23 : memref<!tpu.dma_semaphore, #tpu.memory_space<semaphore_mem>>) src(%dma_wait3A_165 : memref<100000xf32, #tpu.memory_space<hbm>>) dst(%dma_wait3A_161 : memref<128xf32, #tpu.memory_space<vmem>>)
    %dma_wait3A_166 = arith.constant 0 : i32
    %dma_wait3A_167 = tpu.memref_slice %arg18[%dma_wait3A_166] : memref<512xf32, #tpu.memory_space<vmem>> -> memref<128xf32, #tpu.memory_space<vmem>>
    %dma_wait3A_168 = arith.constant 0 : i32
    %dma_wait3A_169 = tpu.memref_slice %arg10[%dma_wait3A_168] : memref<512xi32, #tpu.memory_space<vmem>> -> memref<128xi32, #tpu.memory_space<vmem>>
    %dma_wait3A_170 = arith.constant 0 : i32
    %dma_wait3A_171 = tpu.memref_slice %arg7[%dma_wait3A_170] : memref<100000xf32, #tpu.memory_space<hbm>> -> memref<100000xf32, #tpu.memory_space<hbm>>
    tpu.wait_indirect_dma semaphore(%arg24 : memref<!tpu.dma_semaphore, #tpu.memory_space<semaphore_mem>>) src(%dma_wait3A_171 : memref<100000xf32, #tpu.memory_space<hbm>>) dst(%dma_wait3A_167 : memref<128xf32, #tpu.memory_space<vmem>>)
    %dma_wait3A_172 = arith.constant 128 : i32
    %dma_wait3A_173 = tpu.memref_slice %arg17[%dma_wait3A_172] : memref<512xf32, #tpu.memory_space<vmem>> -> memref<128xf32, #tpu.memory_space<vmem>>
    %dma_wait3A_174 = arith.constant 128 : i32
    %dma_wait3A_175 = tpu.memref_slice %arg9[%dma_wait3A_174] : memref<512xi32, #tpu.memory_space<vmem>> -> memref<128xi32, #tpu.memory_space<vmem>>
    %dma_wait3A_176 = arith.constant 0 : i32
    %dma_wait3A_177 = tpu.memref_slice %arg6[%dma_wait3A_176] : memref<100000xf32, #tpu.memory_space<hbm>> -> memref<100000xf32, #tpu.memory_space<hbm>>
    tpu.wait_indirect_dma semaphore(%arg23 : memref<!tpu.dma_semaphore, #tpu.memory_space<semaphore_mem>>) src(%dma_wait3A_177 : memref<100000xf32, #tpu.memory_space<hbm>>) dst(%dma_wait3A_173 : memref<128xf32, #tpu.memory_space<vmem>>)
    %dma_wait3A_178 = arith.constant 128 : i32
    %dma_wait3A_179 = tpu.memref_slice %arg18[%dma_wait3A_178] : memref<512xf32, #tpu.memory_space<vmem>> -> memref<128xf32, #tpu.memory_space<vmem>>
    %dma_wait3A_180 = arith.constant 128 : i32
    %dma_wait3A_181 = tpu.memref_slice %arg10[%dma_wait3A_180] : memref<512xi32, #tpu.memory_space<vmem>> -> memref<128xi32, #tpu.memory_space<vmem>>
    %dma_wait3A_182 = arith.constant 0 : i32
    %dma_wait3A_183 = tpu.memref_slice %arg7[%dma_wait3A_182] : memref<100000xf32, #tpu.memory_space<hbm>> -> memref<100000xf32, #tpu.memory_space<hbm>>
    tpu.wait_indirect_dma semaphore(%arg24 : memref<!tpu.dma_semaphore, #tpu.memory_space<semaphore_mem>>) src(%dma_wait3A_183 : memref<100000xf32, #tpu.memory_space<hbm>>) dst(%dma_wait3A_179 : memref<128xf32, #tpu.memory_space<vmem>>)
    %dma_wait3A_184 = arith.constant 256 : i32
    %dma_wait3A_185 = tpu.memref_slice %arg17[%dma_wait3A_184] : memref<512xf32, #tpu.memory_space<vmem>> -> memref<128xf32, #tpu.memory_space<vmem>>
    %dma_wait3A_186 = arith.constant 256 : i32
    %dma_wait3A_187 = tpu.memref_slice %arg9[%dma_wait3A_186] : memref<512xi32, #tpu.memory_space<vmem>> -> memref<128xi32, #tpu.memory_space<vmem>>
    %dma_wait3A_188 = arith.constant 0 : i32
    %dma_wait3A_189 = tpu.memref_slice %arg6[%dma_wait3A_188] : memref<100000xf32, #tpu.memory_space<hbm>> -> memref<100000xf32, #tpu.memory_space<hbm>>
    tpu.wait_indirect_dma semaphore(%arg23 : memref<!tpu.dma_semaphore, #tpu.memory_space<semaphore_mem>>) src(%dma_wait3A_189 : memref<100000xf32, #tpu.memory_space<hbm>>) dst(%dma_wait3A_185 : memref<128xf32, #tpu.memory_space<vmem>>)
    %dma_wait3A_190 = arith.constant 256 : i32
    %dma_wait3A_191 = tpu.memref_slice %arg18[%dma_wait3A_190] : memref<512xf32, #tpu.memory_space<vmem>> -> memref<128xf32, #tpu.memory_space<vmem>>
    %dma_wait3A_192 = arith.constant 256 : i32
    %dma_wait3A_193 = tpu.memref_slice %arg10[%dma_wait3A_192] : memref<512xi32, #tpu.memory_space<vmem>> -> memref<128xi32, #tpu.memory_space<vmem>>
    %dma_wait3A_194 = arith.constant 0 : i32
    %dma_wait3A_195 = tpu.memref_slice %arg7[%dma_wait3A_194] : memref<100000xf32, #tpu.memory_space<hbm>> -> memref<100000xf32, #tpu.memory_space<hbm>>
    tpu.wait_indirect_dma semaphore(%arg24 : memref<!tpu.dma_semaphore, #tpu.memory_space<semaphore_mem>>) src(%dma_wait3A_195 : memref<100000xf32, #tpu.memory_space<hbm>>) dst(%dma_wait3A_191 : memref<128xf32, #tpu.memory_space<vmem>>)
    %dma_wait3A_196 = arith.constant 384 : i32
    %dma_wait3A_197 = tpu.memref_slice %arg17[%dma_wait3A_196] : memref<512xf32, #tpu.memory_space<vmem>> -> memref<128xf32, #tpu.memory_space<vmem>>
    %dma_wait3A_198 = arith.constant 384 : i32
    %dma_wait3A_199 = tpu.memref_slice %arg9[%dma_wait3A_198] : memref<512xi32, #tpu.memory_space<vmem>> -> memref<128xi32, #tpu.memory_space<vmem>>
    %dma_wait3A_200 = arith.constant 0 : i32
    %dma_wait3A_201 = tpu.memref_slice %arg6[%dma_wait3A_200] : memref<100000xf32, #tpu.memory_space<hbm>> -> memref<100000xf32, #tpu.memory_space<hbm>>
    tpu.wait_indirect_dma semaphore(%arg23 : memref<!tpu.dma_semaphore, #tpu.memory_space<semaphore_mem>>) src(%dma_wait3A_201 : memref<100000xf32, #tpu.memory_space<hbm>>) dst(%dma_wait3A_197 : memref<128xf32, #tpu.memory_space<vmem>>)
    %dma_wait3A_202 = arith.constant 384 : i32
    %dma_wait3A_203 = tpu.memref_slice %arg18[%dma_wait3A_202] : memref<512xf32, #tpu.memory_space<vmem>> -> memref<128xf32, #tpu.memory_space<vmem>>
    %dma_wait3A_204 = arith.constant 384 : i32
    %dma_wait3A_205 = tpu.memref_slice %arg10[%dma_wait3A_204] : memref<512xi32, #tpu.memory_space<vmem>> -> memref<128xi32, #tpu.memory_space<vmem>>
    %dma_wait3A_206 = arith.constant 0 : i32
    %dma_wait3A_207 = tpu.memref_slice %arg7[%dma_wait3A_206] : memref<100000xf32, #tpu.memory_space<hbm>> -> memref<100000xf32, #tpu.memory_space<hbm>>
    tpu.wait_indirect_dma semaphore(%arg24 : memref<!tpu.dma_semaphore, #tpu.memory_space<semaphore_mem>>) src(%dma_wait3A_207 : memref<100000xf32, #tpu.memory_space<hbm>>) dst(%dma_wait3A_203 : memref<128xf32, #tpu.memory_space<vmem>>)
    %scan3A = arith.constant 0 : i32
    %scan3A_208 = arith.constant 32 : i32
    %scan3A_209 = arith.addi %scan3A, %scan3A_208 : i32
    %scan3A_210 = arith.constant 1 : i32
    scf.for %scan3A_212 = %scan3A to %scan3A_209 step %scan3A_210  : i32 {
      %mul3A_213 = arith.constant 1 : i32
      %mul3A_214 = arith.muli %scan3A_212, %mul3A_213 : i32
      %add3A_215 = arith.constant 0 : i32
      %add3A_216 = arith.addi %add3A_215, %mul3A_214 : i32
      %mul3A_217 = arith.constant 16 : i32
      %mul3A_218 = arith.muli %add3A_216, %mul3A_217 : i32
      %get3A = arith.index_cast %mul3A_218 : i32 to index
      %get3A_219 = tpu.vector_load %arg16[%get3A] {strides = array<i32>} : memref<512xf32, #tpu.memory_space<vmem>>, vector<16xf32>,
      %get3A_220 = arith.index_cast %mul3A_218 : i32 to index
      %get3A_221 = tpu.vector_load %arg17[%get3A_220] {strides = array<i32>} : memref<512xf32, #tpu.memory_space<vmem>>, vector<16xf32>,
      %add3A_222 = arith.addf %get3A_219, %get3A_221 : vector<16xf32>
      %get3A_223 = arith.index_cast %mul3A_218 : i32 to index
      %get3A_224 = tpu.vector_load %arg18[%get3A_223] {strides = array<i32>} : memref<512xf32, #tpu.memory_space<vmem>>, vector<16xf32>,
      %add3A_225 = arith.addf %add3A_222, %get3A_224 : vector<16xf32>
      %swap3A = arith.index_cast %mul3A_218 : i32 to index
      %swap3A_226 = tpu.vector_load %arg16[%swap3A] {strides = array<i32>} : memref<512xf32, #tpu.memory_space<vmem>>, vector<16xf32>,
      tpu.vector_store %arg16[%swap3A], %add3A_225 {strides = array<i32>} : memref<512xf32, #tpu.memory_space<vmem>>, vector<16xf32>,
    }
    %scan3A_211 = arith.constant 32 : i32
    "tpu.region"() ({
      %run_scoped3A = tpu.sem_alloc : memref<!tpu.dma_semaphore, #tpu.memory_space<semaphore_mem>>
      %dma_start3A_212 = tpu.memref_slice %arg8[%mul3A_2] : memref<16384xf32, #tpu.memory_space<hbm>> -> memref<512xf32, #tpu.memory_space<hbm>>
      %dma_start3A_213 = tpu.memref_slice %arg8[%mul3A_2] : memref<16384xf32, #tpu.memory_space<hbm>> -> memref<512xf32, #tpu.memory_space<hbm>>
      tpu.enqueue_dma source(%arg16 : memref<512xf32, #tpu.memory_space<vmem>>) target(%dma_start3A_213 : memref<512xf32, #tpu.memory_space<hbm>>) target_semaphore(%run_scoped3A : memref<!tpu.dma_semaphore, #tpu.memory_space<semaphore_mem>>)
      %dma_wait3A_214 = tpu.memref_slice %arg8[%mul3A_2] : memref<16384xf32, #tpu.memory_space<hbm>> -> memref<512xf32, #tpu.memory_space<hbm>>
      %dma_wait3A_215 = tpu.memref_slice %arg8[%mul3A_2] : memref<16384xf32, #tpu.memory_space<hbm>> -> memref<512xf32, #tpu.memory_space<hbm>>
      tpu.wait_dma2 semaphore(%run_scoped3A : memref<!tpu.dma_semaphore, #tpu.memory_space<semaphore_mem>>) src(%arg16 : memref<512xf32, #tpu.memory_space<vmem>>) dst(%dma_wait3A_215 : memref<512xf32, #tpu.memory_space<hbm>>)
      tpu.yield
    }) : () -> ()
    return
  }
}

module attributes {stable_mosaic.version = 14 : i64} {
  func.func @_tc_body(%arg0: memref<128x128xf32, #tpu.memory_space<vmem>>, %arg1: memref<128x128xf32, #tpu.memory_space<vmem>>, %arg2: memref<128x128xf32, #tpu.memory_space<vmem>>, %arg3: memref<1x1xf32, #tpu.memory_space<vmem>>) attributes {dimension_semantics = [], scalar_prefetch = 0 : i64, scratch_operands = 0 : i64, tpu.core_type = #tpu.core_type<tc>} {
    %get3A = arith.constant 0 : index
    %get3A_0 = arith.constant 0 : index
    %get3A_1 = vector.load %arg0[%get3A, %get3A_0] : memref<128x128xf32, #tpu.memory_space<vmem>>, vector<128x128xf32>
    %get3A_2 = arith.constant 0 : index
    %get3A_3 = arith.constant 0 : index
    %get3A_4 = vector.load %arg1[%get3A_2, %get3A_3] : memref<128x128xf32, #tpu.memory_space<vmem>>, vector<128x128xf32>
    %log3A = math.log %get3A_4 : vector<128x128xf32>
    %sub3A = arith.subf %get3A_1, %log3A : vector<128x128xf32>
    %mul3A = arith.mulf %sub3A, %sub3A : vector<128x128xf32>
    %get3A_5 = arith.constant 0 : index
    %get3A_6 = arith.constant 0 : index
    %get3A_7 = vector.load %arg2[%get3A_5, %get3A_6] : memref<128x128xf32, #tpu.memory_space<vmem>>, vector<128x128xf32>
    %mul3A_8 = arith.mulf %mul3A, %get3A_7 : vector<128x128xf32>
    %reduce_sum3A = vector.shape_cast %mul3A_8 : vector<128x128xf32> to vector<1x128x128xf32>
    %reduce_sum3A_9 = arith.constant dense<0.000000e+00> : vector<1xf32>
    %reduce_sum3A_10 = vector.multi_reduction <add>, %reduce_sum3A, %reduce_sum3A_9 [1, 2] : vector<1x128x128xf32> to vector<1xf32>
    %reduce_sum3A_11 = vector.shape_cast %reduce_sum3A_10 : vector<1xf32> to vector<1x1x1xf32>
    %reduce_sum3A_12 = vector.extract %reduce_sum3A_11[0, 0, 0] : f32 from vector<1x1x1xf32>
    %broadcast_in_dim3A = vector.broadcast %reduce_sum3A_12 : f32 to vector<1x1xf32>
    %swap3A = arith.constant 0 : index
    %swap3A_13 = arith.constant 0 : index
    %swap3A_14 = vector.load %arg3[%swap3A, %swap3A_13] : memref<1x1xf32, #tpu.memory_space<vmem>>, vector<1x1xf32>
    tpu.vector_store %arg3[%swap3A, %swap3A_13], %broadcast_in_dim3A {strides = array<i32>} : memref<1x1xf32, #tpu.memory_space<vmem>>, vector<1x1xf32>,
    return
  }
}

</mosaic_0001>

<sc_bundles>
// kernel: kernel.4.cloned.1.call-start
scs
__scs_entry_jumppad:
0x0: {  	(pc) =	sbr.rel $0x88, $3  }
0x1: {  	(tag) =	ssettag $0x0;
	lr =	simm.s32 $0x1  }
0x2: {  	[smem:$0x3F99] =	sst lr;
	_ =	strace $0xD0000000  }
0x3: {  	_ = 	snop  }
0x4: {  	_ = 	snop  }
0x5: {  	_ = 	snop  }
0x6: {  	_ = 	snop  }
0x7: {  	_ = 	snop  }
__scs_overlays_trampoline_lowered:
0x8: {  	[smem:$0x3FA8] =	sst s0  }
0x9: {  	[smem:$0x3FA9] =	sst s1  }
0xa: {  	[smem:$0x3FAA] =	sst s2  }
0xb: {  	[smem:$0x3FAB] =	sst s3  }
0xc: {  	[smem:$0x3FAC] =	sst s4  }
0xd: {  	[smem:$0x3FAD] =	sst s5  }
0xe: {  	[smem:$0x3FAE] =	sst s6  }
0xf: {  	[smem:$0x3FAF] =	sst s7  }
0x10: {  	[smem:$0x3FB0] =	sst s8  }
0x11: {  	[smem:$0x3FB1] =	sst s9;
	s0 =	simm.s32 @!p0 $0x0  }
0x12: {  	s1 =	sld [smem:$0x3F97];
	s0 =	simm.s32 @p0 $0x1  }
0x13: {  	[smem:$0x3FB2] =	sst s0;
	s0 =	simm.s32 @!p1 $0x0  }
0x14: {  	s2 =	sld [smem:$0x3F96];
	s0 =	simm.s32 @p1 $0x1  }
0x15: {  	[smem:$0x3FB3] =	sst s0;
	s0 =	simm.s32 @!p2 $0x0  }
0x16: {  	s3 =	sld [smem:$0x3FDB];
	s0 =	simm.s32 @p2 $0x1  }
0x17: {  	s4 =	simm.s32 $0x1BF5;
	[smem:$0x3FB5] =	sst s0  }
0x18: {  	s0 =	sld [smem:$0x3F98];
	_ =	swait.ge [sflag:s4], $0x0  }
0x19: {  	s7 =	sld [smem:$0x3F99]  }
0x1a: {  	s8 =	sadd.s32 $0xFFFFE003, lr  }
0x1b: {  	s9 =	sadd.s32 $0xFFFFFEF7, lr;
	s5 =	simm.s32 $0xFFFFFFFF;
	p2 =	slt.u32 s8, $0xFFFFF086  }
0x1c: {  	p1 =	slt.u32 s9, $0xF7A;
	s5 =	simm.s32 @!p2 $0x0  }
0x1d: {  	s5 =	simm.s32 @p1 $0x1;
	p0 =	seq.s32 s7, s2  }
0x1e: {  	s7 =	smul.u32 @!p0 $0xF7A, s2;
	p2 =	seq.s32 @!p0 s5, $0x0  }
0x1f: {  	s9 =	smul.u32 $0xF7A, s1;
	s8 =	simm.s32 @!p0 $0x1BF5;
	p2 =	por !p2, p0  }
0x20: {  	[sflag:s8] =	ssyncset.s32 @!p0 $0xFFFFF086;
	s6 =	sadd.s32 @!p0 s3, s7;
	s7 =	simm.s32 @!p0 $0x108  }
0x21: {  	s3 =	sadd.s32 s3, s9;
	s6 =	sadd.s32 @!p0 $0x88, s6;
	s7 =	simm.s32 @p2 $0x1082  }
0x22: {  	[simem:s7], [sflag:s8] =	dma.local @!p0 [hbm:s6], $0xF7A  }
0x23: {  	s9 =	sor.u32 $0xD0000000, s2;
	s6 =	simm.s32 $0x108;
	_ =	swait.ge @!p0 [sflag:s8], $0x0  }
0x24: {  	s3 =	sadd.s32 $0x88, s3;
	s6 =	simm.s32 @!p1 $0x1082;
	[sflag:s4] =	ssyncset.s32 $0xFFFFF086  }
0x25: {  	[simem:s6], [sflag:s4] =	dma.local [hbm:s3], $0xF7A  }
0x26: {  	[smem:$0x3F99] =	sst s1;
	(tag) =	ssettag s2;
	_ =	strace s9  }
0x27: {  	s1 =	sld [smem:$0x3FA9]  }
0x28: {  	s2 =	sld [smem:$0x3FAA]  }
0x29: {  	s4 =	sld [smem:$0x3FAC]  }
0x2a: {  	p0 =	seq.s32 s5, $0x0;
	s5 =	sld [smem:$0x3FAD]  }
0x2b: {  	s6 =	sld [smem:$0x3FAE]  }
0x2c: {  	s7 =	sld [smem:$0x3FAF]  }
0x2d: {  	s3 =	simm.s32 $0x108;
	s8 =	sld [smem:$0x3FB0]  }
0x2e: {  	s3 =	simm.s32 @!p0 $0x1082;
	s9 =	sld [smem:$0x3FB1]  }
0x2f: {  	lr =	sadd.s32 s0, s3;
	s0 =	sld [smem:$0x3FA8]  }
0x30: {  	s3 =	sld [smem:$0x3FAB]  }
0x31: {  	[smem:$0x3FB4] =	sst s10  }
0x32: {  	s10 =	sld [smem:$0x3FB2];
	_ =	sdelay $0x3  }
0x33: {  	p0 =	seq.s32 s10, $0x1;
	s10 =	sld [smem:$0x3FB4];
	_ =	sdelay $0x3  }
0x34: {  	[smem:$0x3FB4] =	sst s10  }
0x35: {  	s10 =	sld [smem:$0x3FB3];
	_ =	sdelay $0x3  }
0x36: {  	p1 =	seq.s32 s10, $0x1;
	s10 =	sld [smem:$0x3FB4];
	_ =	sdelay $0x3  }
0x37: {  	[smem:$0x3FB4] =	sst s10  }
0x38: {  	s10 =	sld [smem:$0x3FB5]  }
0x39: {  	_ = 	snop;
	(pc) =	sbr.ind lr, $3  }
0x3a: {  	_ = 	snop  }
0x3b: {  	_ = 	snop  }
0x3c: {  	p2 =	seq.s32 s10, $0x1;
	s10 =	sld [smem:$0x3FB4]  }
0x3d: {  	_ =	shalt  }
0x3e: {  	_ =	shalt  }
0x3f: {  	_ =	shalt  }
0x40: {  	_ =	shalt  }
0x41: {  	_ =	shalt  }
0x42: {  	_ =	shalt  }
0x43: {  	_ =	shalt  }
0x44: {  	_ =	shalt  }
0x45: {  	_ =	shalt  }
0x46: {  	_ =	shalt  }
0x47: {  	_ =	shalt  }
0x48: {  	_ =	shalt  }
0x49: {  	_ =	shalt  }
0x4a: {  	_ =	shalt  }
0x4b: {  	_ =	shalt  }
0x4c: {  	_ =	shalt  }
0x4d: {  	_ =	shalt  }
0x4e: {  	_ =	shalt  }
0x4f: {  	_ =	shalt  }
0x50: {  	_ =	shalt  }
0x51: {  	_ =	shalt  }
0x52: {  	_ =	shalt  }
0x53: {  	_ =	shalt  }
0x54: {  	_ =	shalt  }
0x55: {  	_ =	shalt  }
0x56: {  	_ =	shalt  }
0x57: {  	_ =	shalt  }
0x58: {  	_ =	shalt  }
0x59: {  	_ =	shalt  }
0x5a: {  	_ =	shalt  }
0x5b: {  	_ =	shalt  }
0x5c: {  	_ =	shalt  }
0x5d: {  	_ =	shalt  }
0x5e: {  	_ =	shalt  }
0x5f: {  	_ =	shalt  }
0x60: {  	_ =	shalt  }
0x61: {  	_ =	shalt  }
0x62: {  	_ =	shalt  }
0x63: {  	_ =	shalt  }
0x64: {  	_ =	shalt  }
0x65: {  	_ =	shalt  }
0x66: {  	_ =	shalt  }
0x67: {  	_ =	shalt  }
0x68: {  	_ =	shalt  }
0x69: {  	_ =	shalt  }
0x6a: {  	_ =	shalt  }
0x6b: {  	_ =	shalt  }
0x6c: {  	_ =	shalt  }
0x6d: {  	_ =	shalt  }
0x6e: {  	_ =	shalt  }
0x6f: {  	_ =	shalt  }
0x70: {  	_ =	shalt  }
0x71: {  	_ =	shalt  }
0x72: {  	_ =	shalt  }
0x73: {  	_ =	shalt  }
0x74: {  	_ =	shalt  }
0x75: {  	_ =	shalt  }
0x76: {  	_ =	shalt  }
0x77: {  	_ =	shalt  }
0x78: {  	_ =	shalt  }
0x79: {  	_ =	shalt  }
0x7a: {  	_ =	shalt  }
0x7b: {  	_ =	shalt  }
0x7c: {  	_ =	shalt  }
0x7d: {  	_ =	shalt  }
0x7e: {  	_ =	shalt  }
0x7f: {  	_ =	shalt  }
0x80: {  	_ =	shalt  }
0x81: {  	_ =	shalt  }
0x82: {  	_ =	shalt  }
0x83: {  	_ =	shalt  }
0x84: {  	_ =	shalt  }
0x85: {  	_ =	shalt  }
0x86: {  	_ =	shalt  }
0x87: {  	_ =	shalt  }
.Lfunc_end0:
.L_simem_size_0:
called_computation_lowered:
.L_overlay_start_0:
0x88: {  	s2 =	sld [smem:$0x3FD9]  }
0x89: {  	s3 =	sld [smem:$0x3FFE];
	_ =	sdelay $0x1  }
0x8a: {  	s1 =	srdreg.scid  }
0x8b: {  	s0 =	sand.u32 $0x1, s1  }
0x8c: {  	s17 =	sshll.u32 s0, $0xA;
	s2 =	sadd.s32 s3, s2  }
0x8d: {  	s2 =	sadd.s32 s2, s17  }
0x8e: {  	[smem:$0x3FC0] =	sst s2  }
0x8f: {  	_ = 	snop  }
0x90: {  	s2 =	sld [smem:$0x3FC9]  }
0x91: {  	s18 =	sld [smem:$0x3FC8]  }
0x92: {  	s4 =	sld [smem:$0x3FC5]  }
0x93: {  	s5 =	sld [smem:$0x3FC4];
	(tm) =	ssettm $0x1  }
0x94: {  	s6 =	sld [smem:$0x3FFB];
	_ =	sdelay $0x3  }
0x95: {  	_ =	strace s6  }
0x96: {  	s6 =	sld [smem:$0x3FFC];
	_ =	sdelay $0x3  }
0x97: {  	_ =	strace s6  }
0x98: {  	s6 =	sld [smem:$0x3FFD];
	_ =	sdelay $0x3  }
0x99: {  	_ =	strace s6  }
0x9a: {  	_ =	strace $0x8FFFFFFF  }
0x9b: {  	s19 =	sld [smem:$0x3FDB];
	_ =	sdelay $0x1  }
0x9c: {  	s7 =	simm.s32 $_scs_section_size  }
0x9d: {  	s8 =	simm.s32 $_size__tile_overlayer_lowered;
	s9 =	simm.s32 $_tile_overlayer_lowered  }
0x9e: {  	s22 =	simm.s32 $0x1BFF;
	s21 =	sshll.u32 s9, $0x1;
	s6 =	sadd.s32 s7, s19  }
0x9f: {  	s10 =	simm.s32 $0x0;
	s20 =	sshll.u32 s8, $0x1;
	s8 =	sadd.s32 s21, s6  }
0xa0: {  	[timem:s10], [sflag:s22] =	dma.local [hbm:s8], s20  }
0xa1: {  	_ =	swait.ge [sflag:s22], s20  }
0xa2: {  	s7 =	ssub.s32 $0x0, s20;
	[sflag:s22] =	ssyncset.done $0x0  }
0xa3: {  	[sflag:s22] =	ssyncadd.s32 s7;
	_ =	sdelay $0x1  }
0xa4: {  	s23 =	simm.s32 $0x1B8B  }
0xa5: {  	_ =	swait.ge [sflag:s23], $0x1  }
0xa6: {  	[sflag:s23] =	ssyncset.done $0x0  }
0xa7: {  	s25 =	simm.s32 $0x1B8E;
	s24 =	sld [smem:$0x3FFE];
	[sflag:s23] =	ssyncadd.s32 $0xFFFFFFFF  }
0xa8: {  	s26 =	simm.s32 $execute0_lowered;
	[smem:$0x3FD2] =	sst s25  }
0xa9: {  	s8 =	sshll.u32 s26, $0x1;
	_ =	strace $0x80000046;
	[dreg:$0x1] =	wrdreg $0xFFFFFFFF  }
0xaa: {  	s28 =	simm.s32 $_size_execute0_lowered;
	s6 =	sadd.s32 s6, s8;
	[dreg:$0x0] =	wrdreg $0x0  }
0xab: {  	s8 =	sshll.u32 s28, $0x1;
	[dreg:$0x2] =	wrdreg s6  }
0xac: {  	[dreg:$0x3] =	wrdreg s8  }
0xad: {  	[dreg:$0x4] =	wrdreg $0xC0  }
0xae: {  	_ =	task [dreg:s10], $0x5FFFF  }
0xaf: {  	[dreg:$0x1] =	wrdreg $0xFFFFFFFF  }
0xb0: {  	[dreg:$0x0] =	wrdreg $0x60  }
0xb1: {  	[dreg:$0x2] =	wrdreg s4  }
0xb2: {  	[dreg:$0x3] =	wrdreg s5  }
0xb3: {  	[dreg:$0x4] =	wrdreg s2  }
0xb4: {  	[dreg:$0x5] =	wrdreg s18  }
0xb5: {  	[dreg:$0x6] =	wrdreg s24  }
0xb6: {  	[dreg:$0x7] =	wrdreg $0x9  }
0xb7: {  	_ =	task.clear_ibuf [dreg:s10], $0x8FFFF;
	_ =	strace $0x90000046  }
0xb8: {  	s29 =	simm.s32 $0x9;
	_ =	strace $0x80000048  }
0xb9: {  	_ =	swait.ge [sflag:s29], $0x1  }
0xba: {  	[sflag:s29] =	ssyncadd.s32 $0xFFFFFFFF  }
0xbb: {  	_ =	strace $0x90000048  }
0xbc: {  	_ =	sfence  }
0xbd: {  	s30 =	sld [smem:$0x0];
	_ =	sdelay $0x2  }
0xbe: {  	s31 =	sshll.u32 s1, $0xD;
	s1 =	sshrl.u32 s1, $0x2  }
0xbf: {  	s3 =	sand.u32 $0x4000, s31;
	s1 =	sadd.s32 s1, s30  }
0xc0: {  	s0 =	sor.u32 s3, s0;
	s1 =	sshll.u32 s1, $0x11  }
0xc1: {  	s0 =	sor.u32 s1, s0  }
0xc2: {  	s0 =	sadd.s32 $0x8F2B, s0  }
0xc3: {  	[sflag:s0] =	ssyncadd.remote.s32 $0x1  }
0xc4: {  	_ =	sfence.sel $0xFFFF  }
0xc5: {  	[dreg:$0x0] =	wrdreg $0xFFFFFFFF;
	(pc) =	sbr.abs _section_cstart, $3  }
0xc6: {  	[dreg:$0x1] =	wrdreg $0xFFFFFFFF  }
0xc7: {  	_ =	task.clear_ibuf [dreg:s10], $0x2FFFF;
	_ =	strace $0x9FFFFFFF  }
0xc8: {  	(tm) =	ssettm $0x7FFFFFFF  }
0xc9: {  	_ =	shalt  }
tec
execute0_lowered:
.L_overlay_start_1:
0x0: {  	(tag) =	ssettag $0x1  }
0x1: {  	s1 =	rddreg [dreg:$0x0]  }
0x2: {  	s2 =	rddreg [dreg:$0x1]  }
0x3: {  	s0 =	rddreg [dreg:$0x2]  }
0x4: {  	s4 =	rddreg [dreg:$0x3]  }
0x5: {  	s3 =	rddreg [dreg:$0x4];
	s5 =	simm.s32 $0x0  }
0x6: {  	s6 =	srdreg.scid;
	s7 =	stileid.u32;
	s12 =	simm.s32 $0x1  }
0x7: {  	s13 =	simm.s32 $0x2;
	s14 =	simm.s32 $0x80;
	s26 =	simm.s32 $0x380  }
0x8: {  	v0 =	vlaneseq.u32;
	s29 =	simm.s32 $0x400;
	s30 =	simm.s32 $0x4400;
	s31 =	simm.s32 $0x8400  }
0x9: {  	s15 =	simm.s32 $0x3;
	s16 =	simm.s32 $0x4;
	s17 =	simm.s32 $0x5;
	v1 =	vand.u32 $0x7, v0;
	v0 =	vmul.u32 $0x10, v0  }
0xa: {  	s19 =	simm.s32 $0x6;
	s23 =	simm.s32 $0x7;
	s25 =	simm.s32 $0x0  }
0xb: {  	[smem:$0x7FF] =	sst s5;
	s6 =	sand.u32 $0x1, s6;
	s7 =	sshll.u32 s7, $0x7;
	v17 =	vmul.u32 $0x10, v1;
	v2 =	vor.u32 $0x1, v0;
	v3 =	vor.u32 $0x2, v0  }
0xc: {  	s8 =	sshll.u32 s6, $0x6;
	s9 =	ssub.s32 $0x2, s6;
	_ =	strace $0x80000047;
	v4 =	vor.u32 $0x3, v0;
	v5 =	vor.u32 $0x4, v0;
	v6 =	vor.u32 $0x5, v0  }
0xd: {  	s6 =	sadd.s32 $0x3200, s3;
	s8 =	sor.u32 s8, s7;
	s28 =	sshrl.u32 s9, $0x1;
	v7 =	vor.u32 $0x6, v0;
	v8 =	vor.u32 $0x7, v0;
	v9 =	vor.u32 $0x8, v0  }
0xe: {  	v10 =	vor.u32 $0x9, v0;
	v11 =	vor.u32 $0xA, v0;
	v12 =	vor.u32 $0xB, v0;
	s10 =	sadd.s32 s8, s3;
	s11 =	ssub.s32 s9, s28;
	s7 =	sadd.s32 s0, s8  }
0xf: {  	v13 =	vor.u32 $0xC, v0;
	v14 =	vor.u32 $0xD, v0;
	v15 =	vor.u32 $0xE, v0;
	s8 =	sadd.s32 s4, s8;
	s0 =	simm.s32 $0xC400;
	s4 =	simm.s32 $0x10400  }
0x10: {  	v16 =	vor.u32 $0xF, v0;
	v1 =	vor.u32 $0xFFFFFE80, v17;
	v17 =	vor.u32 $0xFFFFFF80, v17;
	s9 =	sadd.s32 $0x6400, s10;
	s10 =	smax.u32 s11, $0x1;
	s11 =	simm.s32 $0x200  }
.LBB2_1:
0x11: {  	[tilespmem:s5], [sflag:$0x1] =	stream.linear.gather [hbm4b:s7+s5], $0x200, $0x38;
	[tilespmem:$0x11200] =	vst v63  }
0x12: {  	_ = 	snop  }
0x13: {  	[tilespmem:s11], [sflag:$0x2] =	stream.linear.gather [hbm4b:s8+s5], $0x200, $0x38;
	[tilespmem:$0x11200] =	vst v63  }
0x14: {  	_ =	swait.ge [sflag:s12], $0x200  }
0x15: {  	[sflag:s12] =	ssyncset.done $0x0  }
0x16: {  	[sflag:s12] =	ssyncadd.s32 $0xFFFFFE00  }
0x17: {  	_ =	swait.ge [sflag:s13], $0x200  }
0x18: {  	[sflag:s13] =	ssyncset.done $0x0  }
0x19: {  	s18 =	simm.s32 $0x10E00;
	[sflag:s13] =	ssyncadd.s32 $0xFFFFFE00  }
0x1a: {  	[tilespmem:s18], [sflag:$0x5] =	stream.indirect.gather [hbm4b:s3+s14], $0x1, s5, s14, $0xb8;
	[tilespmem:$0x11200] =	vst v63  }
0x1b: {  	s21 =	simm.s32 $0x11000  }
0x1c: {  	[tilespmem:s21], [sflag:$0x6] =	stream.indirect.gather [hbm4b:s6+s14], $0x1, s11, s14, $0xb8;
	[tilespmem:$0x11200] =	vst v63  }
0x1d: {  	s22 =	simm.s32 $0x10E80  }
0x1e: {  	[tilespmem:s22], [sflag:$0x5] =	stream.indirect.gather [hbm4b:s3+s14], $0x1, s14, s14, $0xb8;
	[tilespmem:$0x11200] =	vst v63  }
0x1f: {  	s20 =	simm.s32 $0x11080;
	s18 =	simm.s32 $0x280  }
0x20: {  	[tilespmem:s20], [sflag:$0x6] =	stream.indirect.gather [hbm4b:s6+s14], $0x1, s18, s14, $0xb8;
	[tilespmem:$0x11200] =	vst v63  }
0x21: {  	s24 =	simm.s32 $0x100;
	s21 =	simm.s32 $0x10F00  }
0x22: {  	[tilespmem:s21], [sflag:$0x5] =	stream.indirect.gather [hbm4b:s3+s14], $0x1, s24, s14, $0xb8;
	[tilespmem:$0x11200] =	vst v63  }
0x23: {  	s22 =	simm.s32 $0x300;
	s24 =	simm.s32 $0x11100  }
0x24: {  	[tilespmem:s24], [sflag:$0x6] =	stream.indirect.gather [hbm4b:s6+s14], $0x1, s22, s14, $0xb8;
	[tilespmem:$0x11200] =	vst v63  }
0x25: {  	s21 =	simm.s32 $0x180;
	s22 =	simm.s32 $0x10F80  }
0x26: {  	[tilespmem:s22], [sflag:$0x5] =	stream.indirect.gather [hbm4b:s3+s14], $0x1, s21, s14, $0xb8;
	[tilespmem:$0x11200] =	vst v63  }
0x27: {  	s24 =	simm.s32 $0x11180  }
0x28: {  	[tilespmem:s24], [sflag:$0x6] =	stream.indirect.gather [hbm4b:s6+s14], $0x1, s26, s14, $0xb8;
	[tilespmem:$0x11200] =	vst v63  }
0x29: {  	_ = 	snop  }
0x2a: {  	[tilespmem:s29], [sflag:$0x1] =	stream.indirect.gather [hbm4b:s1+s14], $0x80, s5, s14, $0xb8;
	[tilespmem:$0x11200] =	vst v63  }
0x2b: {  	_ = 	snop  }
0x2c: {  	[tilespmem:s30], [sflag:$0x2] =	stream.indirect.gather [hbm4b:s2+s14], $0x80, s11, s14, $0xb8;
	[tilespmem:$0x11200] =	vst v63  }
0x2d: {  	_ = 	snop  }
0x2e: {  	[tilespmem:s31], [sflag:$0x3] =	stream.indirect.gather [hbm4b:s1+s14], $0x80, s14, s14, $0xb8;
	[tilespmem:$0x11200] =	vst v63  }
0x2f: {  	_ = 	snop  }
0x30: {  	[tilespmem:s0], [sflag:$0x4] =	stream.indirect.gather [hbm4b:s2+s14], $0x80, s18, s14, $0xb8;
	[tilespmem:$0x11200] =	vst v63  }
0x31: {  	_ =	swait.ge [sflag:s12], $0x4000  }
0x32: {  	[sflag:s12] =	ssyncset.done $0x0  }
0x33: {  	[sflag:s12] =	ssyncadd.s32 $0xFFFFC000  }
0x34: {  	_ =	swait.ge [sflag:s13], $0x4000  }
0x35: {  	[sflag:s13] =	ssyncset.done $0x0  }
0x36: {  	s22 =	simm.s32 $0x480;
	[sflag:s13] =	ssyncadd.s32 $0xFFFFC000  }
0x37: {  	s21 =	simm.s32 $0x4480;
	v19 =	vld [tilespmem:s22+$0x0]  }
0x38: {  	v20 =	vld [tilespmem:s21+$0x0]  }
0x39: {  	v21 =	vld [tilespmem:s22+$0x10]  }
0x3a: {  	v22 =	vld [tilespmem:s21+$0x10]  }
0x3b: {  	v23 =	vld [tilespmem:s22+$0x20]  }
0x3c: {  	v24 =	vld [tilespmem:s21+$0x20]  }
0x3d: {  	v25 =	vld [tilespmem:s22+$0x30]  }
0x3e: {  	v26 =	vld [tilespmem:s21+$0x30]  }
0x3f: {  	v27 =	vld [tilespmem:s22+$0x40]  }
0x40: {  	v28 =	vld [tilespmem:s21+$0x40]  }
0x41: {  	v29 =	vld [tilespmem:s22+$0x50]  }
0x42: {  	v30 =	vld [tilespmem:s21+$0x50]  }
0x43: {  	v31 =	vld [tilespmem:s22+$0x60]  }
0x44: {  	v32 =	vld [tilespmem:s21+$0x60]  }
0x45: {  	v33 =	vld [tilespmem:s22+$0x70]  }
0x46: {  	v34 =	vld [tilespmem:s21+$0x70]  }
0x47: {  	v18 =	vld [tilespmem:s21+$0xFFFFFF80]  }
0x48: {  	v35 =	vld [tilespmem:s22+$0xFFFFFF90]  }
0x49: {  	v36 =	vld [tilespmem:s21+$0xFFFFFF90]  }
0x4a: {  	v37 =	vld [tilespmem:s22+$0xFFFFFFA0]  }
0x4b: {  	v38 =	vld [tilespmem:s21+$0xFFFFFFA0];
	v19 =	vmul.f32 v20, v19;
	v20 =	vmul.f32 v22, v21  }
0x4c: {  	v62 =	vld [tilespmem:s21+$0xFFFFFFC0];
	v21 =	vmul.f32 v24, v23;
	v22 =	vmul.f32 v26, v25  }
0x4d: {  	v23 =	vld [tilespmem:s22+$0xFFFFFFB0];
	v24 =	vmul.f32 v28, v27;
	v25 =	vmul.f32 v30, v29  }
0x4e: {  	v26 =	vld [tilespmem:s21+$0xFFFFFFB0];
	v27 =	vmul.f32 v32, v31;
	v28 =	vmul.f32 v34, v33  }
0x4f: {  	v29 =	vld [tilespmem:s22+$0xFFFFFFC0];
	v19 =	vadd.f32 v20, v19;
	v20 =	vadd.f32 v22, v21  }
0x50: {  	v21 =	vadd.f32 v25, v24;
	v22 =	vadd.f32 v28, v27;
	v27 =	vld [tilespmem:s22+$0xFFFFFFD0]  }
0x51: {  	v28 =	vld [tilespmem:s21+$0xFFFFFFD0]  }
0x52: {  	v19 =	vadd.f32 v20, v19;
	v20 =	vadd.f32 v22, v21;
	v21 =	vld [tilespmem:s22+$0xFFFFFFE0]  }
0x53: {  	v22 =	vld [tilespmem:s21+$0xFFFFFFE0]  }
0x54: {  	v63 =	vmul.f32 v38, v37;
	v24 =	vld [tilespmem:s21+$0xFFFFFFF0];
	v26 =	vmul.f32 v26, v23;
	v20 =	vadd.f32 v20, v19  }
0x55: {  	s18 =	simm.s32 $0x10410;
	v23 =	vld [tilespmem:s22+$0xFFFFFFF0];
	v25 =	vmul.f32 v62, v29  }
0x56: {  	s28 =	simm.s32 $0x10C10;
	s20 =	simm.s32 $0x0;
	v19 =	vmul.f32 v36, v35;
	v27 =	vmul.f32 v28, v27;
	[tilespmem:s18+$0x0] =	vst v20;
	v20 =	vadd.f32 v26, v63;
	v26 =	vld [tilespmem:s22+$0xFFFFFF80];
	s22 =	simm.s32 $0x580  }
.LBB2_2:
0x57: {  	v28 =	vld [tilespmem:s22+$0x0];
	s21 =	sadd.s32 $0x100, s21  }
0x58: {  	v29 =	vld [tilespmem:s21+$0x0];
	v21 =	vmul.f32 v22, v21;
	v22 =	vadd.f32 v27, v25  }
0x59: {  	v25 =	vld [tilespmem:s22+$0x10]  }
0x5a: {  	v27 =	vld [tilespmem:s21+$0x10];
	v23 =	vmul.f32 v24, v23  }
0x5b: {  	v24 =	vld [tilespmem:s22+$0x20];
	v18 =	vmul.f32 v18, v26  }
0x5c: {  	v26 =	vld [tilespmem:s21+$0x20];
	v21 =	vadd.f32 v23, v21  }
0x5d: {  	v23 =	vld [tilespmem:s22+$0x30];
	v18 =	vadd.f32 v19, v18  }
0x5e: {  	v19 =	vld [tilespmem:s21+$0x30];
	v21 =	vadd.f32 v21, v22  }
0x5f: {  	v22 =	vld [tilespmem:s22+$0x40];
	v18 =	vadd.f32 v20, v18  }
0x60: {  	v20 =	vld [tilespmem:s21+$0x40]  }
0x61: {  	v30 =	vld [tilespmem:s22+$0x50];
	v18 =	vadd.f32 v21, v18  }
0x62: {  	v21 =	vld [tilespmem:s21+$0x50]  }
0x63: {  	v31 =	vld [tilespmem:s22+$0x60];
	[tilespmem:s18+$0xFFFFFFF0] =	vst v18  }
0x64: {  	v32 =	vld [tilespmem:s21+$0x60]  }
0x65: {  	v33 =	vld [tilespmem:s22+$0x70]  }
0x66: {  	s20 =	sadd.s32 $0x2, s20;
	v34 =	vld [tilespmem:s21+$0x70]  }
0x67: {  	p0 =	slt.u32 s20, $0x7E;
	v18 =	vld [tilespmem:s21+$0xFFFFFF80]  }
0x68: {  	v28 =	vmul.f32 v29, v28;
	v25 =	vmul.f32 v27, v25;
	v35 =	vld [tilespmem:s22+$0xFFFFFF90]  }
0x69: {  	v24 =	vmul.f32 v26, v24;
	v19 =	vmul.f32 v19, v23;
	v27 =	vld [tilespmem:s21+$0xFFFFFF90]  }
0x6a: {  	v20 =	vmul.f32 v20, v22;
	v21 =	vmul.f32 v21, v30;
	v23 =	vld [tilespmem:s22+$0xFFFFFFA0]  }
0x6b: {  	v26 =	vmul.f32 v32, v31;
	v22 =	vld [tilespmem:s21+$0xFFFFFFA0];
	v29 =	vmul.f32 v34, v33  }
0x6c: {  	v25 =	vadd.f32 v25, v28;
	v24 =	vadd.f32 v19, v24;
	v30 =	vld [tilespmem:s22+$0xFFFFFFB0]  }
0x6d: {  	v20 =	vadd.f32 v21, v20;
	v28 =	vld [tilespmem:s21+$0xFFFFFFB0];
	v21 =	vadd.f32 v29, v26  }
0x6e: {  	v19 =	vmul.f32 v27, v35;
	v26 =	vld [tilespmem:s22+$0xFFFFFFC0]  }
0x6f: {  	v24 =	vadd.f32 v24, v25;
	v27 =	vld [tilespmem:s21+$0xFFFFFFC0];
	v20 =	vadd.f32 v21, v20  }
0x70: {  	v29 =	vmul.f32 v22, v23;
	v31 =	vld [tilespmem:s22+$0xFFFFFFD0]  }
0x71: {  	v32 =	vld [tilespmem:s21+$0xFFFFFFD0];
	v20 =	vadd.f32 v20, v24  }
.Ltmp0:
0x72: {  	s18 =	sadd.s32 $0x20, s18;
	v24 =	vmul.f32 v28, v30;
	v21 =	vld [tilespmem:s22+$0xFFFFFFE0];
	(pc) =	sbr.rel @p0 .LBB2_2-.Ltmp0, $4  }
0x73: {  	s24 =	simm.s32 $0x100;
	v22 =	vld [tilespmem:s21+$0xFFFFFFE0];
	[tilespmem:s18+$0x0] =	vst v20  }
0x74: {  	v25 =	vmul.f32 v27, v26;
	v23 =	vld [tilespmem:s22+$0xFFFFFFF0];
	v20 =	vadd.f32 v24, v29  }
0x75: {  	v24 =	vld [tilespmem:s21+$0xFFFFFFF0]  }
0x76: {  	v26 =	vld [tilespmem:s22+$0xFFFFFF80];
	v27 =	vmul.f32 v32, v31;
	s22 =	sadd.s32 $0x100, s22  }
0x77: {  	_ =	sdelay $0x2  }
0x78: {  	v21 =	vmul.f32 v22, v21  }
0x79: {  	v22 =	vmul.f32 v24, v23;
	v18 =	vmul.f32 v18, v26  }
0x7a: {  	v23 =	vadd.f32 v27, v25  }
0x7b: {  	v21 =	vadd.f32 v22, v21;
	v18 =	vadd.f32 v19, v18;
	_ =	sdelay $0x1  }
0x7c: {  	s20 =	simm.s32 $0x0;
	v19 =	vadd.f32 v21, v23;
	v18 =	vadd.f32 v20, v18;
	v20 =	vor.u32 s24, v2  }
0x7d: {  	v22 =	vor.u32 s20, v2;
	v21 =	vor.u32 s20, v0  }
0x7e: {  	v21 =	vand.u32 v1, v21;
	v18 =	vadd.f32 v19, v18  }
0x7f: {  	v23 =	vor.u32 s24, v3  }
0x80: {  	v24 =	vor.u32 s20, v4;
	[tilespmem:s18+$0xFFFFFFF0] =	vst v18  }
0x81: {  	v25 =	vor.u32 s24, v4;
	v20 =	vld.idx.msk [tilespmem:v20+s4+$0x0], $0xffff  }
0x82: {  	v26 =	vor.u32 s20, v5;
	v22 =	vld.idx.msk [tilespmem:v22+s4+$0x0], $0xffff  }
0x83: {  	v27 =	vor.u32 s24, v5;
	v21 =	vld.idx.msk [tilespmem:v21+s4+$0x0], $0xffff  }
0x84: {  	v28 =	vor.u32 s20, v6;
	v23 =	vld.idx.msk [tilespmem:v23+s4+$0x0], $0xffff  }
0x85: {  	v29 =	vor.u32 s24, v6;
	v24 =	vld.idx.msk [tilespmem:v24+s4+$0x0], $0xffff  }
0x86: {  	v30 =	vor.u32 s20, v7;
	v25 =	vld.idx.msk [tilespmem:v25+s4+$0x0], $0xffff  }
0x87: {  	v31 =	vor.u32 s24, v7;
	v26 =	vld.idx.msk [tilespmem:v26+s4+$0x0], $0xffff  }
0x88: {  	v32 =	vor.u32 s20, v8;
	v27 =	vld.idx.msk [tilespmem:v27+s4+$0x0], $0xffff  }
0x89: {  	v33 =	vor.u32 s24, v8;
	v28 =	vld.idx.msk [tilespmem:v28+s4+$0x0], $0xffff  }
0x8a: {  	v34 =	vor.u32 s20, v9;
	v29 =	vld.idx.msk [tilespmem:v29+s4+$0x0], $0xffff  }
0x8b: {  	v35 =	vor.u32 s24, v9;
	v30 =	vld.idx.msk [tilespmem:v30+s4+$0x0], $0xffff  }
0x8c: {  	v36 =	vor.u32 s20, v10;
	v31 =	vld.idx.msk [tilespmem:v31+s4+$0x0], $0xffff  }
0x8d: {  	v37 =	vor.u32 s24, v10;
	v32 =	vld.idx.msk [tilespmem:v32+s4+$0x0], $0xffff  }
0x8e: {  	v38 =	vor.u32 s20, v11;
	v33 =	vld.idx.msk [tilespmem:v33+s4+$0x0], $0xffff  }
0x8f: {  	v39 =	vor.u32 s24, v11;
	v34 =	vld.idx.msk [tilespmem:v34+s4+$0x0], $0xffff  }
0x90: {  	v40 =	vor.u32 s20, v12;
	v35 =	vld.idx.msk [tilespmem:v35+s4+$0x0], $0xffff  }
0x91: {  	v41 =	vor.u32 s24, v12;
	v36 =	vld.idx.msk [tilespmem:v36+s4+$0x0], $0xffff  }
0x92: {  	v42 =	vor.u32 s20, v13;
	v19 =	vor.u32 s24, v0;
	v37 =	vld.idx.msk [tilespmem:v37+s4+$0x0], $0xffff  }
0x93: {  	v19 =	vand.u32 v17, v19;
	v38 =	vld.idx.msk [tilespmem:v38+s4+$0x0], $0xffff  }
0x94: {  	v18 =	vor.u32 s20, v3;
	v39 =	vld.idx.msk [tilespmem:v39+s4+$0x0], $0xffff  }
0x95: {  	v43 =	vor.u32 s24, v13;
	v40 =	vld.idx.msk [tilespmem:v40+s4+$0x0], $0xffff  }
0x96: {  	v45 =	vor.u32 s24, v14;
	v41 =	vld.idx.msk [tilespmem:v41+s4+$0x0], $0xffff  }
0x97: {  	v46 =	vor.u32 s20, v15;
	v42 =	vld.idx.msk [tilespmem:v42+s4+$0x0], $0xffff  }
0x98: {  	v47 =	vor.u32 s24, v15;
	v19 =	vld.idx.msk [tilespmem:v19+s4+$0x0], $0xffff  }
0x99: {  	v48 =	vor.u32 s20, v16;
	v18 =	vld.idx.msk [tilespmem:v18+s4+$0x0], $0xffff  }
0x9a: {  	v49 =	vor.u32 s24, v16;
	s22 =	simm.s32 $0x300;
	v43 =	vld.idx.msk [tilespmem:v43+s4+$0x0], $0xffff  }
0x9b: {  	v52 =	vor.u32 s22, v4;
	v62 =	vld.idx.msk [tilespmem:v45+s4+$0x0], $0xffff  }
0x9c: {  	v44 =	vor.u32 s20, v14;
	v46 =	vld.idx.msk [tilespmem:v46+s4+$0x0], $0xffff;
	v21 =	vadd.f32 v22, v21  }
0x9d: {  	s24 =	simm.s32 $0x200;
	v47 =	vld.idx.msk [tilespmem:v47+s4+$0x0], $0xffff;
	v19 =	vadd.f32 v20, v19;
	v20 =	vor.u32 s22, v2  }
0x9e: {  	v63 =	vor.u32 s24, v2;
	v48 =	vld.idx.msk [tilespmem:v48+s4+$0x0], $0xffff;
	v18 =	vadd.f32 v18, v21;
	v21 =	vor.u32 s24, v0  }
0x9f: {  	v49 =	vld.idx.msk [tilespmem:v49+s4+$0x0], $0xffff;
	v19 =	vadd.f32 v23, v19;
	v23 =	vor.u32 s22, v0;
	v21 =	vand.u32 v1, v21  }
0xa0: {  	v54 =	vld.idx.msk [tilespmem:v52+s4+$0x0], $0xffff;
	v23 =	vand.u32 v17, v23;
	v18 =	vadd.f32 v24, v18  }
0xa1: {  	v22 =	vld.idx.msk [tilespmem:v44+s4+$0x0], $0xffff;
	v24 =	vor.u32 s24, v3;
	v19 =	vadd.f32 v25, v19  }
0xa2: {  	v25 =	vor.u32 s22, v3;
	v20 =	vld.idx.msk [tilespmem:v20+s4+$0x0], $0xffff;
	v18 =	vadd.f32 v26, v18  }
0xa3: {  	v26 =	vld.idx.msk [tilespmem:v63+s4+$0x0], $0xffff;
	v19 =	vadd.f32 v27, v19;
	v27 =	vor.u32 s24, v4  }
0xa4: {  	v57 =	vor.u32 s22, v10;
	v21 =	vld.idx.msk [tilespmem:v21+s4+$0x0], $0xffff;
	v18 =	vadd.f32 v28, v18  }
0xa5: {  	v28 =	vor.u32 s24, v5;
	v19 =	vadd.f32 v29, v19;
	v23 =	vld.idx.msk [tilespmem:v23+s4+$0x0], $0xffff  }
0xa6: {  	v29 =	vor.u32 s22, v5;
	v24 =	vld.idx.msk [tilespmem:v24+s4+$0x0], $0xffff;
	v18 =	vadd.f32 v30, v18  }
0xa7: {  	v30 =	vor.u32 s24, v6;
	v25 =	vld.idx.msk [tilespmem:v25+s4+$0x0], $0xffff;
	v19 =	vadd.f32 v31, v19  }
0xa8: {  	v31 =	vor.u32 s22, v6;
	v27 =	vld.idx.msk [tilespmem:v27+s4+$0x0], $0xffff;
	v18 =	vadd.f32 v32, v18  }
0xa9: {  	v53 =	vor.u32 s24, v7;
	v32 =	vld.idx.msk [tilespmem:v57+s4+$0x0], $0xffff;
	v19 =	vadd.f32 v33, v19;
	v21 =	vadd.f32 v26, v21  }
0xaa: {  	v26 =	vor.u32 s22, v7;
	v28 =	vld.idx.msk [tilespmem:v28+s4+$0x0], $0xffff;
	v18 =	vadd.f32 v34, v18;
	v20 =	vadd.f32 v20, v23  }
0xab: {  	v55 =	vor.u32 s24, v8;
	v29 =	vld.idx.msk [tilespmem:v29+s4+$0x0], $0xffff;
	v19 =	vadd.f32 v35, v19;
	v21 =	vadd.f32 v24, v21  }
0xac: {  	v23 =	vor.u32 s22, v8;
	v24 =	vld.idx.msk [tilespmem:v30+s4+$0x0], $0xffff;
	v18 =	vadd.f32 v36, v18;
	v20 =	vadd.f32 v25, v20  }
0xad: {  	v30 =	vor.u32 s24, v9;
	v31 =	vld.idx.msk [tilespmem:v31+s4+$0x0], $0xffff;
	v19 =	vadd.f32 v37, v19;
	v21 =	vadd.f32 v27, v21  }
0xae: {  	v56 =	vor.u32 s22, v9;
	v25 =	vld.idx.msk [tilespmem:v53+s4+$0x0], $0xffff;
	v18 =	vadd.f32 v38, v18;
	v20 =	vadd.f32 v54, v20  }
0xaf: {  	v27 =	vor.u32 s24, v10;
	v26 =	vld.idx.msk [tilespmem:v26+s4+$0x0], $0xffff;
	v19 =	vadd.f32 v39, v19;
	v21 =	vadd.f32 v28, v21  }
0xb0: {  	v58 =	vor.u32 s24, v11;
	v28 =	vld.idx.msk [tilespmem:v55+s4+$0x0], $0xffff;
	v18 =	vadd.f32 v40, v18;
	v20 =	vadd.f32 v29, v20  }
0xb1: {  	v59 =	vor.u32 s22, v11;
	v23 =	vld.idx.msk [tilespmem:v23+s4+$0x0], $0xffff;
	v19 =	vadd.f32 v41, v19;
	v21 =	vadd.f32 v24, v21  }
0xb2: {  	v29 =	vor.u32 s24, v12;
	v24 =	vld.idx.msk [tilespmem:v30+s4+$0x0], $0xffff;
	v18 =	vadd.f32 v42, v18;
	v20 =	vadd.f32 v31, v20  }
0xb3: {  	v60 =	vor.u32 s22, v12;
	v30 =	vld.idx.msk [tilespmem:v56+s4+$0x0], $0xffff;
	v19 =	vadd.f32 v43, v19;
	v21 =	vadd.f32 v25, v21  }
0xb4: {  	v27 =	vld.idx.msk [tilespmem:v27+s4+$0x0], $0xffff;
	v31 =	vor.u32 s24, v13;
	v18 =	vadd.f32 v22, v18;
	v20 =	vadd.f32 v26, v20  }
0xb5: {  	v61 =	vor.u32 s22, v13;
	v33 =	vld.idx.msk [tilespmem:v58+s4+$0x0], $0xffff;
	v19 =	vadd.f32 v62, v19;
	v21 =	vadd.f32 v28, v21  }
0xb6: {  	v22 =	vld.idx.msk [tilespmem:v59+s4+$0x0], $0xffff;
	v62 =	vor.u32 s24, v14;
	v18 =	vadd.f32 v46, v18;
	v23 =	vadd.f32 v23, v20  }
0xb7: {  	v25 =	vld.idx.msk [tilespmem:v29+s4+$0x0], $0xffff;
	v20 =	vor.u32 s22, v14;
	v19 =	vadd.f32 v47, v19;
	v24 =	vadd.f32 v24, v21  }
0xb8: {  	v29 =	vor.u32 s24, v15;
	v21 =	vld.idx.msk [tilespmem:v60+s4+$0x0], $0xffff;
	v28 =	vadd.f32 v48, v18;
	v30 =	vadd.f32 v30, v23  }
0xb9: {  	v26 =	vld.idx.msk [tilespmem:v31+s4+$0x0], $0xffff;
	v63 =	vadd.f32 v49, v19;
	v27 =	vadd.f32 v27, v24;
	v19 =	vor.u32 s22, v15  }
0xba: {  	v23 =	vld.idx.msk [tilespmem:v61+s4+$0x0], $0xffff;
	[tilespmem:s28+$0xFFFFFFF0] =	vst v28;
	v28 =	vor.u32 s24, v16  }
0xbb: {  	s21 =	simm.s32 $0x2;
	s18 =	simm.s32 $0x500;
	v18 =	vor.u32 s22, v16;
	v24 =	vadd.f32 v32, v30;
	[tilespmem:s28+$0x0] =	vst v63;
	v30 =	vadd.f32 v33, v27;
	v27 =	vld.idx.msk [tilespmem:v62+s4+$0x0], $0xffff  }
.LBB2_4:
0xbc: {  	s20 =	sadd.s32 $0xFFFFFF00, s18;
	v31 =	vor.u32 s18, v0;
	v32 =	vor.u32 s18, v2;
	v33 =	vor.u32 s18, v3;
	s21 =	sadd.s32 $0x2, s21;
	v34 =	vld.idx.msk [tilespmem:v20+s4+$0x0], $0xffff  }
0xbd: {  	v20 =	vor.u32 s20, v0;
	v35 =	vor.u32 s20, v2;
	p0 =	slt.u32 s21, $0x6;
	v25 =	vadd.f32 v25, v30;
	v29 =	vld.idx.msk [tilespmem:v29+s4+$0x0], $0xffff  }
0xbe: {  	v30 =	vand.u32 v17, v31;
	v31 =	vor.u32 s18, v4;
	v20 =	vand.u32 v1, v20;
	v36 =	vld.idx.msk [tilespmem:v19+s4+$0x0], $0xffff  }
0xbf: {  	v37 =	vor.u32 s18, v5;
	v38 =	vor.u32 s18, v6;
	v19 =	vadd.f32 v26, v25;
	v25 =	vld.idx.msk [tilespmem:v28+s4+$0x0], $0xffff  }
0xc0: {  	v39 =	vor.u32 s18, v8;
	v26 =	vor.u32 s20, v3;
	v28 =	vor.u32 s18, v7;
	v40 =	vld.idx.msk [tilespmem:v18+s4+$0x0], $0xffff  }
0xc1: {  	v41 =	vor.u32 s18, v9;
	v42 =	vor.u32 s18, v10;
	v32 =	vld.idx.msk [tilespmem:v32+s4+$0x0], $0xffff;
	v18 =	vadd.f32 v27, v19  }
0xc2: {  	v43 =	vor.u32 s18, v11;
	v44 =	vor.u32 s18, v12;
	v27 =	vld.idx.msk [tilespmem:v35+s4+$0x0], $0xffff;
	v35 =	vor.u32 s20, v4  }
0xc3: {  	v46 =	vor.u32 s18, v13;
	v22 =	vadd.f32 v22, v24;
	v45 =	vld.idx.msk [tilespmem:v20+s4+$0x0], $0xffff;
	v29 =	vadd.f32 v29, v18  }
0xc4: {  	v24 =	vor.u32 s20, v5;
	v19 =	vor.u32 s18, v15;
	v20 =	vor.u32 s18, v14;
	v30 =	vld.idx.msk [tilespmem:v30+s4+$0x0], $0xffff  }
0xc5: {  	v21 =	vadd.f32 v21, v22;
	v18 =	vor.u32 s18, v16;
	v26 =	vld.idx.msk [tilespmem:v26+s4+$0x0], $0xffff;
	v25 =	vadd.f32 v25, v29  }
0xc6: {  	s28 =	sadd.s32 $0x20, s28;
	v22 =	vor.u32 s20, v6;
	v29 =	vld.idx.msk [tilespmem:v33+s4+$0x0], $0xffff  }
0xc7: {  	v21 =	vadd.f32 v23, v21;
	v33 =	vld.idx.msk [tilespmem:v35+s4+$0x0], $0xffff;
	[tilespmem:s28+$0xFFFFFFF0] =	vst v25  }
0xc8: {  	v23 =	vor.u32 s20, v7;
	v25 =	vld.idx.msk [tilespmem:v31+s4+$0x0], $0xffff  }
0xc9: {  	v21 =	vadd.f32 v34, v21;
	v27 =	vadd.f32 v27, v45;
	v24 =	vld.idx.msk [tilespmem:v24+s4+$0x0], $0xffff  }
0xca: {  	v31 =	vor.u32 s20, v8;
	v30 =	vadd.f32 v32, v30;
	v32 =	vld.idx.msk [tilespmem:v37+s4+$0x0], $0xffff  }
0xcb: {  	v21 =	vadd.f32 v36, v21;
	v26 =	vadd.f32 v26, v27;
	v22 =	vld.idx.msk [tilespmem:v22+s4+$0x0], $0xffff  }
0xcc: {  	v27 =	vor.u32 s20, v9;
	v29 =	vadd.f32 v29, v30;
	v30 =	vld.idx.msk [tilespmem:v38+s4+$0x0], $0xffff  }
0xcd: {  	v21 =	vadd.f32 v40, v21;
	v26 =	vadd.f32 v33, v26;
	v23 =	vld.idx.msk [tilespmem:v23+s4+$0x0], $0xffff  }
0xce: {  	v33 =	vor.u32 s20, v10;
	v25 =	vadd.f32 v25, v29;
	v28 =	vld.idx.msk [tilespmem:v28+s4+$0x0], $0xffff  }
0xcf: {  	v24 =	vadd.f32 v24, v26;
	v26 =	vld.idx.msk [tilespmem:v31+s4+$0x0], $0xffff;
	[tilespmem:s28+$0x0] =	vst v21  }
0xd0: {  	v21 =	vor.u32 s20, v11;
	v25 =	vadd.f32 v32, v25;
	v29 =	vld.idx.msk [tilespmem:v39+s4+$0x0], $0xffff  }
0xd1: {  	v22 =	vadd.f32 v22, v24;
	v24 =	vld.idx.msk [tilespmem:v27+s4+$0x0], $0xffff  }
0xd2: {  	v27 =	vor.u32 s20, v12;
	v25 =	vadd.f32 v30, v25;
	v30 =	vld.idx.msk [tilespmem:v41+s4+$0x0], $0xffff  }
0xd3: {  	v22 =	vadd.f32 v23, v22;
	v23 =	vld.idx.msk [tilespmem:v33+s4+$0x0], $0xffff  }
0xd4: {  	v31 =	vor.u32 s20, v13;
	v25 =	vadd.f32 v28, v25;
	v32 =	vld.idx.msk [tilespmem:v42+s4+$0x0], $0xffff  }
0xd5: {  	v26 =	vadd.f32 v26, v22;
	v33 =	vld.idx.msk [tilespmem:v21+s4+$0x0], $0xffff  }
0xd6: {  	v34 =	vor.u32 s20, v14;
	v21 =	vadd.f32 v29, v25;
	v22 =	vld.idx.msk [tilespmem:v43+s4+$0x0], $0xffff  }
.Ltmp1:
0xd7: {  	v24 =	vadd.f32 v24, v26;
	v25 =	vld.idx.msk [tilespmem:v27+s4+$0x0], $0xffff;
	(pc) =	sbr.rel @p0 .LBB2_4-.Ltmp1, $4  }
0xd8: {  	v29 =	vor.u32 s20, v15;
	v27 =	vadd.f32 v30, v21;
	v21 =	vld.idx.msk [tilespmem:v44+s4+$0x0], $0xffff  }
0xd9: {  	v30 =	vadd.f32 v23, v24;
	v26 =	vld.idx.msk [tilespmem:v31+s4+$0x0], $0xffff  }
0xda: {  	v28 =	vor.u32 s20, v16;
	v24 =	vadd.f32 v32, v27;
	v23 =	vld.idx.msk [tilespmem:v46+s4+$0x0], $0xffff  }
0xdb: {  	s18 =	sadd.s32 $0x200, s18;
	v30 =	vadd.f32 v33, v30;
	v27 =	vld.idx.msk [tilespmem:v34+s4+$0x0], $0xffff  }
0xdc: {  	_ =	sdelay $0x2  }
0xdd: {  	v22 =	vadd.f32 v22, v24  }
0xde: {  	v20 =	vld.idx.msk [tilespmem:v20+s4+$0x0], $0xffff;
	v24 =	vadd.f32 v25, v30  }
0xdf: {  	v25 =	vld.idx.msk [tilespmem:v29+s4+$0x0], $0xffff;
	v21 =	vadd.f32 v21, v22  }
0xe0: {  	v19 =	vld.idx.msk [tilespmem:v19+s4+$0x0], $0xffff;
	v22 =	vadd.f32 v26, v24  }
0xe1: {  	v24 =	vld.idx.msk [tilespmem:v28+s4+$0x0], $0xffff;
	v21 =	vadd.f32 v23, v21  }
0xe2: {  	v18 =	vld.idx.msk [tilespmem:v18+s4+$0x0], $0xffff;
	v22 =	vadd.f32 v27, v22  }
0xe3: {  	v20 =	vadd.f32 v20, v21  }
0xe4: {  	v21 =	vadd.f32 v25, v22  }
0xe5: {  	v19 =	vadd.f32 v19, v20  }
0xe6: {  	v20 =	vadd.f32 v24, v21  }
0xe7: {  	s18 =	sadd.s32 $0x20, s28;
	v18 =	vadd.f32 v18, v19  }
0xe8: {  	[tilespmem:s18+$0xFFFFFFF0] =	vst v20  }
0xe9: {  	s22 =	simm.s32 $0x100;
	[tilespmem:s18+$0x0] =	vst v18  }
0xea: {  	[tilespmem:s29], [sflag:$0x1] =	stream.indirect.gather [hbm4b:s1+s14], $0x80, s22, s14, $0xb8;
	[tilespmem:$0x11200] =	vst v63  }
0xeb: {  	s24 =	simm.s32 $0x300  }
0xec: {  	[tilespmem:s30], [sflag:$0x2] =	stream.indirect.gather [hbm4b:s2+s14], $0x80, s24, s14, $0xb8;
	[tilespmem:$0x11200] =	vst v63  }
0xed: {  	_ =	swait.ge [sflag:s15], $0x4000  }
0xee: {  	[sflag:s15] =	ssyncset.done $0x0  }
0xef: {  	[sflag:s15] =	ssyncadd.s32 $0xFFFFC000  }
0xf0: {  	_ =	swait.ge [sflag:s16], $0x4000  }
0xf1: {  	[sflag:s16] =	ssyncset.done $0x0  }
0xf2: {  	s22 =	simm.s32 $0x8480;
	[sflag:s16] =	ssyncadd.s32 $0xFFFFC000  }
0xf3: {  	s21 =	simm.s32 $0xC480;
	v19 =	vld [tilespmem:s22+$0x0]  }
0xf4: {  	v20 =	vld [tilespmem:s21+$0x0]  }
0xf5: {  	v21 =	vld [tilespmem:s22+$0x10]  }
0xf6: {  	v22 =	vld [tilespmem:s21+$0x10]  }
0xf7: {  	v23 =	vld [tilespmem:s22+$0x20]  }
0xf8: {  	v24 =	vld [tilespmem:s21+$0x20]  }
0xf9: {  	v25 =	vld [tilespmem:s22+$0x30]  }
0xfa: {  	v26 =	vld [tilespmem:s21+$0x30]  }
0xfb: {  	v27 =	vld [tilespmem:s22+$0x40]  }
0xfc: {  	v28 =	vld [tilespmem:s21+$0x40]  }
0xfd: {  	v29 =	vld [tilespmem:s22+$0x50]  }
0xfe: {  	v61 =	vld [tilespmem:s21+$0x50]  }
0xff: {  	v31 =	vld [tilespmem:s22+$0x60]  }
0x100: {  	v32 =	vld [tilespmem:s21+$0x60]  }
0x101: {  	v33 =	vld [tilespmem:s22+$0x70]  }
0x102: {  	v34 =	vld [tilespmem:s21+$0x70]  }
0x103: {  	v18 =	vld [tilespmem:s21+$0xFFFFFF80]  }
0x104: {  	v35 =	vld [tilespmem:s22+$0xFFFFFF90]  }
0x105: {  	v36 =	vld [tilespmem:s21+$0xFFFFFF90]  }
0x106: {  	v37 =	vld [tilespmem:s22+$0xFFFFFFA0]  }
0x107: {  	v38 =	vld [tilespmem:s21+$0xFFFFFFA0];
	v19 =	vmul.f32 v20, v19;
	v20 =	vmul.f32 v22, v21  }
0x108: {  	v62 =	vld [tilespmem:s21+$0xFFFFFFC0];
	v21 =	vmul.f32 v24, v23;
	v22 =	vmul.f32 v26, v25  }
0x109: {  	v23 =	vld [tilespmem:s22+$0xFFFFFFB0];
	v24 =	vmul.f32 v28, v27;
	v25 =	vmul.f32 v61, v29  }
0x10a: {  	v26 =	vld [tilespmem:s21+$0xFFFFFFB0];
	v27 =	vmul.f32 v32, v31;
	v28 =	vmul.f32 v34, v33  }
0x10b: {  	v29 =	vld [tilespmem:s22+$0xFFFFFFC0];
	v19 =	vadd.f32 v20, v19;
	v20 =	vadd.f32 v22, v21  }
0x10c: {  	v21 =	vadd.f32 v25, v24;
	v22 =	vadd.f32 v28, v27;
	v27 =	vld [tilespmem:s22+$0xFFFFFFD0]  }
0x10d: {  	v28 =	vld [tilespmem:s21+$0xFFFFFFD0]  }
0x10e: {  	v19 =	vadd.f32 v20, v19;
	v20 =	vadd.f32 v22, v21;
	v21 =	vld [tilespmem:s22+$0xFFFFFFE0]  }
0x10f: {  	v22 =	vld [tilespmem:s21+$0xFFFFFFE0]  }
0x110: {  	v63 =	vmul.f32 v38, v37;
	v24 =	vld [tilespmem:s21+$0xFFFFFFF0];
	v26 =	vmul.f32 v26, v23;
	v20 =	vadd.f32 v20, v19  }
0x111: {  	s18 =	simm.s32 $0x10410;
	v23 =	vld [tilespmem:s22+$0xFFFFFFF0];
	v25 =	vmul.f32 v62, v29  }
0x112: {  	s20 =	simm.s32 $0x0;
	s28 =	simm.s32 $0x10C90;
	v19 =	vmul.f32 v36, v35;
	v27 =	vmul.f32 v28, v27;
	[tilespmem:s18+$0x0] =	vst v20;
	v20 =	vadd.f32 v26, v63;
	v26 =	vld [tilespmem:s22+$0xFFFFFF80];
	s22 =	simm.s32 $0x8580  }
.LBB2_6:
0x113: {  	v28 =	vld [tilespmem:s22+$0x0];
	s21 =	sadd.s32 $0x100, s21  }
0x114: {  	v29 =	vld [tilespmem:s21+$0x0];
	v21 =	vmul.f32 v22, v21;
	v22 =	vadd.f32 v27, v25  }
0x115: {  	v25 =	vld [tilespmem:s22+$0x10]  }
0x116: {  	v27 =	vld [tilespmem:s21+$0x10];
	v23 =	vmul.f32 v24, v23  }
0x117: {  	v24 =	vld [tilespmem:s22+$0x20];
	v18 =	vmul.f32 v18, v26  }
0x118: {  	v26 =	vld [tilespmem:s21+$0x20];
	v21 =	vadd.f32 v23, v21  }
0x119: {  	v23 =	vld [tilespmem:s22+$0x30];
	v18 =	vadd.f32 v19, v18  }
0x11a: {  	v19 =	vld [tilespmem:s21+$0x30];
	v21 =	vadd.f32 v21, v22  }
0x11b: {  	v22 =	vld [tilespmem:s22+$0x40];
	v18 =	vadd.f32 v20, v18  }
0x11c: {  	v20 =	vld [tilespmem:s21+$0x40]  }
0x11d: {  	v30 =	vld [tilespmem:s22+$0x50];
	v18 =	vadd.f32 v21, v18  }
0x11e: {  	v21 =	vld [tilespmem:s21+$0x50]  }
0x11f: {  	v31 =	vld [tilespmem:s22+$0x60];
	[tilespmem:s18+$0xFFFFFFF0] =	vst v18  }
0x120: {  	v32 =	vld [tilespmem:s21+$0x60]  }
0x121: {  	v33 =	vld [tilespmem:s22+$0x70]  }
0x122: {  	s20 =	sadd.s32 $0x2, s20;
	v34 =	vld [tilespmem:s21+$0x70]  }
0x123: {  	p0 =	slt.u32 s20, $0x7E;
	v18 =	vld [tilespmem:s21+$0xFFFFFF80]  }
0x124: {  	v28 =	vmul.f32 v29, v28;
	v25 =	vmul.f32 v27, v25;
	v35 =	vld [tilespmem:s22+$0xFFFFFF90]  }
0x125: {  	v24 =	vmul.f32 v26, v24;
	v19 =	vmul.f32 v19, v23;
	v27 =	vld [tilespmem:s21+$0xFFFFFF90]  }
0x126: {  	v20 =	vmul.f32 v20, v22;
	v21 =	vmul.f32 v21, v30;
	v23 =	vld [tilespmem:s22+$0xFFFFFFA0]  }
0x127: {  	v26 =	vmul.f32 v32, v31;
	v22 =	vld [tilespmem:s21+$0xFFFFFFA0];
	v29 =	vmul.f32 v34, v33  }
0x128: {  	v25 =	vadd.f32 v25, v28;
	v24 =	vadd.f32 v19, v24;
	v30 =	vld [tilespmem:s22+$0xFFFFFFB0]  }
0x129: {  	v20 =	vadd.f32 v21, v20;
	v28 =	vld [tilespmem:s21+$0xFFFFFFB0];
	v21 =	vadd.f32 v29, v26  }
0x12a: {  	v19 =	vmul.f32 v27, v35;
	v26 =	vld [tilespmem:s22+$0xFFFFFFC0]  }
0x12b: {  	v24 =	vadd.f32 v24, v25;
	v27 =	vld [tilespmem:s21+$0xFFFFFFC0];
	v20 =	vadd.f32 v21, v20  }
0x12c: {  	v29 =	vmul.f32 v22, v23;
	v31 =	vld [tilespmem:s22+$0xFFFFFFD0]  }
0x12d: {  	v32 =	vld [tilespmem:s21+$0xFFFFFFD0];
	v20 =	vadd.f32 v20, v24  }
.Ltmp2:
0x12e: {  	s18 =	sadd.s32 $0x20, s18;
	v24 =	vmul.f32 v28, v30;
	v21 =	vld [tilespmem:s22+$0xFFFFFFE0];
	(pc) =	sbr.rel @p0 .LBB2_6-.Ltmp2, $4  }
0x12f: {  	s24 =	simm.s32 $0x100;
	v22 =	vld [tilespmem:s21+$0xFFFFFFE0];
	[tilespmem:s18+$0x0] =	vst v20  }
0x130: {  	v25 =	vmul.f32 v27, v26;
	v23 =	vld [tilespmem:s22+$0xFFFFFFF0];
	v20 =	vadd.f32 v24, v29  }
0x131: {  	v24 =	vld [tilespmem:s21+$0xFFFFFFF0]  }
0x132: {  	v26 =	vld [tilespmem:s22+$0xFFFFFF80];
	v27 =	vmul.f32 v32, v31;
	s22 =	sadd.s32 $0x100, s22  }
0x133: {  	_ =	sdelay $0x2  }
0x134: {  	v21 =	vmul.f32 v22, v21  }
0x135: {  	v22 =	vmul.f32 v24, v23;
	v18 =	vmul.f32 v18, v26  }
0x136: {  	v23 =	vadd.f32 v27, v25  }
0x137: {  	v21 =	vadd.f32 v22, v21;
	v18 =	vadd.f32 v19, v18;
	_ =	sdelay $0x1  }
0x138: {  	s20 =	simm.s32 $0x0;
	v19 =	vadd.f32 v21, v23;
	v18 =	vadd.f32 v20, v18;
	v20 =	vor.u32 s24, v2  }
0x139: {  	v22 =	vor.u32 s20, v2;
	v21 =	vor.u32 s20, v0  }
0x13a: {  	v21 =	vand.u32 v1, v21;
	v18 =	vadd.f32 v19, v18  }
0x13b: {  	v23 =	vor.u32 s24, v3  }
0x13c: {  	v24 =	vor.u32 s20, v4;
	[tilespmem:s18+$0xFFFFFFF0] =	vst v18  }
0x13d: {  	v25 =	vor.u32 s24, v4;
	v20 =	vld.idx.msk [tilespmem:v20+s4+$0x0], $0xffff  }
0x13e: {  	v26 =	vor.u32 s20, v5;
	v22 =	vld.idx.msk [tilespmem:v22+s4+$0x0], $0xffff  }
0x13f: {  	v27 =	vor.u32 s24, v5;
	v21 =	vld.idx.msk [tilespmem:v21+s4+$0x0], $0xffff  }
0x140: {  	v28 =	vor.u32 s20, v6;
	v23 =	vld.idx.msk [tilespmem:v23+s4+$0x0], $0xffff  }
0x141: {  	v29 =	vor.u32 s24, v6;
	v24 =	vld.idx.msk [tilespmem:v24+s4+$0x0], $0xffff  }
0x142: {  	v30 =	vor.u32 s20, v7;
	v25 =	vld.idx.msk [tilespmem:v25+s4+$0x0], $0xffff  }
0x143: {  	v31 =	vor.u32 s24, v7;
	v26 =	vld.idx.msk [tilespmem:v26+s4+$0x0], $0xffff  }
0x144: {  	v32 =	vor.u32 s20, v8;
	v27 =	vld.idx.msk [tilespmem:v27+s4+$0x0], $0xffff  }
0x145: {  	v33 =	vor.u32 s24, v8;
	v28 =	vld.idx.msk [tilespmem:v28+s4+$0x0], $0xffff  }
0x146: {  	v34 =	vor.u32 s20, v9;
	v29 =	vld.idx.msk [tilespmem:v29+s4+$0x0], $0xffff  }
0x147: {  	v35 =	vor.u32 s24, v9;
	v30 =	vld.idx.msk [tilespmem:v30+s4+$0x0], $0xffff  }
0x148: {  	v36 =	vor.u32 s20, v10;
	v31 =	vld.idx.msk [tilespmem:v31+s4+$0x0], $0xffff  }
0x149: {  	v37 =	vor.u32 s24, v10;
	v32 =	vld.idx.msk [tilespmem:v32+s4+$0x0], $0xffff  }
0x14a: {  	v38 =	vor.u32 s20, v11;
	v33 =	vld.idx.msk [tilespmem:v33+s4+$0x0], $0xffff  }
0x14b: {  	v39 =	vor.u32 s24, v11;
	v34 =	vld.idx.msk [tilespmem:v34+s4+$0x0], $0xffff  }
0x14c: {  	v40 =	vor.u32 s20, v12;
	v35 =	vld.idx.msk [tilespmem:v35+s4+$0x0], $0xffff  }
0x14d: {  	v41 =	vor.u32 s24, v12;
	v36 =	vld.idx.msk [tilespmem:v36+s4+$0x0], $0xffff  }
0x14e: {  	v42 =	vor.u32 s20, v13;
	v19 =	vor.u32 s24, v0;
	v37 =	vld.idx.msk [tilespmem:v37+s4+$0x0], $0xffff  }
0x14f: {  	v19 =	vand.u32 v17, v19;
	v38 =	vld.idx.msk [tilespmem:v38+s4+$0x0], $0xffff  }
0x150: {  	v18 =	vor.u32 s20, v3;
	v39 =	vld.idx.msk [tilespmem:v39+s4+$0x0], $0xffff  }
0x151: {  	v43 =	vor.u32 s24, v13;
	v40 =	vld.idx.msk [tilespmem:v40+s4+$0x0], $0xffff  }
0x152: {  	v45 =	vor.u32 s24, v14;
	v41 =	vld.idx.msk [tilespmem:v41+s4+$0x0], $0xffff  }
0x153: {  	v46 =	vor.u32 s20, v15;
	v42 =	vld.idx.msk [tilespmem:v42+s4+$0x0], $0xffff  }
0x154: {  	v47 =	vor.u32 s24, v15;
	v19 =	vld.idx.msk [tilespmem:v19+s4+$0x0], $0xffff  }
0x155: {  	v48 =	vor.u32 s20, v16;
	v18 =	vld.idx.msk [tilespmem:v18+s4+$0x0], $0xffff  }
0x156: {  	v49 =	vor.u32 s24, v16;
	s22 =	simm.s32 $0x300;
	v43 =	vld.idx.msk [tilespmem:v43+s4+$0x0], $0xffff  }
0x157: {  	v52 =	vor.u32 s22, v4;
	v62 =	vld.idx.msk [tilespmem:v45+s4+$0x0], $0xffff  }
0x158: {  	v44 =	vor.u32 s20, v14;
	v46 =	vld.idx.msk [tilespmem:v46+s4+$0x0], $0xffff;
	v21 =	vadd.f32 v22, v21  }
0x159: {  	s24 =	simm.s32 $0x200;
	v47 =	vld.idx.msk [tilespmem:v47+s4+$0x0], $0xffff;
	v19 =	vadd.f32 v20, v19;
	v20 =	vor.u32 s22, v2  }
0x15a: {  	v63 =	vor.u32 s24, v2;
	v48 =	vld.idx.msk [tilespmem:v48+s4+$0x0], $0xffff;
	v18 =	vadd.f32 v18, v21;
	v21 =	vor.u32 s24, v0  }
0x15b: {  	v49 =	vld.idx.msk [tilespmem:v49+s4+$0x0], $0xffff;
	v19 =	vadd.f32 v23, v19;
	v23 =	vor.u32 s22, v0;
	v21 =	vand.u32 v1, v21  }
0x15c: {  	v54 =	vld.idx.msk [tilespmem:v52+s4+$0x0], $0xffff;
	v23 =	vand.u32 v17, v23;
	v18 =	vadd.f32 v24, v18  }
0x15d: {  	v22 =	vld.idx.msk [tilespmem:v44+s4+$0x0], $0xffff;
	v24 =	vor.u32 s24, v3;
	v19 =	vadd.f32 v25, v19  }
0x15e: {  	v25 =	vor.u32 s22, v3;
	v20 =	vld.idx.msk [tilespmem:v20+s4+$0x0], $0xffff;
	v18 =	vadd.f32 v26, v18  }
0x15f: {  	v26 =	vld.idx.msk [tilespmem:v63+s4+$0x0], $0xffff;
	v19 =	vadd.f32 v27, v19;
	v27 =	vor.u32 s24, v4  }
0x160: {  	v57 =	vor.u32 s22, v10;
	v21 =	vld.idx.msk [tilespmem:v21+s4+$0x0], $0xffff;
	v18 =	vadd.f32 v28, v18  }
0x161: {  	v28 =	vor.u32 s24, v5;
	v19 =	vadd.f32 v29, v19;
	v23 =	vld.idx.msk [tilespmem:v23+s4+$0x0], $0xffff  }
0x162: {  	v29 =	vor.u32 s22, v5;
	v24 =	vld.idx.msk [tilespmem:v24+s4+$0x0], $0xffff;
	v18 =	vadd.f32 v30, v18  }
0x163: {  	v30 =	vor.u32 s24, v6;
	v25 =	vld.idx.msk [tilespmem:v25+s4+$0x0], $0xffff;
	v19 =	vadd.f32 v31, v19  }
0x164: {  	v31 =	vor.u32 s22, v6;
	v27 =	vld.idx.msk [tilespmem:v27+s4+$0x0], $0xffff;
	v18 =	vadd.f32 v32, v18  }
0x165: {  	v53 =	vor.u32 s24, v7;
	v32 =	vld.idx.msk [tilespmem:v57+s4+$0x0], $0xffff;
	v19 =	vadd.f32 v33, v19;
	v21 =	vadd.f32 v26, v21  }
0x166: {  	v26 =	vor.u32 s22, v7;
	v28 =	vld.idx.msk [tilespmem:v28+s4+$0x0], $0xffff;
	v18 =	vadd.f32 v34, v18;
	v20 =	vadd.f32 v20, v23  }
0x167: {  	v55 =	vor.u32 s24, v8;
	v29 =	vld.idx.msk [tilespmem:v29+s4+$0x0], $0xffff;
	v19 =	vadd.f32 v35, v19;
	v21 =	vadd.f32 v24, v21  }
0x168: {  	v23 =	vor.u32 s22, v8;
	v24 =	vld.idx.msk [tilespmem:v30+s4+$0x0], $0xffff;
	v18 =	vadd.f32 v36, v18;
	v20 =	vadd.f32 v25, v20  }
0x169: {  	v30 =	vor.u32 s24, v9;
	v31 =	vld.idx.msk [tilespmem:v31+s4+$0x0], $0xffff;
	v19 =	vadd.f32 v37, v19;
	v21 =	vadd.f32 v27, v21  }
0x16a: {  	v56 =	vor.u32 s22, v9;
	v25 =	vld.idx.msk [tilespmem:v53+s4+$0x0], $0xffff;
	v18 =	vadd.f32 v38, v18;
	v20 =	vadd.f32 v54, v20  }
0x16b: {  	v27 =	vor.u32 s24, v10;
	v26 =	vld.idx.msk [tilespmem:v26+s4+$0x0], $0xffff;
	v19 =	vadd.f32 v39, v19;
	v21 =	vadd.f32 v28, v21  }
0x16c: {  	v58 =	vor.u32 s24, v11;
	v28 =	vld.idx.msk [tilespmem:v55+s4+$0x0], $0xffff;
	v18 =	vadd.f32 v40, v18;
	v20 =	vadd.f32 v29, v20  }
0x16d: {  	v59 =	vor.u32 s22, v11;
	v23 =	vld.idx.msk [tilespmem:v23+s4+$0x0], $0xffff;
	v19 =	vadd.f32 v41, v19;
	v21 =	vadd.f32 v24, v21  }
0x16e: {  	v29 =	vor.u32 s24, v12;
	v24 =	vld.idx.msk [tilespmem:v30+s4+$0x0], $0xffff;
	v18 =	vadd.f32 v42, v18;
	v20 =	vadd.f32 v31, v20  }
0x16f: {  	v60 =	vor.u32 s22, v12;
	v30 =	vld.idx.msk [tilespmem:v56+s4+$0x0], $0xffff;
	v19 =	vadd.f32 v43, v19;
	v21 =	vadd.f32 v25, v21  }
0x170: {  	v27 =	vld.idx.msk [tilespmem:v27+s4+$0x0], $0xffff;
	v31 =	vor.u32 s24, v13;
	v18 =	vadd.f32 v22, v18;
	v20 =	vadd.f32 v26, v20  }
0x171: {  	v61 =	vor.u32 s22, v13;
	v33 =	vld.idx.msk [tilespmem:v58+s4+$0x0], $0xffff;
	v19 =	vadd.f32 v62, v19;
	v21 =	vadd.f32 v28, v21  }
0x172: {  	v22 =	vld.idx.msk [tilespmem:v59+s4+$0x0], $0xffff;
	v62 =	vor.u32 s24, v14;
	v18 =	vadd.f32 v46, v18;
	v23 =	vadd.f32 v23, v20  }
0x173: {  	v25 =	vld.idx.msk [tilespmem:v29+s4+$0x0], $0xffff;
	v20 =	vor.u32 s22, v14;
	v19 =	vadd.f32 v47, v19;
	v24 =	vadd.f32 v24, v21  }
0x174: {  	v29 =	vor.u32 s24, v15;
	v21 =	vld.idx.msk [tilespmem:v60+s4+$0x0], $0xffff;
	v28 =	vadd.f32 v48, v18;
	v30 =	vadd.f32 v30, v23  }
0x175: {  	v26 =	vld.idx.msk [tilespmem:v31+s4+$0x0], $0xffff;
	v63 =	vadd.f32 v49, v19;
	v27 =	vadd.f32 v27, v24;
	v19 =	vor.u32 s22, v15  }
0x176: {  	v23 =	vld.idx.msk [tilespmem:v61+s4+$0x0], $0xffff;
	[tilespmem:s28+$0xFFFFFFF0] =	vst v28;
	v28 =	vor.u32 s24, v16  }
0x177: {  	s21 =	simm.s32 $0x2;
	s18 =	simm.s32 $0x500;
	v18 =	vor.u32 s22, v16;
	v24 =	vadd.f32 v32, v30;
	[tilespmem:s28+$0x0] =	vst v63;
	v30 =	vadd.f32 v33, v27;
	v27 =	vld.idx.msk [tilespmem:v62+s4+$0x0], $0xffff  }
.LBB2_8:
0x178: {  	s20 =	sadd.s32 $0xFFFFFF00, s18;
	v31 =	vor.u32 s18, v0;
	v32 =	vor.u32 s18, v2;
	v33 =	vor.u32 s18, v3;
	s21 =	sadd.s32 $0x2, s21;
	v34 =	vld.idx.msk [tilespmem:v20+s4+$0x0], $0xffff  }
0x179: {  	v20 =	vor.u32 s20, v0;
	v35 =	vor.u32 s20, v2;
	p0 =	slt.u32 s21, $0x6;
	v25 =	vadd.f32 v25, v30;
	v29 =	vld.idx.msk [tilespmem:v29+s4+$0x0], $0xffff  }
0x17a: {  	v30 =	vand.u32 v17, v31;
	v31 =	vor.u32 s18, v4;
	v20 =	vand.u32 v1, v20;
	v36 =	vld.idx.msk [tilespmem:v19+s4+$0x0], $0xffff  }
0x17b: {  	v37 =	vor.u32 s18, v5;
	v38 =	vor.u32 s18, v6;
	v19 =	vadd.f32 v26, v25;
	v25 =	vld.idx.msk [tilespmem:v28+s4+$0x0], $0xffff  }
0x17c: {  	v39 =	vor.u32 s18, v8;
	v26 =	vor.u32 s20, v3;
	v28 =	vor.u32 s18, v7;
	v40 =	vld.idx.msk [tilespmem:v18+s4+$0x0], $0xffff  }
0x17d: {  	v41 =	vor.u32 s18, v9;
	v42 =	vor.u32 s18, v10;
	v32 =	vld.idx.msk [tilespmem:v32+s4+$0x0], $0xffff;
	v18 =	vadd.f32 v27, v19  }
0x17e: {  	v43 =	vor.u32 s18, v11;
	v44 =	vor.u32 s18, v12;
	v27 =	vld.idx.msk [tilespmem:v35+s4+$0x0], $0xffff;
	v35 =	vor.u32 s20, v4  }
0x17f: {  	v46 =	vor.u32 s18, v13;
	v22 =	vadd.f32 v22, v24;
	v45 =	vld.idx.msk [tilespmem:v20+s4+$0x0], $0xffff;
	v29 =	vadd.f32 v29, v18  }
0x180: {  	v24 =	vor.u32 s20, v5;
	v19 =	vor.u32 s18, v15;
	v20 =	vor.u32 s18, v14;
	v30 =	vld.idx.msk [tilespmem:v30+s4+$0x0], $0xffff  }
0x181: {  	v21 =	vadd.f32 v21, v22;
	v18 =	vor.u32 s18, v16;
	v26 =	vld.idx.msk [tilespmem:v26+s4+$0x0], $0xffff;
	v25 =	vadd.f32 v25, v29  }
0x182: {  	s28 =	sadd.s32 $0x20, s28;
	v22 =	vor.u32 s20, v6;
	v29 =	vld.idx.msk [tilespmem:v33+s4+$0x0], $0xffff  }
0x183: {  	v21 =	vadd.f32 v23, v21;
	v33 =	vld.idx.msk [tilespmem:v35+s4+$0x0], $0xffff;
	[tilespmem:s28+$0xFFFFFFF0] =	vst v25  }
0x184: {  	v23 =	vor.u32 s20, v7;
	v25 =	vld.idx.msk [tilespmem:v31+s4+$0x0], $0xffff  }
0x185: {  	v21 =	vadd.f32 v34, v21;
	v27 =	vadd.f32 v27, v45;
	v24 =	vld.idx.msk [tilespmem:v24+s4+$0x0], $0xffff  }
0x186: {  	v31 =	vor.u32 s20, v8;
	v30 =	vadd.f32 v32, v30;
	v32 =	vld.idx.msk [tilespmem:v37+s4+$0x0], $0xffff  }
0x187: {  	v21 =	vadd.f32 v36, v21;
	v26 =	vadd.f32 v26, v27;
	v22 =	vld.idx.msk [tilespmem:v22+s4+$0x0], $0xffff  }
0x188: {  	v27 =	vor.u32 s20, v9;
	v29 =	vadd.f32 v29, v30;
	v30 =	vld.idx.msk [tilespmem:v38+s4+$0x0], $0xffff  }
0x189: {  	v21 =	vadd.f32 v40, v21;
	v26 =	vadd.f32 v33, v26;
	v23 =	vld.idx.msk [tilespmem:v23+s4+$0x0], $0xffff  }
0x18a: {  	v33 =	vor.u32 s20, v10;
	v25 =	vadd.f32 v25, v29;
	v28 =	vld.idx.msk [tilespmem:v28+s4+$0x0], $0xffff  }
0x18b: {  	v24 =	vadd.f32 v24, v26;
	v26 =	vld.idx.msk [tilespmem:v31+s4+$0x0], $0xffff;
	[tilespmem:s28+$0x0] =	vst v21  }
0x18c: {  	v21 =	vor.u32 s20, v11;
	v25 =	vadd.f32 v32, v25;
	v29 =	vld.idx.msk [tilespmem:v39+s4+$0x0], $0xffff  }
0x18d: {  	v22 =	vadd.f32 v22, v24;
	v24 =	vld.idx.msk [tilespmem:v27+s4+$0x0], $0xffff  }
0x18e: {  	v27 =	vor.u32 s20, v12;
	v25 =	vadd.f32 v30, v25;
	v30 =	vld.idx.msk [tilespmem:v41+s4+$0x0], $0xffff  }
0x18f: {  	v22 =	vadd.f32 v23, v22;
	v23 =	vld.idx.msk [tilespmem:v33+s4+$0x0], $0xffff  }
0x190: {  	v31 =	vor.u32 s20, v13;
	v25 =	vadd.f32 v28, v25;
	v32 =	vld.idx.msk [tilespmem:v42+s4+$0x0], $0xffff  }
0x191: {  	v26 =	vadd.f32 v26, v22;
	v33 =	vld.idx.msk [tilespmem:v21+s4+$0x0], $0xffff  }
0x192: {  	v34 =	vor.u32 s20, v14;
	v21 =	vadd.f32 v29, v25;
	v22 =	vld.idx.msk [tilespmem:v43+s4+$0x0], $0xffff  }
.Ltmp3:
0x193: {  	v24 =	vadd.f32 v24, v26;
	v25 =	vld.idx.msk [tilespmem:v27+s4+$0x0], $0xffff;
	(pc) =	sbr.rel @p0 .LBB2_8-.Ltmp3, $4  }
0x194: {  	v29 =	vor.u32 s20, v15;
	v27 =	vadd.f32 v30, v21;
	v21 =	vld.idx.msk [tilespmem:v44+s4+$0x0], $0xffff  }
0x195: {  	v30 =	vadd.f32 v23, v24;
	v26 =	vld.idx.msk [tilespmem:v31+s4+$0x0], $0xffff  }
0x196: {  	v28 =	vor.u32 s20, v16;
	v24 =	vadd.f32 v32, v27;
	v23 =	vld.idx.msk [tilespmem:v46+s4+$0x0], $0xffff  }
0x197: {  	s18 =	sadd.s32 $0x200, s18;
	v30 =	vadd.f32 v33, v30;
	v27 =	vld.idx.msk [tilespmem:v34+s4+$0x0], $0xffff  }
0x198: {  	_ =	sdelay $0x2  }
0x199: {  	v22 =	vadd.f32 v22, v24  }
0x19a: {  	v20 =	vld.idx.msk [tilespmem:v20+s4+$0x0], $0xffff;
	v24 =	vadd.f32 v25, v30  }
0x19b: {  	v25 =	vld.idx.msk [tilespmem:v29+s4+$0x0], $0xffff;
	v21 =	vadd.f32 v21, v22  }
0x19c: {  	v19 =	vld.idx.msk [tilespmem:v19+s4+$0x0], $0xffff;
	v22 =	vadd.f32 v26, v24  }
0x19d: {  	v24 =	vld.idx.msk [tilespmem:v28+s4+$0x0], $0xffff;
	v21 =	vadd.f32 v23, v21  }
0x19e: {  	v18 =	vld.idx.msk [tilespmem:v18+s4+$0x0], $0xffff;
	v22 =	vadd.f32 v27, v22  }
0x19f: {  	v20 =	vadd.f32 v20, v21  }
0x1a0: {  	v21 =	vadd.f32 v25, v22  }
0x1a1: {  	v19 =	vadd.f32 v19, v20  }
0x1a2: {  	v20 =	vadd.f32 v24, v21  }
0x1a3: {  	s18 =	sadd.s32 $0x20, s28;
	v18 =	vadd.f32 v18, v19  }
0x1a4: {  	[tilespmem:s18+$0xFFFFFFF0] =	vst v20  }
0x1a5: {  	s24 =	simm.s32 $0x180;
	[tilespmem:s18+$0x0] =	vst v18  }
0x1a6: {  	[tilespmem:s31], [sflag:$0x3] =	stream.indirect.gather [hbm4b:s1+s14], $0x80, s24, s14, $0xb8;
	[tilespmem:$0x11200] =	vst v63  }
0x1a7: {  	_ = 	snop  }
0x1a8: {  	[tilespmem:s0], [sflag:$0x4] =	stream.indirect.gather [hbm4b:s2+s14], $0x80, s26, s14, $0xb8;
	[tilespmem:$0x11200] =	vst v63  }
0x1a9: {  	_ =	swait.ge [sflag:s12], $0x4000  }
0x1aa: {  	[sflag:s12] =	ssyncset.done $0x0  }
0x1ab: {  	[sflag:s12] =	ssyncadd.s32 $0xFFFFC000  }
0x1ac: {  	_ =	swait.ge [sflag:s13], $0x4000  }
0x1ad: {  	[sflag:s13] =	ssyncset.done $0x0  }
0x1ae: {  	s22 =	simm.s32 $0x480;
	[sflag:s13] =	ssyncadd.s32 $0xFFFFC000  }
0x1af: {  	s21 =	simm.s32 $0x4480;
	v19 =	vld [tilespmem:s22+$0x0]  }
0x1b0: {  	v20 =	vld [tilespmem:s21+$0x0]  }
0x1b1: {  	v21 =	vld [tilespmem:s22+$0x10]  }
0x1b2: {  	v22 =	vld [tilespmem:s21+$0x10]  }
0x1b3: {  	v23 =	vld [tilespmem:s22+$0x20]  }
0x1b4: {  	v24 =	vld [tilespmem:s21+$0x20]  }
0x1b5: {  	v25 =	vld [tilespmem:s22+$0x30]  }
0x1b6: {  	v26 =	vld [tilespmem:s21+$0x30]  }
0x1b7: {  	v27 =	vld [tilespmem:s22+$0x40]  }
0x1b8: {  	v28 =	vld [tilespmem:s21+$0x40]  }
0x1b9: {  	v29 =	vld [tilespmem:s22+$0x50]  }
0x1ba: {  	v61 =	vld [tilespmem:s21+$0x50]  }
0x1bb: {  	v31 =	vld [tilespmem:s22+$0x60]  }
0x1bc: {  	v32 =	vld [tilespmem:s21+$0x60]  }
0x1bd: {  	v33 =	vld [tilespmem:s22+$0x70]  }
0x1be: {  	v34 =	vld [tilespmem:s21+$0x70]  }
0x1bf: {  	v18 =	vld [tilespmem:s21+$0xFFFFFF80]  }
0x1c0: {  	v35 =	vld [tilespmem:s22+$0xFFFFFF90]  }
0x1c1: {  	v36 =	vld [tilespmem:s21+$0xFFFFFF90]  }
0x1c2: {  	v37 =	vld [tilespmem:s22+$0xFFFFFFA0]  }
0x1c3: {  	v38 =	vld [tilespmem:s21+$0xFFFFFFA0];
	v19 =	vmul.f32 v20, v19;
	v20 =	vmul.f32 v22, v21  }
0x1c4: {  	v62 =	vld [tilespmem:s21+$0xFFFFFFC0];
	v21 =	vmul.f32 v24, v23;
	v22 =	vmul.f32 v26, v25  }
0x1c5: {  	v23 =	vld [tilespmem:s22+$0xFFFFFFB0];
	v24 =	vmul.f32 v28, v27;
	v25 =	vmul.f32 v61, v29  }
0x1c6: {  	v26 =	vld [tilespmem:s21+$0xFFFFFFB0];
	v27 =	vmul.f32 v32, v31;
	v28 =	vmul.f32 v34, v33  }
0x1c7: {  	v29 =	vld [tilespmem:s22+$0xFFFFFFC0];
	v19 =	vadd.f32 v20, v19;
	v20 =	vadd.f32 v22, v21  }
0x1c8: {  	v21 =	vadd.f32 v25, v24;
	v22 =	vadd.f32 v28, v27;
	v27 =	vld [tilespmem:s22+$0xFFFFFFD0]  }
0x1c9: {  	v28 =	vld [tilespmem:s21+$0xFFFFFFD0]  }
0x1ca: {  	v19 =	vadd.f32 v20, v19;
	v20 =	vadd.f32 v22, v21;
	v21 =	vld [tilespmem:s22+$0xFFFFFFE0]  }
0x1cb: {  	v22 =	vld [tilespmem:s21+$0xFFFFFFE0]  }
0x1cc: {  	v63 =	vmul.f32 v38, v37;
	v24 =	vld [tilespmem:s21+$0xFFFFFFF0];
	v26 =	vmul.f32 v26, v23;
	v20 =	vadd.f32 v20, v19  }
0x1cd: {  	s18 =	simm.s32 $0x10410;
	v23 =	vld [tilespmem:s22+$0xFFFFFFF0];
	v25 =	vmul.f32 v62, v29  }
0x1ce: {  	s20 =	simm.s32 $0x0;
	s28 =	simm.s32 $0x10D10;
	v19 =	vmul.f32 v36, v35;
	v27 =	vmul.f32 v28, v27;
	[tilespmem:s18+$0x0] =	vst v20;
	v20 =	vadd.f32 v26, v63;
	v26 =	vld [tilespmem:s22+$0xFFFFFF80];
	s22 =	simm.s32 $0x580  }
.LBB2_10:
0x1cf: {  	v28 =	vld [tilespmem:s22+$0x0];
	s21 =	sadd.s32 $0x100, s21  }
0x1d0: {  	v29 =	vld [tilespmem:s21+$0x0];
	v21 =	vmul.f32 v22, v21;
	v22 =	vadd.f32 v27, v25  }
0x1d1: {  	v25 =	vld [tilespmem:s22+$0x10]  }
0x1d2: {  	v27 =	vld [tilespmem:s21+$0x10];
	v23 =	vmul.f32 v24, v23  }
0x1d3: {  	v24 =	vld [tilespmem:s22+$0x20];
	v18 =	vmul.f32 v18, v26  }
0x1d4: {  	v26 =	vld [tilespmem:s21+$0x20];
	v21 =	vadd.f32 v23, v21  }
0x1d5: {  	v23 =	vld [tilespmem:s22+$0x30];
	v18 =	vadd.f32 v19, v18  }
0x1d6: {  	v19 =	vld [tilespmem:s21+$0x30];
	v21 =	vadd.f32 v21, v22  }
0x1d7: {  	v22 =	vld [tilespmem:s22+$0x40];
	v18 =	vadd.f32 v20, v18  }
0x1d8: {  	v20 =	vld [tilespmem:s21+$0x40]  }
0x1d9: {  	v30 =	vld [tilespmem:s22+$0x50];
	v18 =	vadd.f32 v21, v18  }
0x1da: {  	v21 =	vld [tilespmem:s21+$0x50]  }
0x1db: {  	v31 =	vld [tilespmem:s22+$0x60];
	[tilespmem:s18+$0xFFFFFFF0] =	vst v18  }
0x1dc: {  	v32 =	vld [tilespmem:s21+$0x60]  }
0x1dd: {  	v33 =	vld [tilespmem:s22+$0x70]  }
0x1de: {  	s20 =	sadd.s32 $0x2, s20;
	v34 =	vld [tilespmem:s21+$0x70]  }
0x1df: {  	p0 =	slt.u32 s20, $0x7E;
	v18 =	vld [tilespmem:s21+$0xFFFFFF80]  }
0x1e0: {  	v28 =	vmul.f32 v29, v28;
	v25 =	vmul.f32 v27, v25;
	v35 =	vld [tilespmem:s22+$0xFFFFFF90]  }
0x1e1: {  	v24 =	vmul.f32 v26, v24;
	v19 =	vmul.f32 v19, v23;
	v27 =	vld [tilespmem:s21+$0xFFFFFF90]  }
0x1e2: {  	v20 =	vmul.f32 v20, v22;
	v21 =	vmul.f32 v21, v30;
	v23 =	vld [tilespmem:s22+$0xFFFFFFA0]  }
0x1e3: {  	v26 =	vmul.f32 v32, v31;
	v22 =	vld [tilespmem:s21+$0xFFFFFFA0];
	v29 =	vmul.f32 v34, v33  }
0x1e4: {  	v25 =	vadd.f32 v25, v28;
	v24 =	vadd.f32 v19, v24;
	v30 =	vld [tilespmem:s22+$0xFFFFFFB0]  }
0x1e5: {  	v20 =	vadd.f32 v21, v20;
	v28 =	vld [tilespmem:s21+$0xFFFFFFB0];
	v21 =	vadd.f32 v29, v26  }
0x1e6: {  	v19 =	vmul.f32 v27, v35;
	v26 =	vld [tilespmem:s22+$0xFFFFFFC0]  }
0x1e7: {  	v24 =	vadd.f32 v24, v25;
	v27 =	vld [tilespmem:s21+$0xFFFFFFC0];
	v20 =	vadd.f32 v21, v20  }
0x1e8: {  	v29 =	vmul.f32 v22, v23;
	v31 =	vld [tilespmem:s22+$0xFFFFFFD0]  }
0x1e9: {  	v32 =	vld [tilespmem:s21+$0xFFFFFFD0];
	v20 =	vadd.f32 v20, v24  }
.Ltmp4:
0x1ea: {  	s18 =	sadd.s32 $0x20, s18;
	v24 =	vmul.f32 v28, v30;
	v21 =	vld [tilespmem:s22+$0xFFFFFFE0];
	(pc) =	sbr.rel @p0 .LBB2_10-.Ltmp4, $4  }
0x1eb: {  	s24 =	simm.s32 $0x100;
	v22 =	vld [tilespmem:s21+$0xFFFFFFE0];
	[tilespmem:s18+$0x0] =	vst v20  }
0x1ec: {  	v25 =	vmul.f32 v27, v26;
	v23 =	vld [tilespmem:s22+$0xFFFFFFF0];
	v20 =	vadd.f32 v24, v29  }
0x1ed: {  	v24 =	vld [tilespmem:s21+$0xFFFFFFF0]  }
0x1ee: {  	v26 =	vld [tilespmem:s22+$0xFFFFFF80];
	v27 =	vmul.f32 v32, v31;
	s22 =	sadd.s32 $0x100, s22  }
0x1ef: {  	_ =	sdelay $0x2  }
0x1f0: {  	v21 =	vmul.f32 v22, v21  }
0x1f1: {  	v22 =	vmul.f32 v24, v23;
	v18 =	vmul.f32 v18, v26  }
0x1f2: {  	v23 =	vadd.f32 v27, v25  }
0x1f3: {  	v21 =	vadd.f32 v22, v21;
	v18 =	vadd.f32 v19, v18;
	_ =	sdelay $0x1  }
0x1f4: {  	s20 =	simm.s32 $0x0;
	v19 =	vadd.f32 v21, v23;
	v18 =	vadd.f32 v20, v18;
	v20 =	vor.u32 s24, v2  }
0x1f5: {  	v22 =	vor.u32 s20, v2;
	v21 =	vor.u32 s20, v0  }
0x1f6: {  	v21 =	vand.u32 v1, v21;
	v18 =	vadd.f32 v19, v18  }
0x1f7: {  	v23 =	vor.u32 s24, v3  }
0x1f8: {  	v24 =	vor.u32 s20, v4;
	[tilespmem:s18+$0xFFFFFFF0] =	vst v18  }
0x1f9: {  	v25 =	vor.u32 s24, v4;
	v20 =	vld.idx.msk [tilespmem:v20+s4+$0x0], $0xffff  }
0x1fa: {  	v26 =	vor.u32 s20, v5;
	v22 =	vld.idx.msk [tilespmem:v22+s4+$0x0], $0xffff  }
0x1fb: {  	v27 =	vor.u32 s24, v5;
	v21 =	vld.idx.msk [tilespmem:v21+s4+$0x0], $0xffff  }
0x1fc: {  	v28 =	vor.u32 s20, v6;
	v23 =	vld.idx.msk [tilespmem:v23+s4+$0x0], $0xffff  }
0x1fd: {  	v29 =	vor.u32 s24, v6;
	v24 =	vld.idx.msk [tilespmem:v24+s4+$0x0], $0xffff  }
0x1fe: {  	v30 =	vor.u32 s20, v7;
	v25 =	vld.idx.msk [tilespmem:v25+s4+$0x0], $0xffff  }
0x1ff: {  	v31 =	vor.u32 s24, v7;
	v26 =	vld.idx.msk [tilespmem:v26+s4+$0x0], $0xffff  }
0x200: {  	v32 =	vor.u32 s20, v8;
	v27 =	vld.idx.msk [tilespmem:v27+s4+$0x0], $0xffff  }
0x201: {  	v33 =	vor.u32 s24, v8;
	v28 =	vld.idx.msk [tilespmem:v28+s4+$0x0], $0xffff  }
0x202: {  	v34 =	vor.u32 s20, v9;
	v29 =	vld.idx.msk [tilespmem:v29+s4+$0x0], $0xffff  }
0x203: {  	v35 =	vor.u32 s24, v9;
	v30 =	vld.idx.msk [tilespmem:v30+s4+$0x0], $0xffff  }
0x204: {  	v36 =	vor.u32 s20, v10;
	v31 =	vld.idx.msk [tilespmem:v31+s4+$0x0], $0xffff  }
0x205: {  	v37 =	vor.u32 s24, v10;
	v32 =	vld.idx.msk [tilespmem:v32+s4+$0x0], $0xffff  }
0x206: {  	v38 =	vor.u32 s20, v11;
	v33 =	vld.idx.msk [tilespmem:v33+s4+$0x0], $0xffff  }
0x207: {  	v39 =	vor.u32 s24, v11;
	v34 =	vld.idx.msk [tilespmem:v34+s4+$0x0], $0xffff  }
0x208: {  	v40 =	vor.u32 s20, v12;
	v35 =	vld.idx.msk [tilespmem:v35+s4+$0x0], $0xffff  }
0x209: {  	v41 =	vor.u32 s24, v12;
	v36 =	vld.idx.msk [tilespmem:v36+s4+$0x0], $0xffff  }
0x20a: {  	v42 =	vor.u32 s20, v13;
	v19 =	vor.u32 s24, v0;
	v37 =	vld.idx.msk [tilespmem:v37+s4+$0x0], $0xffff  }
0x20b: {  	v19 =	vand.u32 v17, v19;
	v38 =	vld.idx.msk [tilespmem:v38+s4+$0x0], $0xffff  }
0x20c: {  	v18 =	vor.u32 s20, v3;
	v39 =	vld.idx.msk [tilespmem:v39+s4+$0x0], $0xffff  }
0x20d: {  	v43 =	vor.u32 s24, v13;
	v40 =	vld.idx.msk [tilespmem:v40+s4+$0x0], $0xffff  }
0x20e: {  	v45 =	vor.u32 s24, v14;
	v41 =	vld.idx.msk [tilespmem:v41+s4+$0x0], $0xffff  }
0x20f: {  	v46 =	vor.u32 s20, v15;
	v42 =	vld.idx.msk [tilespmem:v42+s4+$0x0], $0xffff  }
0x210: {  	v47 =	vor.u32 s24, v15;
	v19 =	vld.idx.msk [tilespmem:v19+s4+$0x0], $0xffff  }
0x211: {  	v48 =	vor.u32 s20, v16;
	v18 =	vld.idx.msk [tilespmem:v18+s4+$0x0], $0xffff  }
0x212: {  	v49 =	vor.u32 s24, v16;
	s22 =	simm.s32 $0x300;
	v43 =	vld.idx.msk [tilespmem:v43+s4+$0x0], $0xffff  }
0x213: {  	v52 =	vor.u32 s22, v4;
	v62 =	vld.idx.msk [tilespmem:v45+s4+$0x0], $0xffff  }
0x214: {  	v44 =	vor.u32 s20, v14;
	v46 =	vld.idx.msk [tilespmem:v46+s4+$0x0], $0xffff;
	v21 =	vadd.f32 v22, v21  }
0x215: {  	s24 =	simm.s32 $0x200;
	v47 =	vld.idx.msk [tilespmem:v47+s4+$0x0], $0xffff;
	v19 =	vadd.f32 v20, v19;
	v20 =	vor.u32 s22, v2  }
0x216: {  	v63 =	vor.u32 s24, v2;
	v48 =	vld.idx.msk [tilespmem:v48+s4+$0x0], $0xffff;
	v18 =	vadd.f32 v18, v21;
	v21 =	vor.u32 s24, v0  }
0x217: {  	v49 =	vld.idx.msk [tilespmem:v49+s4+$0x0], $0xffff;
	v19 =	vadd.f32 v23, v19;
	v23 =	vor.u32 s22, v0;
	v21 =	vand.u32 v1, v21  }
0x218: {  	v54 =	vld.idx.msk [tilespmem:v52+s4+$0x0], $0xffff;
	v23 =	vand.u32 v17, v23;
	v18 =	vadd.f32 v24, v18  }
0x219: {  	v22 =	vld.idx.msk [tilespmem:v44+s4+$0x0], $0xffff;
	v24 =	vor.u32 s24, v3;
	v19 =	vadd.f32 v25, v19  }
0x21a: {  	v25 =	vor.u32 s22, v3;
	v20 =	vld.idx.msk [tilespmem:v20+s4+$0x0], $0xffff;
	v18 =	vadd.f32 v26, v18  }
0x21b: {  	v26 =	vld.idx.msk [tilespmem:v63+s4+$0x0], $0xffff;
	v19 =	vadd.f32 v27, v19;
	v27 =	vor.u32 s24, v4  }
0x21c: {  	v57 =	vor.u32 s22, v10;
	v21 =	vld.idx.msk [tilespmem:v21+s4+$0x0], $0xffff;
	v18 =	vadd.f32 v28, v18  }
0x21d: {  	v28 =	vor.u32 s24, v5;
	v19 =	vadd.f32 v29, v19;
	v23 =	vld.idx.msk [tilespmem:v23+s4+$0x0], $0xffff  }
0x21e: {  	v29 =	vor.u32 s22, v5;
	v24 =	vld.idx.msk [tilespmem:v24+s4+$0x0], $0xffff;
	v18 =	vadd.f32 v30, v18  }
0x21f: {  	v30 =	vor.u32 s24, v6;
	v25 =	vld.idx.msk [tilespmem:v25+s4+$0x0], $0xffff;
	v19 =	vadd.f32 v31, v19  }
0x220: {  	v31 =	vor.u32 s22, v6;
	v27 =	vld.idx.msk [tilespmem:v27+s4+$0x0], $0xffff;
	v18 =	vadd.f32 v32, v18  }
0x221: {  	v53 =	vor.u32 s24, v7;
	v32 =	vld.idx.msk [tilespmem:v57+s4+$0x0], $0xffff;
	v19 =	vadd.f32 v33, v19;
	v21 =	vadd.f32 v26, v21  }
0x222: {  	v26 =	vor.u32 s22, v7;
	v28 =	vld.idx.msk [tilespmem:v28+s4+$0x0], $0xffff;
	v18 =	vadd.f32 v34, v18;
	v20 =	vadd.f32 v20, v23  }
0x223: {  	v55 =	vor.u32 s24, v8;
	v29 =	vld.idx.msk [tilespmem:v29+s4+$0x0], $0xffff;
	v19 =	vadd.f32 v35, v19;
	v21 =	vadd.f32 v24, v21  }
0x224: {  	v23 =	vor.u32 s22, v8;
	v24 =	vld.idx.msk [tilespmem:v30+s4+$0x0], $0xffff;
	v18 =	vadd.f32 v36, v18;
	v20 =	vadd.f32 v25, v20  }
0x225: {  	v30 =	vor.u32 s24, v9;
	v31 =	vld.idx.msk [tilespmem:v31+s4+$0x0], $0xffff;
	v19 =	vadd.f32 v37, v19;
	v21 =	vadd.f32 v27, v21  }
0x226: {  	v56 =	vor.u32 s22, v9;
	v25 =	vld.idx.msk [tilespmem:v53+s4+$0x0], $0xffff;
	v18 =	vadd.f32 v38, v18;
	v20 =	vadd.f32 v54, v20  }
0x227: {  	v27 =	vor.u32 s24, v10;
	v26 =	vld.idx.msk [tilespmem:v26+s4+$0x0], $0xffff;
	v19 =	vadd.f32 v39, v19;
	v21 =	vadd.f32 v28, v21  }
0x228: {  	v58 =	vor.u32 s24, v11;
	v28 =	vld.idx.msk [tilespmem:v55+s4+$0x0], $0xffff;
	v18 =	vadd.f32 v40, v18;
	v20 =	vadd.f32 v29, v20  }
0x229: {  	v59 =	vor.u32 s22, v11;
	v23 =	vld.idx.msk [tilespmem:v23+s4+$0x0], $0xffff;
	v19 =	vadd.f32 v41, v19;
	v21 =	vadd.f32 v24, v21  }
0x22a: {  	v29 =	vor.u32 s24, v12;
	v24 =	vld.idx.msk [tilespmem:v30+s4+$0x0], $0xffff;
	v18 =	vadd.f32 v42, v18;
	v20 =	vadd.f32 v31, v20  }
0x22b: {  	v60 =	vor.u32 s22, v12;
	v30 =	vld.idx.msk [tilespmem:v56+s4+$0x0], $0xffff;
	v19 =	vadd.f32 v43, v19;
	v21 =	vadd.f32 v25, v21  }
0x22c: {  	v27 =	vld.idx.msk [tilespmem:v27+s4+$0x0], $0xffff;
	v31 =	vor.u32 s24, v13;
	v18 =	vadd.f32 v22, v18;
	v20 =	vadd.f32 v26, v20  }
0x22d: {  	v61 =	vor.u32 s22, v13;
	v33 =	vld.idx.msk [tilespmem:v58+s4+$0x0], $0xffff;
	v19 =	vadd.f32 v62, v19;
	v21 =	vadd.f32 v28, v21  }
0x22e: {  	v22 =	vld.idx.msk [tilespmem:v59+s4+$0x0], $0xffff;
	v62 =	vor.u32 s24, v14;
	v18 =	vadd.f32 v46, v18;
	v23 =	vadd.f32 v23, v20  }
0x22f: {  	v25 =	vld.idx.msk [tilespmem:v29+s4+$0x0], $0xffff;
	v20 =	vor.u32 s22, v14;
	v19 =	vadd.f32 v47, v19;
	v24 =	vadd.f32 v24, v21  }
0x230: {  	v29 =	vor.u32 s24, v15;
	v21 =	vld.idx.msk [tilespmem:v60+s4+$0x0], $0xffff;
	v28 =	vadd.f32 v48, v18;
	v30 =	vadd.f32 v30, v23  }
0x231: {  	v26 =	vld.idx.msk [tilespmem:v31+s4+$0x0], $0xffff;
	v63 =	vadd.f32 v49, v19;
	v27 =	vadd.f32 v27, v24;
	v19 =	vor.u32 s22, v15  }
0x232: {  	v23 =	vld.idx.msk [tilespmem:v61+s4+$0x0], $0xffff;
	[tilespmem:s28+$0xFFFFFFF0] =	vst v28;
	v28 =	vor.u32 s24, v16  }
0x233: {  	s21 =	simm.s32 $0x2;
	s18 =	simm.s32 $0x500;
	v18 =	vor.u32 s22, v16;
	v24 =	vadd.f32 v32, v30;
	[tilespmem:s28+$0x0] =	vst v63;
	v30 =	vadd.f32 v33, v27;
	v27 =	vld.idx.msk [tilespmem:v62+s4+$0x0], $0xffff  }
.LBB2_12:
0x234: {  	s20 =	sadd.s32 $0xFFFFFF00, s18;
	v31 =	vor.u32 s18, v0;
	v32 =	vor.u32 s18, v2;
	v33 =	vor.u32 s18, v3;
	s21 =	sadd.s32 $0x2, s21;
	v34 =	vld.idx.msk [tilespmem:v20+s4+$0x0], $0xffff  }
0x235: {  	v20 =	vor.u32 s20, v0;
	v35 =	vor.u32 s20, v2;
	p0 =	slt.u32 s21, $0x6;
	v25 =	vadd.f32 v25, v30;
	v29 =	vld.idx.msk [tilespmem:v29+s4+$0x0], $0xffff  }
0x236: {  	v30 =	vand.u32 v17, v31;
	v31 =	vor.u32 s18, v4;
	v20 =	vand.u32 v1, v20;
	v36 =	vld.idx.msk [tilespmem:v19+s4+$0x0], $0xffff  }
0x237: {  	v37 =	vor.u32 s18, v5;
	v38 =	vor.u32 s18, v6;
	v19 =	vadd.f32 v26, v25;
	v25 =	vld.idx.msk [tilespmem:v28+s4+$0x0], $0xffff  }
0x238: {  	v39 =	vor.u32 s18, v8;
	v26 =	vor.u32 s20, v3;
	v28 =	vor.u32 s18, v7;
	v40 =	vld.idx.msk [tilespmem:v18+s4+$0x0], $0xffff  }
0x239: {  	v41 =	vor.u32 s18, v9;
	v42 =	vor.u32 s18, v10;
	v32 =	vld.idx.msk [tilespmem:v32+s4+$0x0], $0xffff;
	v18 =	vadd.f32 v27, v19  }
0x23a: {  	v43 =	vor.u32 s18, v11;
	v44 =	vor.u32 s18, v12;
	v27 =	vld.idx.msk [tilespmem:v35+s4+$0x0], $0xffff;
	v35 =	vor.u32 s20, v4  }
0x23b: {  	v46 =	vor.u32 s18, v13;
	v22 =	vadd.f32 v22, v24;
	v45 =	vld.idx.msk [tilespmem:v20+s4+$0x0], $0xffff;
	v29 =	vadd.f32 v29, v18  }
0x23c: {  	v24 =	vor.u32 s20, v5;
	v19 =	vor.u32 s18, v15;
	v20 =	vor.u32 s18, v14;
	v30 =	vld.idx.msk [tilespmem:v30+s4+$0x0], $0xffff  }
0x23d: {  	v21 =	vadd.f32 v21, v22;
	v18 =	vor.u32 s18, v16;
	v26 =	vld.idx.msk [tilespmem:v26+s4+$0x0], $0xffff;
	v25 =	vadd.f32 v25, v29  }
0x23e: {  	s28 =	sadd.s32 $0x20, s28;
	v22 =	vor.u32 s20, v6;
	v29 =	vld.idx.msk [tilespmem:v33+s4+$0x0], $0xffff  }
0x23f: {  	v21 =	vadd.f32 v23, v21;
	v33 =	vld.idx.msk [tilespmem:v35+s4+$0x0], $0xffff;
	[tilespmem:s28+$0xFFFFFFF0] =	vst v25  }
0x240: {  	v23 =	vor.u32 s20, v7;
	v25 =	vld.idx.msk [tilespmem:v31+s4+$0x0], $0xffff  }
0x241: {  	v21 =	vadd.f32 v34, v21;
	v27 =	vadd.f32 v27, v45;
	v24 =	vld.idx.msk [tilespmem:v24+s4+$0x0], $0xffff  }
0x242: {  	v31 =	vor.u32 s20, v8;
	v30 =	vadd.f32 v32, v30;
	v32 =	vld.idx.msk [tilespmem:v37+s4+$0x0], $0xffff  }
0x243: {  	v21 =	vadd.f32 v36, v21;
	v26 =	vadd.f32 v26, v27;
	v22 =	vld.idx.msk [tilespmem:v22+s4+$0x0], $0xffff  }
0x244: {  	v27 =	vor.u32 s20, v9;
	v29 =	vadd.f32 v29, v30;
	v30 =	vld.idx.msk [tilespmem:v38+s4+$0x0], $0xffff  }
0x245: {  	v21 =	vadd.f32 v40, v21;
	v26 =	vadd.f32 v33, v26;
	v23 =	vld.idx.msk [tilespmem:v23+s4+$0x0], $0xffff  }
0x246: {  	v33 =	vor.u32 s20, v10;
	v25 =	vadd.f32 v25, v29;
	v28 =	vld.idx.msk [tilespmem:v28+s4+$0x0], $0xffff  }
0x247: {  	v24 =	vadd.f32 v24, v26;
	v26 =	vld.idx.msk [tilespmem:v31+s4+$0x0], $0xffff;
	[tilespmem:s28+$0x0] =	vst v21  }
0x248: {  	v21 =	vor.u32 s20, v11;
	v25 =	vadd.f32 v32, v25;
	v29 =	vld.idx.msk [tilespmem:v39+s4+$0x0], $0xffff  }
0x249: {  	v22 =	vadd.f32 v22, v24;
	v24 =	vld.idx.msk [tilespmem:v27+s4+$0x0], $0xffff  }
0x24a: {  	v27 =	vor.u32 s20, v12;
	v25 =	vadd.f32 v30, v25;
	v30 =	vld.idx.msk [tilespmem:v41+s4+$0x0], $0xffff  }
0x24b: {  	v22 =	vadd.f32 v23, v22;
	v23 =	vld.idx.msk [tilespmem:v33+s4+$0x0], $0xffff  }
0x24c: {  	v31 =	vor.u32 s20, v13;
	v25 =	vadd.f32 v28, v25;
	v32 =	vld.idx.msk [tilespmem:v42+s4+$0x0], $0xffff  }
0x24d: {  	v26 =	vadd.f32 v26, v22;
	v33 =	vld.idx.msk [tilespmem:v21+s4+$0x0], $0xffff  }
0x24e: {  	v34 =	vor.u32 s20, v14;
	v21 =	vadd.f32 v29, v25;
	v22 =	vld.idx.msk [tilespmem:v43+s4+$0x0], $0xffff  }
.Ltmp5:
0x24f: {  	v24 =	vadd.f32 v24, v26;
	v25 =	vld.idx.msk [tilespmem:v27+s4+$0x0], $0xffff;
	(pc) =	sbr.rel @p0 .LBB2_12-.Ltmp5, $4  }
0x250: {  	v29 =	vor.u32 s20, v15;
	v27 =	vadd.f32 v30, v21;
	v21 =	vld.idx.msk [tilespmem:v44+s4+$0x0], $0xffff  }
0x251: {  	v30 =	vadd.f32 v23, v24;
	v26 =	vld.idx.msk [tilespmem:v31+s4+$0x0], $0xffff  }
0x252: {  	v28 =	vor.u32 s20, v16;
	v24 =	vadd.f32 v32, v27;
	v23 =	vld.idx.msk [tilespmem:v46+s4+$0x0], $0xffff  }
0x253: {  	s18 =	sadd.s32 $0x200, s18;
	v30 =	vadd.f32 v33, v30;
	v27 =	vld.idx.msk [tilespmem:v34+s4+$0x0], $0xffff  }
0x254: {  	_ =	sdelay $0x2  }
0x255: {  	v22 =	vadd.f32 v22, v24  }
0x256: {  	v20 =	vld.idx.msk [tilespmem:v20+s4+$0x0], $0xffff;
	v24 =	vadd.f32 v25, v30  }
0x257: {  	v25 =	vld.idx.msk [tilespmem:v29+s4+$0x0], $0xffff;
	v21 =	vadd.f32 v21, v22  }
0x258: {  	v19 =	vld.idx.msk [tilespmem:v19+s4+$0x0], $0xffff;
	v22 =	vadd.f32 v26, v24  }
0x259: {  	v24 =	vld.idx.msk [tilespmem:v28+s4+$0x0], $0xffff;
	v21 =	vadd.f32 v23, v21  }
0x25a: {  	v18 =	vld.idx.msk [tilespmem:v18+s4+$0x0], $0xffff;
	v22 =	vadd.f32 v27, v22  }
0x25b: {  	v20 =	vadd.f32 v20, v21  }
0x25c: {  	v21 =	vadd.f32 v25, v22  }
0x25d: {  	v19 =	vadd.f32 v19, v20  }
0x25e: {  	v20 =	vadd.f32 v24, v21  }
0x25f: {  	s18 =	sadd.s32 $0x20, s28;
	v18 =	vadd.f32 v18, v19  }
0x260: {  	[tilespmem:s18+$0xFFFFFFF0] =	vst v20  }
0x261: {  	[tilespmem:s18+$0x0] =	vst v18  }
0x262: {  	_ =	swait.ge [sflag:s15], $0x4000  }
0x263: {  	[sflag:s15] =	ssyncset.done $0x0  }
0x264: {  	[sflag:s15] =	ssyncadd.s32 $0xFFFFC000  }
0x265: {  	_ =	swait.ge [sflag:s16], $0x4000  }
0x266: {  	[sflag:s16] =	ssyncset.done $0x0  }
0x267: {  	s22 =	simm.s32 $0x8480;
	[sflag:s16] =	ssyncadd.s32 $0xFFFFC000  }
0x268: {  	s21 =	simm.s32 $0xC480;
	v19 =	vld [tilespmem:s22+$0x0]  }
0x269: {  	v20 =	vld [tilespmem:s21+$0x0]  }
0x26a: {  	v21 =	vld [tilespmem:s22+$0x10]  }
0x26b: {  	v22 =	vld [tilespmem:s21+$0x10]  }
0x26c: {  	v23 =	vld [tilespmem:s22+$0x20]  }
0x26d: {  	v24 =	vld [tilespmem:s21+$0x20]  }
0x26e: {  	v25 =	vld [tilespmem:s22+$0x30]  }
0x26f: {  	v26 =	vld [tilespmem:s21+$0x30]  }
0x270: {  	v27 =	vld [tilespmem:s22+$0x40]  }
0x271: {  	v28 =	vld [tilespmem:s21+$0x40]  }
0x272: {  	v29 =	vld [tilespmem:s22+$0x50]  }
0x273: {  	v61 =	vld [tilespmem:s21+$0x50]  }
0x274: {  	v31 =	vld [tilespmem:s22+$0x60]  }
0x275: {  	v32 =	vld [tilespmem:s21+$0x60]  }
0x276: {  	v33 =	vld [tilespmem:s22+$0x70]  }
0x277: {  	v34 =	vld [tilespmem:s21+$0x70]  }
0x278: {  	v18 =	vld [tilespmem:s21+$0xFFFFFF80]  }
0x279: {  	v35 =	vld [tilespmem:s22+$0xFFFFFF90]  }
0x27a: {  	v36 =	vld [tilespmem:s21+$0xFFFFFF90]  }
0x27b: {  	v37 =	vld [tilespmem:s22+$0xFFFFFFA0]  }
0x27c: {  	v38 =	vld [tilespmem:s21+$0xFFFFFFA0];
	v19 =	vmul.f32 v20, v19;
	v20 =	vmul.f32 v22, v21  }
0x27d: {  	v62 =	vld [tilespmem:s21+$0xFFFFFFC0];
	v21 =	vmul.f32 v24, v23;
	v22 =	vmul.f32 v26, v25  }
0x27e: {  	v23 =	vld [tilespmem:s22+$0xFFFFFFB0];
	v24 =	vmul.f32 v28, v27;
	v25 =	vmul.f32 v61, v29  }
0x27f: {  	v26 =	vld [tilespmem:s21+$0xFFFFFFB0];
	v27 =	vmul.f32 v32, v31;
	v28 =	vmul.f32 v34, v33  }
0x280: {  	v29 =	vld [tilespmem:s22+$0xFFFFFFC0];
	v19 =	vadd.f32 v20, v19;
	v20 =	vadd.f32 v22, v21  }
0x281: {  	v21 =	vadd.f32 v25, v24;
	v22 =	vadd.f32 v28, v27;
	v27 =	vld [tilespmem:s22+$0xFFFFFFD0]  }
0x282: {  	v28 =	vld [tilespmem:s21+$0xFFFFFFD0]  }
0x283: {  	v19 =	vadd.f32 v20, v19;
	v20 =	vadd.f32 v22, v21;
	v21 =	vld [tilespmem:s22+$0xFFFFFFE0]  }
0x284: {  	v22 =	vld [tilespmem:s21+$0xFFFFFFE0]  }
0x285: {  	v63 =	vmul.f32 v38, v37;
	v24 =	vld [tilespmem:s21+$0xFFFFFFF0];
	v26 =	vmul.f32 v26, v23;
	v20 =	vadd.f32 v20, v19  }
0x286: {  	s18 =	simm.s32 $0x10410;
	v23 =	vld [tilespmem:s22+$0xFFFFFFF0];
	v25 =	vmul.f32 v62, v29  }
0x287: {  	s20 =	simm.s32 $0x0;
	s28 =	simm.s32 $0x10D90;
	v19 =	vmul.f32 v36, v35;
	v27 =	vmul.f32 v28, v27;
	[tilespmem:s18+$0x0] =	vst v20;
	v20 =	vadd.f32 v26, v63;
	v26 =	vld [tilespmem:s22+$0xFFFFFF80];
	s22 =	simm.s32 $0x8580  }
.LBB2_14:
0x288: {  	v28 =	vld [tilespmem:s22+$0x0];
	s21 =	sadd.s32 $0x100, s21  }
0x289: {  	v29 =	vld [tilespmem:s21+$0x0];
	v21 =	vmul.f32 v22, v21;
	v22 =	vadd.f32 v27, v25  }
0x28a: {  	v25 =	vld [tilespmem:s22+$0x10]  }
0x28b: {  	v27 =	vld [tilespmem:s21+$0x10];
	v23 =	vmul.f32 v24, v23  }
0x28c: {  	v24 =	vld [tilespmem:s22+$0x20];
	v18 =	vmul.f32 v18, v26  }
0x28d: {  	v26 =	vld [tilespmem:s21+$0x20];
	v21 =	vadd.f32 v23, v21  }
0x28e: {  	v23 =	vld [tilespmem:s22+$0x30];
	v18 =	vadd.f32 v19, v18  }
0x28f: {  	v19 =	vld [tilespmem:s21+$0x30];
	v21 =	vadd.f32 v21, v22  }
0x290: {  	v22 =	vld [tilespmem:s22+$0x40];
	v18 =	vadd.f32 v20, v18  }
0x291: {  	v20 =	vld [tilespmem:s21+$0x40]  }
0x292: {  	v30 =	vld [tilespmem:s22+$0x50];
	v18 =	vadd.f32 v21, v18  }
0x293: {  	v21 =	vld [tilespmem:s21+$0x50]  }
0x294: {  	v31 =	vld [tilespmem:s22+$0x60];
	[tilespmem:s18+$0xFFFFFFF0] =	vst v18  }
0x295: {  	v32 =	vld [tilespmem:s21+$0x60]  }
0x296: {  	v33 =	vld [tilespmem:s22+$0x70]  }
0x297: {  	s20 =	sadd.s32 $0x2, s20;
	v34 =	vld [tilespmem:s21+$0x70]  }
0x298: {  	p0 =	slt.u32 s20, $0x7E;
	v18 =	vld [tilespmem:s21+$0xFFFFFF80]  }
0x299: {  	v28 =	vmul.f32 v29, v28;
	v25 =	vmul.f32 v27, v25;
	v35 =	vld [tilespmem:s22+$0xFFFFFF90]  }
0x29a: {  	v24 =	vmul.f32 v26, v24;
	v19 =	vmul.f32 v19, v23;
	v27 =	vld [tilespmem:s21+$0xFFFFFF90]  }
0x29b: {  	v20 =	vmul.f32 v20, v22;
	v21 =	vmul.f32 v21, v30;
	v23 =	vld [tilespmem:s22+$0xFFFFFFA0]  }
0x29c: {  	v26 =	vmul.f32 v32, v31;
	v22 =	vld [tilespmem:s21+$0xFFFFFFA0];
	v29 =	vmul.f32 v34, v33  }
0x29d: {  	v25 =	vadd.f32 v25, v28;
	v24 =	vadd.f32 v19, v24;
	v30 =	vld [tilespmem:s22+$0xFFFFFFB0]  }
0x29e: {  	v20 =	vadd.f32 v21, v20;
	v28 =	vld [tilespmem:s21+$0xFFFFFFB0];
	v21 =	vadd.f32 v29, v26  }
0x29f: {  	v19 =	vmul.f32 v27, v35;
	v26 =	vld [tilespmem:s22+$0xFFFFFFC0]  }
0x2a0: {  	v24 =	vadd.f32 v24, v25;
	v27 =	vld [tilespmem:s21+$0xFFFFFFC0];
	v20 =	vadd.f32 v21, v20  }
0x2a1: {  	v29 =	vmul.f32 v22, v23;
	v31 =	vld [tilespmem:s22+$0xFFFFFFD0]  }
0x2a2: {  	v32 =	vld [tilespmem:s21+$0xFFFFFFD0];
	v20 =	vadd.f32 v20, v24  }
.Ltmp6:
0x2a3: {  	s18 =	sadd.s32 $0x20, s18;
	v24 =	vmul.f32 v28, v30;
	v21 =	vld [tilespmem:s22+$0xFFFFFFE0];
	(pc) =	sbr.rel @p0 .LBB2_14-.Ltmp6, $4  }
0x2a4: {  	s24 =	simm.s32 $0x100;
	v22 =	vld [tilespmem:s21+$0xFFFFFFE0];
	[tilespmem:s18+$0x0] =	vst v20  }
0x2a5: {  	v25 =	vmul.f32 v27, v26;
	v23 =	vld [tilespmem:s22+$0xFFFFFFF0];
	v20 =	vadd.f32 v24, v29  }
0x2a6: {  	v24 =	vld [tilespmem:s21+$0xFFFFFFF0]  }
0x2a7: {  	v26 =	vld [tilespmem:s22+$0xFFFFFF80];
	v27 =	vmul.f32 v32, v31;
	s22 =	sadd.s32 $0x100, s22  }
0x2a8: {  	_ =	sdelay $0x2  }
0x2a9: {  	v21 =	vmul.f32 v22, v21  }
0x2aa: {  	v22 =	vmul.f32 v24, v23;
	v18 =	vmul.f32 v18, v26  }
0x2ab: {  	v23 =	vadd.f32 v27, v25  }
0x2ac: {  	v21 =	vadd.f32 v22, v21;
	v18 =	vadd.f32 v19, v18;
	_ =	sdelay $0x1  }
0x2ad: {  	s20 =	simm.s32 $0x0;
	v19 =	vadd.f32 v21, v23;
	v18 =	vadd.f32 v20, v18;
	v20 =	vor.u32 s24, v2  }
0x2ae: {  	v22 =	vor.u32 s20, v2;
	v21 =	vor.u32 s20, v0  }
0x2af: {  	v21 =	vand.u32 v1, v21;
	v18 =	vadd.f32 v19, v18  }
0x2b0: {  	v23 =	vor.u32 s24, v3  }
0x2b1: {  	v24 =	vor.u32 s20, v4;
	[tilespmem:s18+$0xFFFFFFF0] =	vst v18  }
0x2b2: {  	v25 =	vor.u32 s24, v4;
	v20 =	vld.idx.msk [tilespmem:v20+s4+$0x0], $0xffff  }
0x2b3: {  	v26 =	vor.u32 s20, v5;
	v22 =	vld.idx.msk [tilespmem:v22+s4+$0x0], $0xffff  }
0x2b4: {  	v27 =	vor.u32 s24, v5;
	v21 =	vld.idx.msk [tilespmem:v21+s4+$0x0], $0xffff  }
0x2b5: {  	v28 =	vor.u32 s20, v6;
	v23 =	vld.idx.msk [tilespmem:v23+s4+$0x0], $0xffff  }
0x2b6: {  	v29 =	vor.u32 s24, v6;
	v24 =	vld.idx.msk [tilespmem:v24+s4+$0x0], $0xffff  }
0x2b7: {  	v30 =	vor.u32 s20, v7;
	v25 =	vld.idx.msk [tilespmem:v25+s4+$0x0], $0xffff  }
0x2b8: {  	v31 =	vor.u32 s24, v7;
	v26 =	vld.idx.msk [tilespmem:v26+s4+$0x0], $0xffff  }
0x2b9: {  	v32 =	vor.u32 s20, v8;
	v27 =	vld.idx.msk [tilespmem:v27+s4+$0x0], $0xffff  }
0x2ba: {  	v33 =	vor.u32 s24, v8;
	v28 =	vld.idx.msk [tilespmem:v28+s4+$0x0], $0xffff  }
0x2bb: {  	v34 =	vor.u32 s20, v9;
	v29 =	vld.idx.msk [tilespmem:v29+s4+$0x0], $0xffff  }
0x2bc: {  	v35 =	vor.u32 s24, v9;
	v30 =	vld.idx.msk [tilespmem:v30+s4+$0x0], $0xffff  }
0x2bd: {  	v36 =	vor.u32 s20, v10;
	v31 =	vld.idx.msk [tilespmem:v31+s4+$0x0], $0xffff  }
0x2be: {  	v37 =	vor.u32 s24, v10;
	v32 =	vld.idx.msk [tilespmem:v32+s4+$0x0], $0xffff  }
0x2bf: {  	v38 =	vor.u32 s20, v11;
	v33 =	vld.idx.msk [tilespmem:v33+s4+$0x0], $0xffff  }
0x2c0: {  	v39 =	vor.u32 s24, v11;
	v34 =	vld.idx.msk [tilespmem:v34+s4+$0x0], $0xffff  }
0x2c1: {  	v40 =	vor.u32 s20, v12;
	v35 =	vld.idx.msk [tilespmem:v35+s4+$0x0], $0xffff  }
0x2c2: {  	v41 =	vor.u32 s24, v12;
	v36 =	vld.idx.msk [tilespmem:v36+s4+$0x0], $0xffff  }
0x2c3: {  	v42 =	vor.u32 s20, v13;
	v19 =	vor.u32 s24, v0;
	v37 =	vld.idx.msk [tilespmem:v37+s4+$0x0], $0xffff  }
0x2c4: {  	v19 =	vand.u32 v17, v19;
	v38 =	vld.idx.msk [tilespmem:v38+s4+$0x0], $0xffff  }
0x2c5: {  	v18 =	vor.u32 s20, v3;
	v39 =	vld.idx.msk [tilespmem:v39+s4+$0x0], $0xffff  }
0x2c6: {  	v43 =	vor.u32 s24, v13;
	v40 =	vld.idx.msk [tilespmem:v40+s4+$0x0], $0xffff  }
0x2c7: {  	v45 =	vor.u32 s24, v14;
	v41 =	vld.idx.msk [tilespmem:v41+s4+$0x0], $0xffff  }
0x2c8: {  	v46 =	vor.u32 s20, v15;
	v42 =	vld.idx.msk [tilespmem:v42+s4+$0x0], $0xffff  }
0x2c9: {  	v47 =	vor.u32 s24, v15;
	v19 =	vld.idx.msk [tilespmem:v19+s4+$0x0], $0xffff  }
0x2ca: {  	v48 =	vor.u32 s20, v16;
	v18 =	vld.idx.msk [tilespmem:v18+s4+$0x0], $0xffff  }
0x2cb: {  	v49 =	vor.u32 s24, v16;
	s22 =	simm.s32 $0x300;
	v43 =	vld.idx.msk [tilespmem:v43+s4+$0x0], $0xffff  }
0x2cc: {  	v52 =	vor.u32 s22, v4;
	v62 =	vld.idx.msk [tilespmem:v45+s4+$0x0], $0xffff  }
0x2cd: {  	v44 =	vor.u32 s20, v14;
	v46 =	vld.idx.msk [tilespmem:v46+s4+$0x0], $0xffff;
	v21 =	vadd.f32 v22, v21  }
0x2ce: {  	s24 =	simm.s32 $0x200;
	v47 =	vld.idx.msk [tilespmem:v47+s4+$0x0], $0xffff;
	v19 =	vadd.f32 v20, v19;
	v20 =	vor.u32 s22, v2  }
0x2cf: {  	v63 =	vor.u32 s24, v2;
	v48 =	vld.idx.msk [tilespmem:v48+s4+$0x0], $0xffff;
	v18 =	vadd.f32 v18, v21;
	v21 =	vor.u32 s24, v0  }
0x2d0: {  	v49 =	vld.idx.msk [tilespmem:v49+s4+$0x0], $0xffff;
	v19 =	vadd.f32 v23, v19;
	v23 =	vor.u32 s22, v0;
	v21 =	vand.u32 v1, v21  }
0x2d1: {  	v54 =	vld.idx.msk [tilespmem:v52+s4+$0x0], $0xffff;
	v23 =	vand.u32 v17, v23;
	v18 =	vadd.f32 v24, v18  }
0x2d2: {  	v22 =	vld.idx.msk [tilespmem:v44+s4+$0x0], $0xffff;
	v24 =	vor.u32 s24, v3;
	v19 =	vadd.f32 v25, v19  }
0x2d3: {  	v25 =	vor.u32 s22, v3;
	v20 =	vld.idx.msk [tilespmem:v20+s4+$0x0], $0xffff;
	v18 =	vadd.f32 v26, v18  }
0x2d4: {  	v26 =	vld.idx.msk [tilespmem:v63+s4+$0x0], $0xffff;
	v19 =	vadd.f32 v27, v19;
	v27 =	vor.u32 s24, v4  }
0x2d5: {  	v57 =	vor.u32 s22, v10;
	v21 =	vld.idx.msk [tilespmem:v21+s4+$0x0], $0xffff;
	v18 =	vadd.f32 v28, v18  }
0x2d6: {  	v28 =	vor.u32 s24, v5;
	v19 =	vadd.f32 v29, v19;
	v23 =	vld.idx.msk [tilespmem:v23+s4+$0x0], $0xffff  }
0x2d7: {  	v29 =	vor.u32 s22, v5;
	v24 =	vld.idx.msk [tilespmem:v24+s4+$0x0], $0xffff;
	v18 =	vadd.f32 v30, v18  }
0x2d8: {  	v30 =	vor.u32 s24, v6;
	v25 =	vld.idx.msk [tilespmem:v25+s4+$0x0], $0xffff;
	v19 =	vadd.f32 v31, v19  }
0x2d9: {  	v31 =	vor.u32 s22, v6;
	v27 =	vld.idx.msk [tilespmem:v27+s4+$0x0], $0xffff;
	v18 =	vadd.f32 v32, v18  }
0x2da: {  	v53 =	vor.u32 s24, v7;
	v32 =	vld.idx.msk [tilespmem:v57+s4+$0x0], $0xffff;
	v19 =	vadd.f32 v33, v19;
	v21 =	vadd.f32 v26, v21  }
0x2db: {  	v26 =	vor.u32 s22, v7;
	v28 =	vld.idx.msk [tilespmem:v28+s4+$0x0], $0xffff;
	v18 =	vadd.f32 v34, v18;
	v20 =	vadd.f32 v20, v23  }
0x2dc: {  	v55 =	vor.u32 s24, v8;
	v29 =	vld.idx.msk [tilespmem:v29+s4+$0x0], $0xffff;
	v19 =	vadd.f32 v35, v19;
	v21 =	vadd.f32 v24, v21  }
0x2dd: {  	v23 =	vor.u32 s22, v8;
	v24 =	vld.idx.msk [tilespmem:v30+s4+$0x0], $0xffff;
	v18 =	vadd.f32 v36, v18;
	v20 =	vadd.f32 v25, v20  }
0x2de: {  	v30 =	vor.u32 s24, v9;
	v31 =	vld.idx.msk [tilespmem:v31+s4+$0x0], $0xffff;
	v19 =	vadd.f32 v37, v19;
	v21 =	vadd.f32 v27, v21  }
0x2df: {  	v56 =	vor.u32 s22, v9;
	v25 =	vld.idx.msk [tilespmem:v53+s4+$0x0], $0xffff;
	v18 =	vadd.f32 v38, v18;
	v20 =	vadd.f32 v54, v20  }
0x2e0: {  	v27 =	vor.u32 s24, v10;
	v26 =	vld.idx.msk [tilespmem:v26+s4+$0x0], $0xffff;
	v19 =	vadd.f32 v39, v19;
	v21 =	vadd.f32 v28, v21  }
0x2e1: {  	v58 =	vor.u32 s24, v11;
	v28 =	vld.idx.msk [tilespmem:v55+s4+$0x0], $0xffff;
	v18 =	vadd.f32 v40, v18;
	v20 =	vadd.f32 v29, v20  }
0x2e2: {  	v59 =	vor.u32 s22, v11;
	v23 =	vld.idx.msk [tilespmem:v23+s4+$0x0], $0xffff;
	v19 =	vadd.f32 v41, v19;
	v21 =	vadd.f32 v24, v21  }
0x2e3: {  	v29 =	vor.u32 s24, v12;
	v24 =	vld.idx.msk [tilespmem:v30+s4+$0x0], $0xffff;
	v18 =	vadd.f32 v42, v18;
	v20 =	vadd.f32 v31, v20  }
0x2e4: {  	v60 =	vor.u32 s22, v12;
	v30 =	vld.idx.msk [tilespmem:v56+s4+$0x0], $0xffff;
	v19 =	vadd.f32 v43, v19;
	v21 =	vadd.f32 v25, v21  }
0x2e5: {  	v27 =	vld.idx.msk [tilespmem:v27+s4+$0x0], $0xffff;
	v31 =	vor.u32 s24, v13;
	v18 =	vadd.f32 v22, v18;
	v20 =	vadd.f32 v26, v20  }
0x2e6: {  	v61 =	vor.u32 s22, v13;
	v33 =	vld.idx.msk [tilespmem:v58+s4+$0x0], $0xffff;
	v19 =	vadd.f32 v62, v19;
	v21 =	vadd.f32 v28, v21  }
0x2e7: {  	v22 =	vld.idx.msk [tilespmem:v59+s4+$0x0], $0xffff;
	v62 =	vor.u32 s24, v14;
	v18 =	vadd.f32 v46, v18;
	v23 =	vadd.f32 v23, v20  }
0x2e8: {  	v25 =	vld.idx.msk [tilespmem:v29+s4+$0x0], $0xffff;
	v20 =	vor.u32 s22, v14;
	v19 =	vadd.f32 v47, v19;
	v24 =	vadd.f32 v24, v21  }
0x2e9: {  	v29 =	vor.u32 s24, v15;
	v21 =	vld.idx.msk [tilespmem:v60+s4+$0x0], $0xffff;
	v28 =	vadd.f32 v48, v18;
	v30 =	vadd.f32 v30, v23  }
0x2ea: {  	v26 =	vld.idx.msk [tilespmem:v31+s4+$0x0], $0xffff;
	v63 =	vadd.f32 v49, v19;
	v27 =	vadd.f32 v27, v24;
	v19 =	vor.u32 s22, v15  }
0x2eb: {  	v23 =	vld.idx.msk [tilespmem:v61+s4+$0x0], $0xffff;
	[tilespmem:s28+$0xFFFFFFF0] =	vst v28;
	v28 =	vor.u32 s24, v16  }
0x2ec: {  	s21 =	simm.s32 $0x2;
	s18 =	simm.s32 $0x500;
	v18 =	vor.u32 s22, v16;
	v24 =	vadd.f32 v32, v30;
	[tilespmem:s28+$0x0] =	vst v63;
	v30 =	vadd.f32 v33, v27;
	v27 =	vld.idx.msk [tilespmem:v62+s4+$0x0], $0xffff  }
.LBB2_16:
0x2ed: {  	s20 =	sadd.s32 $0xFFFFFF00, s18;
	v31 =	vor.u32 s18, v0;
	v32 =	vor.u32 s18, v2;
	v33 =	vor.u32 s18, v3;
	s21 =	sadd.s32 $0x2, s21;
	v34 =	vld.idx.msk [tilespmem:v20+s4+$0x0], $0xffff  }
0x2ee: {  	v20 =	vor.u32 s20, v0;
	v35 =	vor.u32 s20, v2;
	p0 =	slt.u32 s21, $0x6;
	v25 =	vadd.f32 v25, v30;
	v29 =	vld.idx.msk [tilespmem:v29+s4+$0x0], $0xffff  }
0x2ef: {  	v30 =	vand.u32 v17, v31;
	v31 =	vor.u32 s18, v4;
	v20 =	vand.u32 v1, v20;
	v36 =	vld.idx.msk [tilespmem:v19+s4+$0x0], $0xffff  }
0x2f0: {  	v37 =	vor.u32 s18, v5;
	v38 =	vor.u32 s18, v6;
	v19 =	vadd.f32 v26, v25;
	v25 =	vld.idx.msk [tilespmem:v28+s4+$0x0], $0xffff  }
0x2f1: {  	v39 =	vor.u32 s18, v8;
	v26 =	vor.u32 s20, v3;
	v28 =	vor.u32 s18, v7;
	v40 =	vld.idx.msk [tilespmem:v18+s4+$0x0], $0xffff  }
0x2f2: {  	v41 =	vor.u32 s18, v9;
	v42 =	vor.u32 s18, v10;
	v32 =	vld.idx.msk [tilespmem:v32+s4+$0x0], $0xffff;
	v18 =	vadd.f32 v27, v19  }
0x2f3: {  	v43 =	vor.u32 s18, v11;
	v44 =	vor.u32 s18, v12;
	v27 =	vld.idx.msk [tilespmem:v35+s4+$0x0], $0xffff;
	v35 =	vor.u32 s20, v4  }
0x2f4: {  	v46 =	vor.u32 s18, v13;
	v22 =	vadd.f32 v22, v24;
	v45 =	vld.idx.msk [tilespmem:v20+s4+$0x0], $0xffff;
	v29 =	vadd.f32 v29, v18  }
0x2f5: {  	v24 =	vor.u32 s20, v5;
	v19 =	vor.u32 s18, v15;
	v20 =	vor.u32 s18, v14;
	v30 =	vld.idx.msk [tilespmem:v30+s4+$0x0], $0xffff  }
0x2f6: {  	v21 =	vadd.f32 v21, v22;
	v18 =	vor.u32 s18, v16;
	v26 =	vld.idx.msk [tilespmem:v26+s4+$0x0], $0xffff;
	v25 =	vadd.f32 v25, v29  }
0x2f7: {  	s28 =	sadd.s32 $0x20, s28;
	v22 =	vor.u32 s20, v6;
	v29 =	vld.idx.msk [tilespmem:v33+s4+$0x0], $0xffff  }
0x2f8: {  	v21 =	vadd.f32 v23, v21;
	v33 =	vld.idx.msk [tilespmem:v35+s4+$0x0], $0xffff;
	[tilespmem:s28+$0xFFFFFFF0] =	vst v25  }
0x2f9: {  	v23 =	vor.u32 s20, v7;
	v25 =	vld.idx.msk [tilespmem:v31+s4+$0x0], $0xffff  }
0x2fa: {  	v21 =	vadd.f32 v34, v21;
	v27 =	vadd.f32 v27, v45;
	v24 =	vld.idx.msk [tilespmem:v24+s4+$0x0], $0xffff  }
0x2fb: {  	v31 =	vor.u32 s20, v8;
	v30 =	vadd.f32 v32, v30;
	v32 =	vld.idx.msk [tilespmem:v37+s4+$0x0], $0xffff  }
0x2fc: {  	v21 =	vadd.f32 v36, v21;
	v26 =	vadd.f32 v26, v27;
	v22 =	vld.idx.msk [tilespmem:v22+s4+$0x0], $0xffff  }
0x2fd: {  	v27 =	vor.u32 s20, v9;
	v29 =	vadd.f32 v29, v30;
	v30 =	vld.idx.msk [tilespmem:v38+s4+$0x0], $0xffff  }
0x2fe: {  	v21 =	vadd.f32 v40, v21;
	v26 =	vadd.f32 v33, v26;
	v23 =	vld.idx.msk [tilespmem:v23+s4+$0x0], $0xffff  }
0x2ff: {  	v33 =	vor.u32 s20, v10;
	v25 =	vadd.f32 v25, v29;
	v28 =	vld.idx.msk [tilespmem:v28+s4+$0x0], $0xffff  }
0x300: {  	v24 =	vadd.f32 v24, v26;
	v26 =	vld.idx.msk [tilespmem:v31+s4+$0x0], $0xffff;
	[tilespmem:s28+$0x0] =	vst v21  }
0x301: {  	v21 =	vor.u32 s20, v11;
	v25 =	vadd.f32 v32, v25;
	v29 =	vld.idx.msk [tilespmem:v39+s4+$0x0], $0xffff  }
0x302: {  	v22 =	vadd.f32 v22, v24;
	v24 =	vld.idx.msk [tilespmem:v27+s4+$0x0], $0xffff  }
0x303: {  	v27 =	vor.u32 s20, v12;
	v25 =	vadd.f32 v30, v25;
	v30 =	vld.idx.msk [tilespmem:v41+s4+$0x0], $0xffff  }
0x304: {  	v22 =	vadd.f32 v23, v22;
	v23 =	vld.idx.msk [tilespmem:v33+s4+$0x0], $0xffff  }
0x305: {  	v31 =	vor.u32 s20, v13;
	v25 =	vadd.f32 v28, v25;
	v32 =	vld.idx.msk [tilespmem:v42+s4+$0x0], $0xffff  }
0x306: {  	v26 =	vadd.f32 v26, v22;
	v33 =	vld.idx.msk [tilespmem:v21+s4+$0x0], $0xffff  }
0x307: {  	v34 =	vor.u32 s20, v14;
	v21 =	vadd.f32 v29, v25;
	v22 =	vld.idx.msk [tilespmem:v43+s4+$0x0], $0xffff  }
.Ltmp7:
0x308: {  	v24 =	vadd.f32 v24, v26;
	v25 =	vld.idx.msk [tilespmem:v27+s4+$0x0], $0xffff;
	(pc) =	sbr.rel @p0 .LBB2_16-.Ltmp7, $4  }
0x309: {  	v29 =	vor.u32 s20, v15;
	v27 =	vadd.f32 v30, v21;
	v21 =	vld.idx.msk [tilespmem:v44+s4+$0x0], $0xffff  }
0x30a: {  	v30 =	vadd.f32 v23, v24;
	v26 =	vld.idx.msk [tilespmem:v31+s4+$0x0], $0xffff  }
0x30b: {  	v28 =	vor.u32 s20, v16;
	v24 =	vadd.f32 v32, v27;
	v23 =	vld.idx.msk [tilespmem:v46+s4+$0x0], $0xffff  }
0x30c: {  	s18 =	sadd.s32 $0x200, s18;
	v30 =	vadd.f32 v33, v30;
	v27 =	vld.idx.msk [tilespmem:v34+s4+$0x0], $0xffff  }
0x30d: {  	_ =	sdelay $0x2  }
0x30e: {  	v22 =	vadd.f32 v22, v24  }
0x30f: {  	v20 =	vld.idx.msk [tilespmem:v20+s4+$0x0], $0xffff;
	v59 =	vadd.f32 v25, v30  }
0x310: {  	v60 =	vld.idx.msk [tilespmem:v29+s4+$0x0], $0xffff;
	v21 =	vadd.f32 v21, v22  }
0x311: {  	v19 =	vld.idx.msk [tilespmem:v19+s4+$0x0], $0xffff;
	v61 =	vadd.f32 v26, v59  }
0x312: {  	v62 =	vld.idx.msk [tilespmem:v28+s4+$0x0], $0xffff;
	v21 =	vadd.f32 v23, v21  }
0x313: {  	v18 =	vld.idx.msk [tilespmem:v18+s4+$0x0], $0xffff;
	v22 =	vadd.f32 v27, v61  }
0x314: {  	v20 =	vadd.f32 v20, v21  }
0x315: {  	v63 =	vadd.f32 v60, v22  }
0x316: {  	v19 =	vadd.f32 v19, v20  }
0x317: {  	v20 =	vadd.f32 v62, v63  }
0x318: {  	s18 =	sadd.s32 $0x20, s28;
	v18 =	vadd.f32 v18, v19  }
0x319: {  	[tilespmem:s18+$0xFFFFFFF0] =	vst v20  }
0x31a: {  	[tilespmem:s18+$0x0] =	vst v18  }
0x31b: {  	_ =	swait.ge [sflag:s17], $0x80  }
0x31c: {  	[sflag:s17] =	ssyncset.done $0x0  }
0x31d: {  	[sflag:s17] =	ssyncadd.s32 $0xFFFFFF80  }
0x31e: {  	_ =	swait.ge [sflag:s19], $0x80  }
0x31f: {  	[sflag:s19] =	ssyncset.done $0x0  }
0x320: {  	[sflag:s19] =	ssyncadd.s32 $0xFFFFFF80  }
0x321: {  	_ =	swait.ge [sflag:s17], $0x80  }
0x322: {  	[sflag:s17] =	ssyncset.done $0x0  }
0x323: {  	[sflag:s17] =	ssyncadd.s32 $0xFFFFFF80  }
0x324: {  	_ =	swait.ge [sflag:s19], $0x80  }
0x325: {  	[sflag:s19] =	ssyncset.done $0x0  }
0x326: {  	[sflag:s19] =	ssyncadd.s32 $0xFFFFFF80  }
0x327: {  	_ =	swait.ge [sflag:s17], $0x80  }
0x328: {  	[sflag:s17] =	ssyncset.done $0x0  }
0x329: {  	[sflag:s17] =	ssyncadd.s32 $0xFFFFFF80  }
0x32a: {  	_ =	swait.ge [sflag:s19], $0x80  }
0x32b: {  	[sflag:s19] =	ssyncset.done $0x0  }
0x32c: {  	[sflag:s19] =	ssyncadd.s32 $0xFFFFFF80  }
0x32d: {  	_ =	swait.ge [sflag:s17], $0x80  }
0x32e: {  	[sflag:s17] =	ssyncset.done $0x0  }
0x32f: {  	[sflag:s17] =	ssyncadd.s32 $0xFFFFFF80  }
0x330: {  	_ =	swait.ge [sflag:s19], $0x80  }
0x331: {  	[sflag:s19] =	ssyncset.done $0x0  }
0x332: {  	s18 =	simm.s32 $0x0;
	[sflag:s19] =	ssyncadd.s32 $0xFFFFFF80  }
0x333: {  	s20 =	simm.s32 $0x40;
	v18 =	vld [tilespmem:s18+$0x10E00]  }
.LBB2_18:
0x334: {  	p0 =	sne.s32 s20, $0x7C0;
	v19 =	vld [tilespmem:s18+$0x10C00];
	_ =	sdelay $0x1  }
0x335: {  	v20 =	vld [tilespmem:s18+$0x11000];
	_ =	sdelay $0x2  }
.Ltmp8:
0x336: {  	v18 =	vadd.f32 v18, v19;
	(pc) =	sbr.rel @p0 .LBB2_18-.Ltmp8, $4  }
0x337: {  	_ = 	snop  }
0x338: {  	v19 =	vadd.f32 v20, v18  }
0x339: {  	s21 =	sshra.s32 s20, $0x2  }
0x33a: {  	s20 =	sadd.s32 $0x40, s20;
	v18 =	vld [tilespmem:s21+$0x10E00];
	[tilespmem:s18+$0x10C00] =	vst v19;
	s18 =	smov.u32 s21  }
0x33b: {  	v19 =	vld [tilespmem:s18+$0x10C00];
	_ =	sdelay $0x1  }
0x33c: {  	v20 =	vld [tilespmem:s18+$0x11000];
	_ =	sdelay $0x2  }
0x33d: {  	v18 =	vadd.f32 v18, v19;
	_ =	sdelay $0x1  }
0x33e: {  	s25 =	sadd.s32 $0x1, s25;
	v18 =	vadd.f32 v20, v18  }
0x33f: {  	p0 =	sne.s32 s25, s10  }
.Ltmp9:
0x340: {  	s28 =	simm.s32 $0x10C00;
	[tilespmem:s18+$0x10C00] =	vst v18;
	(pc) =	sbr.rel @p0 .LBB2_1-.Ltmp9, $4  }
0x341: {  	[hbm4b:s9+s5] =	stream.linear.scatter [tilespmem:s28], [sflag:$0x7], $0x200, $0x38;
	[tilespmem:$0x11200] =	vst v63  }
0x342: {  	_ =	swait.ge [sflag:s23], $0x200  }
0x343: {  	[sflag:s23] =	ssyncset.done $0x0  }
0x344: {  	[sflag:s23] =	ssyncadd.s32 $0xFFFFFE00  }
0x345: {  	_ =	sfence.sel $0x180000  }
0x346: {  	[bflag:$0x0] =	sbarrier.arrive $0xFFFF  }
0x347: {  	_ =	strace $0x90000047  }
0x348: {  	s0 =	stileid.u32;
	[bflag:$0x2] =	sbarrier.arrive $0xFFFF  }
0x349: {  	p0 =	sne.s32 s0, $0x0;
	s0 =	rddreg [dreg:$0x5]  }
0x34a: {  	s0 =	sadd.s32 @!p0 $0x100000, s0  }
0x34b: {  	[sflag:s0] =	ssyncadd.tile.s32 @!p0 $0x1;
	_ =	shalt  }
.Lfunc_end2:
_tile_overlayer_lowered:
.L_overlay_start_2:
0x34c: {  	(tag) =	ssettag $0x2  }
0x34d: {  	s0 =	rddreg [dreg:$0x0];
	s2 =	stileid.u32  }
0x34e: {  	s1 =	rddreg [dreg:$0x1];
	p0 =	sne.s32 s2, $0x0  }
0x34f: {  	s3 =	rddreg [dreg:$0x2];
	[bflag:$0x3] =	sbarrier.arrive $0xFFFF;
	s2 =	simm.s32 @!p0 $0x1C07  }
0x350: {  	[timem:s3], [sflag:s2] =	dma.local @!p0 [hbm:s0], s1  }
0x351: {  	s0 =	simm.s32 @!p0 $0x7  }
0x352: {  	_ =	swait.ge @!p0 [sflag:s0], s1  }
0x353: {  	s1 =	ssub.s32 @!p0 $0x0, s1;
	[sflag:s0] =	ssyncset.done @!p0 $0x0  }
0x354: {  	[sflag:s0] =	ssyncadd.s32 @!p0 s1  }
0x355: {  	[bflag:$0x3] =	sbarrier.arrive $0xFFFF  }
0x356: {  	_ =	shalt  }

</sc_bundles>
